<compile_context>
chip_gen: v7x
topology: tpu7x:2x2x1
jax: 0.10.2.dev20260603
libtpu: 0.0.44.dev20260713+nightly
codegen_flags: <defaults>
</compile_context>

<pallas_src>
import functools

import jax
import jax.numpy as jnp
import numpy as np
from jax import lax
from jax.experimental import pallas as pl
from jax.experimental.pallas import tpu as pltpu
from jax.experimental.pallas import tpu_sc as plsc

NC = 2
NS = 16
LANES = 16
EDGE_BATCH = 128
ROWS_BLK = 512


def _node_mlp_body(x_ref, winT_ref, waT_ref, wbT_ref, bin_ref, b1_ref,
                   a_ref, b_ref):
    d2 = a_ref.shape[2]
    h = jnp.maximum(
        jnp.dot(x_ref[...], winT_ref[...], preferred_element_type=jnp.float32)
        + bin_ref[...], 0.0)
    a = jnp.dot(h, waT_ref[...], preferred_element_type=jnp.float32) \
        + b1_ref[...]
    b = jnp.dot(h, wbT_ref[...], preferred_element_type=jnp.float32)
    a_ref[0] = a[:, :d2]
    a_ref[1] = a[:, d2:]
    b_ref[0] = b[:, :d2]
    b_ref[1] = b[:, d2:]


def _out_body(s_ref, dcol_ref, w2T_ref, b2_ref, wcT_ref, bc_ref, o_ref):
    d2 = s_ref.shape[2]
    agg = (jnp.dot(s_ref[0], w2T_ref[:d2, :],
                   preferred_element_type=jnp.float32)
           + jnp.dot(s_ref[1], w2T_ref[d2:, :],
                     preferred_element_type=jnp.float32)
           + dcol_ref[:, 0:1] * b2_ref[...])
    h2 = jnp.maximum(agg, 0.0)
    o_ref[...] = jnp.dot(h2, wcT_ref[...],
                         preferred_element_type=jnp.float32) + bc_ref[...]


@functools.partial(jax.jit, static_argnums=(4, 5))
def _edge_accumulate(a_tab, b_tab, src, dst, n_pad, e_pad):
    d2 = a_tab.shape[1]
    n_sl = d2 // LANES
    e_per_sub = e_pad // NS
    n_batches = e_per_sub // EDGE_BATCH
    rows_per_sub = n_pad // NS
    mesh = plsc.VectorSubcoreMesh(core_axis_name="c", subcore_axis_name="s",
                                  num_cores=NC, num_subcores=NS)

    @functools.partial(
        pl.kernel,
        out_type=(
            jax.ShapeDtypeStruct((NC, n_pad, d2), jnp.float32),
            jax.ShapeDtypeStruct((n_pad, LANES), jnp.float32),
        ),
        mesh=mesh,
        compiler_params=pltpu.CompilerParams(use_tc_tiling_on_sc=False),
    scratch_types=[
            pltpu.VMEM((2, EDGE_BATCH), jnp.int32),
            pltpu.VMEM((2, EDGE_BATCH), jnp.int32),
            pltpu.VMEM((2, EDGE_BATCH), jnp.int32),
            pltpu.VMEM((2, EDGE_BATCH), jnp.int32),
            pltpu.VMEM((2, EDGE_BATCH), jnp.int32),
            pltpu.VMEM((2, EDGE_BATCH, 64), jnp.float32),
            pltpu.VMEM((2, EDGE_BATCH, 64), jnp.float32),
            pltpu.VMEM((2, EDGE_BATCH, 64), jnp.float32),
            pltpu.VMEM((EDGE_BATCH, LANES), jnp.float32),
            pltpu.VMEM((EDGE_BATCH, LANES), jnp.float32),
            pltpu.VMEM((EDGE_BATCH, 64), jnp.float32),
            pltpu.VMEM_SHARED((n_pad, 64), jnp.float32),
            pltpu.VMEM_SHARED((n_pad, LANES), jnp.float32),
            [pltpu.SemaphoreType.DMA] * 2,
            [pltpu.SemaphoreType.DMA] * 2,
            [pltpu.SemaphoreType.DMA] * 2,
            [pltpu.SemaphoreType.DMA] * 2,
            [pltpu.SemaphoreType.DMA] * 2,
        ],
    )
    def edge_kernel(a_hbm, b_hbm, src_hbm, dst_hbm, s_out, deg_out,
                    raw_s2, raw_d2, idx_sg2, idx_d2, idx_dg2,
                    arows2, brows2, crows2, ones_v, zeros16, zeros64,
                    s_sh, deg_sh, sem_i, sem_a, sem_b, sem_s, sem_d):
        cid = lax.axis_index("c")
        sid = lax.axis_index("s")
        one = jnp.ones((LANES,), jnp.float32)
        zero = jnp.zeros((LANES,), jnp.float32)
        off = jnp.full((LANES,), cid * n_pad, jnp.int32)

        def fill_body(r, c):
            ones_v[r, :] = one
            zeros16[r, :] = zero
            for j in range(n_sl):
                zeros64[r, pl.ds(j * LANES, LANES)] = zero
            return c
        lax.fori_loop(0, EDGE_BATCH, fill_body, 0)

        for k in range(rows_per_sub // EDGE_BATCH):
            r0 = sid * rows_per_sub + k * EDGE_BATCH
            pltpu.sync_copy(zeros64, s_sh.at[pl.ds(r0, EDGE_BATCH)])
            pltpu.sync_copy(zeros16, deg_sh.at[pl.ds(r0, EDGE_BATCH)])

        plsc.subcore_barrier()

        base = sid * e_per_sub

        def fire_idx(u, b):
            eoff = base + u * EDGE_BATCH
            pltpu.async_copy(src_hbm.at[pl.ds(eoff, EDGE_BATCH)],
                             raw_s2.at[b], sem_i[b])
            pltpu.async_copy(dst_hbm.at[pl.ds(eoff, EDGE_BATCH)],
                             raw_d2.at[b], sem_i[b])

        def wait_idx(u, b):
            eoff = base + u * EDGE_BATCH
            pltpu.make_async_copy(src_hbm.at[pl.ds(eoff, EDGE_BATCH)],
                                  raw_s2.at[b], sem_i[b]).wait()
            pltpu.make_async_copy(dst_hbm.at[pl.ds(eoff, EDGE_BATCH)],
                                  raw_d2.at[b], sem_i[b]).wait()

        def stage_load(u, b):
            wait_idx(u, b)
            for j in range(EDGE_BATCH // LANES):
                sj = pl.ds(j * LANES, LANES)
                s16 = raw_s2[b, sj]
                d16 = raw_d2[b, sj]
                idx_sg2[b, sj] = s16 + off
                idx_d2[b, sj] = d16
                idx_dg2[b, sj] = d16 + off
            h = EDGE_BATCH // 2
            pltpu.async_copy(a_hbm.at[idx_dg2.at[b, pl.ds(0, h)]],
                             arows2.at[b, pl.ds(0, h)], sem_a[b])
            pltpu.async_copy(b_hbm.at[idx_sg2.at[b, pl.ds(0, h)]],
                             brows2.at[b, pl.ds(0, h)], sem_b[b])
            pltpu.async_copy(a_hbm.at[idx_dg2.at[b, pl.ds(h, h)]],
                             arows2.at[b, pl.ds(h, h)], sem_a[b])
            pltpu.async_copy(b_hbm.at[idx_sg2.at[b, pl.ds(h, h)]],
                             brows2.at[b, pl.ds(h, h)], sem_b[b])

        def drain_scatter(b):
            pltpu.make_async_copy(crows2.at[b], s_sh.at[idx_d2.at[b]],
                                  sem_s[b]).wait()

            @pl.when(cid == 0)
            def _():
                pltpu.make_async_copy(ones_v, deg_sh.at[idx_d2.at[b]],
                                      sem_d[b]).wait()

        fire_idx(0, 0)
        fire_idx(1, 1)
        stage_load(0, 0)

        def pair_body(i, c):
            for b in range(2):
                t = 2 * i + b
                u = t + 1
                nb = 1 - b

                @pl.when(t + 2 < n_batches)
                def _():
                    fire_idx(t + 2, b)

                @pl.when(u < n_batches)
                def _():
                    @pl.when(u >= 2)
                    def _():
                        drain_scatter(nb)
                    stage_load(u, nb)

                hh = EDGE_BATCH // 2
                pltpu.make_async_copy(a_hbm.at[idx_dg2.at[b, pl.ds(0, hh)]],
                                      arows2.at[b, pl.ds(0, hh)],
                                      sem_a[b]).wait()
                pltpu.make_async_copy(a_hbm.at[idx_dg2.at[b, pl.ds(hh, hh)]],
                                      arows2.at[b, pl.ds(hh, hh)],
                                      sem_a[b]).wait()
                pltpu.make_async_copy(b_hbm.at[idx_sg2.at[b, pl.ds(0, hh)]],
                                      brows2.at[b, pl.ds(0, hh)],
                                      sem_b[b]).wait()
                pltpu.make_async_copy(b_hbm.at[idx_sg2.at[b, pl.ds(hh, hh)]],
                                      brows2.at[b, pl.ds(hh, hh)],
                                      sem_b[b]).wait()

                def row_body(r, cc):
                    for j in range(n_sl):
                        sl = pl.ds(j * LANES, LANES)
                        crows2[b, r, sl] = jnp.maximum(
                            arows2[b, r, sl] + brows2[b, r, sl], 0.0)
                    return cc
                lax.fori_loop(0, EDGE_BATCH, row_body, 0)

                pltpu.async_copy(crows2.at[b], s_sh.at[idx_d2.at[b]],
                                 sem_s[b], add=True)

                @pl.when(cid == 0)
                def _():
                    pltpu.async_copy(ones_v, deg_sh.at[idx_d2.at[b]],
                                     sem_d[b], add=True)
            return c
        lax.fori_loop(0, n_batches // 2, pair_body, 0)
        drain_scatter(0)
        drain_scatter(1)
        plsc.subcore_barrier()

        r0 = sid * rows_per_sub
        pltpu.sync_copy(s_sh.at[pl.ds(r0, rows_per_sub)],
                        s_out.at[cid, pl.ds(r0, rows_per_sub)])

        @pl.when(cid == 0)
        def _():
            pltpu.sync_copy(deg_sh.at[pl.ds(r0, rows_per_sub)],
                            deg_out.at[pl.ds(r0, rows_per_sub)])

    return edge_kernel(a_tab, b_tab, src, dst)


def kernel(x, edge_index, W_in, b_in, W1, b1, W2, b2, W_cls, b_cls):
    n, d_in = x.shape
    e = edge_index.shape[1]
    d = W_in.shape[0]
    d2 = d // 2
    d_out = W_cls.shape[0]

    slab = NS * EDGE_BATCH
    n_pad = ((n + 1 + slab - 1) // slab) * slab
    e_blk = 2 * NS * EDGE_BATCH
    e_pad = ((e + e_blk - 1) // e_blk) * e_blk

    ei = edge_index.astype(jnp.int32)
    pad_e = e_pad - e
    src = jnp.concatenate([ei[0], jnp.zeros((pad_e,), jnp.int32)])
    dst = jnp.concatenate([ei[1], jnp.full((pad_e,), n, jnp.int32)])

    winT = W_in.T
    waT = W1[:, :d].T
    wbT = W1[:, d:].T
    w2T = W2.T
    wcT = jnp.pad(W_cls.T, ((0, 0), (0, d - d_out)))
    bc_pad = jnp.pad(b_cls, (0, d - d_out)).reshape(1, d)
    bin2 = b_in.reshape(1, d)
    b1_2 = b1.reshape(1, d)
    b2_2 = b2.reshape(1, d)

    grid = n_pad // ROWS_BLK
    a_tab, b_tab = pl.pallas_call(
        _node_mlp_body,
        grid=(grid,),
        in_specs=[
            pl.BlockSpec((ROWS_BLK, d_in), lambda i: (i, 0)),
            pl.BlockSpec((d_in, d), lambda i: (0, 0)),
            pl.BlockSpec((d, d), lambda i: (0, 0)),
            pl.BlockSpec((d, d), lambda i: (0, 0)),
            pl.BlockSpec((1, d), lambda i: (0, 0)),
            pl.BlockSpec((1, d), lambda i: (0, 0)),
        ],
        out_specs=[
            pl.BlockSpec((NC, ROWS_BLK, d2), lambda i: (0, i, 0)),
            pl.BlockSpec((NC, ROWS_BLK, d2), lambda i: (0, i, 0)),
        ],
        out_shape=[
            jax.ShapeDtypeStruct((NC, n_pad, d2), jnp.float32),
            jax.ShapeDtypeStruct((NC, n_pad, d2), jnp.float32),
        ],
    )(x, winT, waT, wbT, bin2, b1_2)

    a_tab = a_tab.reshape(NC * n_pad, d2)
    b_tab = b_tab.reshape(NC * n_pad, d2)

    s_out, deg_out = _edge_accumulate(a_tab, b_tab, src, dst, n_pad, e_pad)

    o_full = pl.pallas_call(
        _out_body,
        grid=(grid,),
        in_specs=[
            pl.BlockSpec((NC, ROWS_BLK, d2), lambda i: (0, i, 0)),
            pl.BlockSpec((ROWS_BLK, LANES), lambda i: (i, 0)),
            pl.BlockSpec((d, d), lambda i: (0, 0)),
            pl.BlockSpec((1, d), lambda i: (0, 0)),
            pl.BlockSpec((d, d), lambda i: (0, 0)),
            pl.BlockSpec((1, d), lambda i: (0, 0)),
        ],
        out_specs=pl.BlockSpec((ROWS_BLK, d), lambda i: (i, 0)),
        out_shape=jax.ShapeDtypeStruct((n_pad, d), jnp.float32),
    )(s_out, deg_out, w2T, b2_2, wcT, bc_pad)

    return o_full[:n, :d_out]

# --- scband reference (transcript-rebuilt; emitter-appended) ---
"""Pipeline reference for scband-consis-gad-46377056862940 (READ-ONLY COPY).

The authoritative reference and input builder live on the scoring server;
editing this copy changes nothing except your own understanding.
"""

import jax, jax.numpy as jnp
import numpy as np

N_NODES = 10000
N_EDGES = 320000
D_IN = 128
D_HID = 128
D_OUT = 2


def setup_inputs(seed: int = 0) -> dict:
    key = jax.random.key(seed)
    ks = jax.random.split(key, 12)
    x = jax.random.normal(ks[0], (N_NODES, D_IN), dtype=jnp.float32)
    edge_index = jax.random.randint(ks[1], (2, N_EDGES), 0, N_NODES, dtype=jnp.int64)
    # lin_in: Linear(input_dim -> hidden_dim)
    W_in = jax.random.normal(ks[2], (D_HID, D_IN), dtype=jnp.float32) * 0.05
    b_in = jnp.zeros((D_HID,), dtype=jnp.float32)
    # conv.mlp: Linear(2*hidden -> hidden), ReLU, Linear(hidden -> hidden)
    W1 = jax.random.normal(ks[3], (D_HID, 2 * D_HID), dtype=jnp.float32) * 0.05
    b1 = jnp.zeros((D_HID,), dtype=jnp.float32)
    W2 = jax.random.normal(ks[4], (D_HID, D_HID), dtype=jnp.float32) * 0.05
    b2 = jnp.zeros((D_HID,), dtype=jnp.float32)
    # classifier: Linear(hidden -> output)
    W_cls = jax.random.normal(ks[5], (D_OUT, D_HID), dtype=jnp.float32) * 0.05
    b_cls = jnp.zeros((D_OUT,), dtype=jnp.float32)
    return {
        "x": x,
        "edge_index": edge_index,
        "W_in": W_in,
        "b_in": b_in,
        "W1": W1,
        "b1": b1,
        "W2": W2,
        "b2": b2,
        "W_cls": W_cls,
        "b_cls": b_cls,
    }


def reference(x, edge_index, W_in, b_in, W1, b1, W2, b2, W_cls, b_cls):
    # ConsisGAD.forward(data, augment=False), eval mode (dropout is identity)
    # get_embedding: h = relu(lin_in(x)); h = conv(h, edge_index)
    h = jax.nn.relu(x @ W_in.T + b_in)
    src = edge_index[0]  # x_j (source / neighbor)
    dst = edge_index[1]  # x_i (target / center), aggregation destination
    x_i = jnp.take(h, dst, axis=0)
    x_j = jnp.take(h, src, axis=0)
    cat_feat = jnp.concatenate([x_i, x_j], axis=1)
    msg = jax.nn.relu(cat_feat @ W1.T + b1) @ W2.T + b2
    agg = jax.ops.segment_sum(msg, dst, num_segments=N_NODES)
    h2 = jax.nn.relu(agg)
    out = h2 @ W_cls.T + b_cls
    return out

if __name__ == "__main__":
    import jax
    _d = setup_inputs()
    print(jax.jit(kernel)(*tuple(_d.values())))

</pallas_src>

<mosaic_0001>
#map = affine_map<(d0, d1) -> (0, 0)>
#map1 = affine_map<(d0, d1) -> (0)>
#map2 = affine_map<(d0, d1) -> (0, 0, 0)>
module attributes {stable_mosaic.version = 14 : i64} {
  func.func @edge_kernel(%arg0: i32, %arg1: i32, %arg2: memref<20480x64xf32, #tpu.memory_space<hbm>>, %arg3: memref<20480x64xf32, #tpu.memory_space<hbm>>, %arg4: memref<323584xi32, #tpu.memory_space<hbm>>, %arg5: memref<323584xi32, #tpu.memory_space<hbm>>, %arg6: memref<2x10240x64xf32, #tpu.memory_space<hbm>>, %arg7: memref<10240x16xf32, #tpu.memory_space<hbm>>, %arg8: memref<2x128xi32, #tpu.memory_space<vmem>>, %arg9: memref<2x128xi32, #tpu.memory_space<vmem>>, %arg10: memref<2x128xi32, #tpu.memory_space<vmem>>, %arg11: memref<2x128xi32, #tpu.memory_space<vmem>>, %arg12: memref<2x128xi32, #tpu.memory_space<vmem>>, %arg13: memref<2x128x64xf32, #tpu.memory_space<vmem>>, %arg14: memref<2x128x64xf32, #tpu.memory_space<vmem>>, %arg15: memref<2x128x64xf32, #tpu.memory_space<vmem>>, %arg16: memref<128x16xf32, #tpu.memory_space<vmem>>, %arg17: memref<128x16xf32, #tpu.memory_space<vmem>>, %arg18: memref<128x64xf32, #tpu.memory_space<vmem>>, %arg19: memref<10240x64xf32, #tpu.memory_space<vmem_shared>>, %arg20: memref<10240x16xf32, #tpu.memory_space<vmem_shared>>, %arg21: memref<!tpu.dma_semaphore, #tpu.memory_space<semaphore_mem>>, %arg22: memref<!tpu.dma_semaphore, #tpu.memory_space<semaphore_mem>>, %arg23: memref<!tpu.dma_semaphore, #tpu.memory_space<semaphore_mem>>, %arg24: memref<!tpu.dma_semaphore, #tpu.memory_space<semaphore_mem>>, %arg25: memref<!tpu.dma_semaphore, #tpu.memory_space<semaphore_mem>>, %arg26: memref<!tpu.dma_semaphore, #tpu.memory_space<semaphore_mem>>, %arg27: memref<!tpu.dma_semaphore, #tpu.memory_space<semaphore_mem>>, %arg28: memref<!tpu.dma_semaphore, #tpu.memory_space<semaphore_mem>>, %arg29: memref<!tpu.dma_semaphore, #tpu.memory_space<semaphore_mem>>, %arg30: memref<!tpu.dma_semaphore, #tpu.memory_space<semaphore_mem>>) attributes {dimension_semantics = [#tpu.dimension_semantics<core_parallel>, #tpu.dimension_semantics<subcore_parallel>], iteration_bounds = array<i64: 2, 16>, scalar_prefetch = 0 : i64, scratch_operands = 23 : i64, tpu.core_type = #tpu.core_type<sc_vector_subcore>, window_params = [{transform_indices = #map}, {transform_indices = #map}, {transform_indices = #map1}, {transform_indices = #map1}, {transform_indices = #map2}, {transform_indices = #map}]} {
    %broadcast_in_dim3A = arith.constant 1.000000e+00 : f32
    %broadcast_in_dim3A_0 = vector.broadcast %broadcast_in_dim3A : f32 to vector<16xf32>
    %broadcast_in_dim3A_1 = arith.constant 0.000000e+00 : f32
    %broadcast_in_dim3A_2 = vector.broadcast %broadcast_in_dim3A_1 : f32 to vector<16xf32>
    %mul3A = arith.constant 10240 : i32
    %mul3A_3 = arith.muli %arg0, %mul3A : i32
    %broadcast_in_dim3A_4 = vector.broadcast %mul3A_3 : i32 to vector<16xi32>
    %scan3A = arith.constant 0 : i32
    %scan3A_5 = arith.constant 0 : i32
    %scan3A_6 = arith.constant 128 : i32
    %scan3A_7 = arith.addi %scan3A_5, %scan3A_6 : i32
    %scan3A_8 = arith.constant 1 : i32
    scf.for %scan3A_420 = %scan3A_5 to %scan3A_7 step %scan3A_8  : i32 {
      %swap3A_421 = arith.index_cast %scan3A_420 : i32 to index
      %swap3A_422 = arith.constant 0 : index
      %swap3A_423 = tpu.vector_load %arg16[%swap3A_421, %swap3A_422] {strides = array<i32>} : memref<128x16xf32, #tpu.memory_space<vmem>>, vector<1x16xf32>,
      %swap3A_424 = vector.shape_cast %swap3A_423 : vector<1x16xf32> to vector<16xf32>
      %swap3A_425 = vector.shape_cast %broadcast_in_dim3A_0 : vector<16xf32> to vector<1x16xf32>
      tpu.vector_store %arg16[%swap3A_421, %swap3A_422], %swap3A_425 {strides = array<i32>} : memref<128x16xf32, #tpu.memory_space<vmem>>, vector<1x16xf32>,
      %swap3A_426 = arith.index_cast %scan3A_420 : i32 to index
      %swap3A_427 = arith.constant 0 : index
      %swap3A_428 = tpu.vector_load %arg17[%swap3A_426, %swap3A_427] {strides = array<i32>} : memref<128x16xf32, #tpu.memory_space<vmem>>, vector<1x16xf32>,
      %swap3A_429 = vector.shape_cast %swap3A_428 : vector<1x16xf32> to vector<16xf32>
      %swap3A_430 = vector.shape_cast %broadcast_in_dim3A_2 : vector<16xf32> to vector<1x16xf32>
      tpu.vector_store %arg17[%swap3A_426, %swap3A_427], %swap3A_430 {strides = array<i32>} : memref<128x16xf32, #tpu.memory_space<vmem>>, vector<1x16xf32>,
      %swap3A_431 = arith.index_cast %scan3A_420 : i32 to index
      %swap3A_432 = arith.constant 0 : index
      %swap3A_433 = tpu.vector_load %arg18[%swap3A_431, %swap3A_432] {strides = array<i32>} : memref<128x64xf32, #tpu.memory_space<vmem>>, vector<1x16xf32>,
      %swap3A_434 = vector.shape_cast %swap3A_433 : vector<1x16xf32> to vector<16xf32>
      %swap3A_435 = vector.shape_cast %broadcast_in_dim3A_2 : vector<16xf32> to vector<1x16xf32>
      tpu.vector_store %arg18[%swap3A_431, %swap3A_432], %swap3A_435 {strides = array<i32>} : memref<128x64xf32, #tpu.memory_space<vmem>>, vector<1x16xf32>,
      %swap3A_436 = arith.index_cast %scan3A_420 : i32 to index
      %swap3A_437 = arith.constant 16 : index
      %swap3A_438 = tpu.vector_load %arg18[%swap3A_436, %swap3A_437] {strides = array<i32>} : memref<128x64xf32, #tpu.memory_space<vmem>>, vector<1x16xf32>,
      %swap3A_439 = vector.shape_cast %swap3A_438 : vector<1x16xf32> to vector<16xf32>
      %swap3A_440 = vector.shape_cast %broadcast_in_dim3A_2 : vector<16xf32> to vector<1x16xf32>
      tpu.vector_store %arg18[%swap3A_436, %swap3A_437], %swap3A_440 {strides = array<i32>} : memref<128x64xf32, #tpu.memory_space<vmem>>, vector<1x16xf32>,
      %swap3A_441 = arith.index_cast %scan3A_420 : i32 to index
      %swap3A_442 = arith.constant 32 : index
      %swap3A_443 = tpu.vector_load %arg18[%swap3A_441, %swap3A_442] {strides = array<i32>} : memref<128x64xf32, #tpu.memory_space<vmem>>, vector<1x16xf32>,
      %swap3A_444 = vector.shape_cast %swap3A_443 : vector<1x16xf32> to vector<16xf32>
      %swap3A_445 = vector.shape_cast %broadcast_in_dim3A_2 : vector<16xf32> to vector<1x16xf32>
      tpu.vector_store %arg18[%swap3A_441, %swap3A_442], %swap3A_445 {strides = array<i32>} : memref<128x64xf32, #tpu.memory_space<vmem>>, vector<1x16xf32>,
      %swap3A_446 = arith.index_cast %scan3A_420 : i32 to index
      %swap3A_447 = arith.constant 48 : index
      %swap3A_448 = tpu.vector_load %arg18[%swap3A_446, %swap3A_447] {strides = array<i32>} : memref<128x64xf32, #tpu.memory_space<vmem>>, vector<1x16xf32>,
      %swap3A_449 = vector.shape_cast %swap3A_448 : vector<1x16xf32> to vector<16xf32>
      %swap3A_450 = vector.shape_cast %broadcast_in_dim3A_2 : vector<16xf32> to vector<1x16xf32>
      tpu.vector_store %arg18[%swap3A_446, %swap3A_447], %swap3A_450 {strides = array<i32>} : memref<128x64xf32, #tpu.memory_space<vmem>>, vector<1x16xf32>,
    }
    %scan3A_9 = arith.constant 128 : i32
    %mul3A_10 = arith.constant 640 : i32
    %mul3A_11 = arith.muli %arg1, %mul3A_10 : i32
    %add3A = arith.constant 0 : i32
    %add3A_12 = arith.addi %mul3A_11, %add3A : i32
    "tpu.region"() ({
      %run_scoped3A = tpu.sem_alloc : memref<!tpu.dma_semaphore, #tpu.memory_space<semaphore_mem>>
      %dma_start3A_420 = arith.constant 0 : i32
      %dma_start3A_421 = tpu.memref_slice %arg19[%add3A_12, %dma_start3A_420] : memref<10240x64xf32, #tpu.memory_space<vmem_shared>> -> memref<128x64xf32, #tpu.memory_space<vmem_shared>>
      %dma_start3A_422 = arith.constant 0 : i32
      %dma_start3A_423 = tpu.memref_slice %arg19[%add3A_12, %dma_start3A_422] : memref<10240x64xf32, #tpu.memory_space<vmem_shared>> -> memref<128x64xf32, #tpu.memory_space<vmem_shared>>
      tpu.enqueue_dma source(%arg18 : memref<128x64xf32, #tpu.memory_space<vmem>>) target(%dma_start3A_423 : memref<128x64xf32, #tpu.memory_space<vmem_shared>>) target_semaphore(%run_scoped3A : memref<!tpu.dma_semaphore, #tpu.memory_space<semaphore_mem>>)
      %dma_wait3A_424 = arith.constant 0 : i32
      %dma_wait3A_425 = tpu.memref_slice %arg19[%add3A_12, %dma_wait3A_424] : memref<10240x64xf32, #tpu.memory_space<vmem_shared>> -> memref<128x64xf32, #tpu.memory_space<vmem_shared>>
      %dma_wait3A_426 = arith.constant 0 : i32
      %dma_wait3A_427 = tpu.memref_slice %arg19[%add3A_12, %dma_wait3A_426] : memref<10240x64xf32, #tpu.memory_space<vmem_shared>> -> memref<128x64xf32, #tpu.memory_space<vmem_shared>>
      tpu.wait_dma2 semaphore(%run_scoped3A : memref<!tpu.dma_semaphore, #tpu.memory_space<semaphore_mem>>) src(%arg18 : memref<128x64xf32, #tpu.memory_space<vmem>>) dst(%dma_wait3A_427 : memref<128x64xf32, #tpu.memory_space<vmem_shared>>)
      tpu.yield
    }) : () -> ()
    "tpu.region"() ({
      %run_scoped3A = tpu.sem_alloc : memref<!tpu.dma_semaphore, #tpu.memory_space<semaphore_mem>>
      %dma_start3A_420 = arith.constant 0 : i32
      %dma_start3A_421 = tpu.memref_slice %arg20[%add3A_12, %dma_start3A_420] : memref<10240x16xf32, #tpu.memory_space<vmem_shared>> -> memref<128x16xf32, #tpu.memory_space<vmem_shared>>
      %dma_start3A_422 = arith.constant 0 : i32
      %dma_start3A_423 = tpu.memref_slice %arg20[%add3A_12, %dma_start3A_422] : memref<10240x16xf32, #tpu.memory_space<vmem_shared>> -> memref<128x16xf32, #tpu.memory_space<vmem_shared>>
      tpu.enqueue_dma source(%arg17 : memref<128x16xf32, #tpu.memory_space<vmem>>) target(%dma_start3A_423 : memref<128x16xf32, #tpu.memory_space<vmem_shared>>) target_semaphore(%run_scoped3A : memref<!tpu.dma_semaphore, #tpu.memory_space<semaphore_mem>>)
      %dma_wait3A_424 = arith.constant 0 : i32
      %dma_wait3A_425 = tpu.memref_slice %arg20[%add3A_12, %dma_wait3A_424] : memref<10240x16xf32, #tpu.memory_space<vmem_shared>> -> memref<128x16xf32, #tpu.memory_space<vmem_shared>>
      %dma_wait3A_426 = arith.constant 0 : i32
      %dma_wait3A_427 = tpu.memref_slice %arg20[%add3A_12, %dma_wait3A_426] : memref<10240x16xf32, #tpu.memory_space<vmem_shared>> -> memref<128x16xf32, #tpu.memory_space<vmem_shared>>
      tpu.wait_dma2 semaphore(%run_scoped3A : memref<!tpu.dma_semaphore, #tpu.memory_space<semaphore_mem>>) src(%arg17 : memref<128x16xf32, #tpu.memory_space<vmem>>) dst(%dma_wait3A_427 : memref<128x16xf32, #tpu.memory_space<vmem_shared>>)
      tpu.yield
    }) : () -> ()
    %mul3A_13 = arith.constant 640 : i32
    %mul3A_14 = arith.muli %arg1, %mul3A_13 : i32
    %add3A_15 = arith.constant 128 : i32
    %add3A_16 = arith.addi %mul3A_14, %add3A_15 : i32
    "tpu.region"() ({
      %run_scoped3A = tpu.sem_alloc : memref<!tpu.dma_semaphore, #tpu.memory_space<semaphore_mem>>
      %dma_start3A_420 = arith.constant 0 : i32
      %dma_start3A_421 = tpu.memref_slice %arg19[%add3A_16, %dma_start3A_420] : memref<10240x64xf32, #tpu.memory_space<vmem_shared>> -> memref<128x64xf32, #tpu.memory_space<vmem_shared>>
      %dma_start3A_422 = arith.constant 0 : i32
      %dma_start3A_423 = tpu.memref_slice %arg19[%add3A_16, %dma_start3A_422] : memref<10240x64xf32, #tpu.memory_space<vmem_shared>> -> memref<128x64xf32, #tpu.memory_space<vmem_shared>>
      tpu.enqueue_dma source(%arg18 : memref<128x64xf32, #tpu.memory_space<vmem>>) target(%dma_start3A_423 : memref<128x64xf32, #tpu.memory_space<vmem_shared>>) target_semaphore(%run_scoped3A : memref<!tpu.dma_semaphore, #tpu.memory_space<semaphore_mem>>)
      %dma_wait3A_424 = arith.constant 0 : i32
      %dma_wait3A_425 = tpu.memref_slice %arg19[%add3A_16, %dma_wait3A_424] : memref<10240x64xf32, #tpu.memory_space<vmem_shared>> -> memref<128x64xf32, #tpu.memory_space<vmem_shared>>
      %dma_wait3A_426 = arith.constant 0 : i32
      %dma_wait3A_427 = tpu.memref_slice %arg19[%add3A_16, %dma_wait3A_426] : memref<10240x64xf32, #tpu.memory_space<vmem_shared>> -> memref<128x64xf32, #tpu.memory_space<vmem_shared>>
      tpu.wait_dma2 semaphore(%run_scoped3A : memref<!tpu.dma_semaphore, #tpu.memory_space<semaphore_mem>>) src(%arg18 : memref<128x64xf32, #tpu.memory_space<vmem>>) dst(%dma_wait3A_427 : memref<128x64xf32, #tpu.memory_space<vmem_shared>>)
      tpu.yield
    }) : () -> ()
    "tpu.region"() ({
      %run_scoped3A = tpu.sem_alloc : memref<!tpu.dma_semaphore, #tpu.memory_space<semaphore_mem>>
      %dma_start3A_420 = arith.constant 0 : i32
      %dma_start3A_421 = tpu.memref_slice %arg20[%add3A_16, %dma_start3A_420] : memref<10240x16xf32, #tpu.memory_space<vmem_shared>> -> memref<128x16xf32, #tpu.memory_space<vmem_shared>>
      %dma_start3A_422 = arith.constant 0 : i32
      %dma_start3A_423 = tpu.memref_slice %arg20[%add3A_16, %dma_start3A_422] : memref<10240x16xf32, #tpu.memory_space<vmem_shared>> -> memref<128x16xf32, #tpu.memory_space<vmem_shared>>
      tpu.enqueue_dma source(%arg17 : memref<128x16xf32, #tpu.memory_space<vmem>>) target(%dma_start3A_423 : memref<128x16xf32, #tpu.memory_space<vmem_shared>>) target_semaphore(%run_scoped3A : memref<!tpu.dma_semaphore, #tpu.memory_space<semaphore_mem>>)
      %dma_wait3A_424 = arith.constant 0 : i32
      %dma_wait3A_425 = tpu.memref_slice %arg20[%add3A_16, %dma_wait3A_424] : memref<10240x16xf32, #tpu.memory_space<vmem_shared>> -> memref<128x16xf32, #tpu.memory_space<vmem_shared>>
      %dma_wait3A_426 = arith.constant 0 : i32
      %dma_wait3A_427 = tpu.memref_slice %arg20[%add3A_16, %dma_wait3A_426] : memref<10240x16xf32, #tpu.memory_space<vmem_shared>> -> memref<128x16xf32, #tpu.memory_space<vmem_shared>>
      tpu.wait_dma2 semaphore(%run_scoped3A : memref<!tpu.dma_semaphore, #tpu.memory_space<semaphore_mem>>) src(%arg17 : memref<128x16xf32, #tpu.memory_space<vmem>>) dst(%dma_wait3A_427 : memref<128x16xf32, #tpu.memory_space<vmem_shared>>)
      tpu.yield
    }) : () -> ()
    %mul3A_17 = arith.constant 640 : i32
    %mul3A_18 = arith.muli %arg1, %mul3A_17 : i32
    %add3A_19 = arith.constant 256 : i32
    %add3A_20 = arith.addi %mul3A_18, %add3A_19 : i32
    "tpu.region"() ({
      %run_scoped3A = tpu.sem_alloc : memref<!tpu.dma_semaphore, #tpu.memory_space<semaphore_mem>>
      %dma_start3A_420 = arith.constant 0 : i32
      %dma_start3A_421 = tpu.memref_slice %arg19[%add3A_20, %dma_start3A_420] : memref<10240x64xf32, #tpu.memory_space<vmem_shared>> -> memref<128x64xf32, #tpu.memory_space<vmem_shared>>
      %dma_start3A_422 = arith.constant 0 : i32
      %dma_start3A_423 = tpu.memref_slice %arg19[%add3A_20, %dma_start3A_422] : memref<10240x64xf32, #tpu.memory_space<vmem_shared>> -> memref<128x64xf32, #tpu.memory_space<vmem_shared>>
      tpu.enqueue_dma source(%arg18 : memref<128x64xf32, #tpu.memory_space<vmem>>) target(%dma_start3A_423 : memref<128x64xf32, #tpu.memory_space<vmem_shared>>) target_semaphore(%run_scoped3A : memref<!tpu.dma_semaphore, #tpu.memory_space<semaphore_mem>>)
      %dma_wait3A_424 = arith.constant 0 : i32
      %dma_wait3A_425 = tpu.memref_slice %arg19[%add3A_20, %dma_wait3A_424] : memref<10240x64xf32, #tpu.memory_space<vmem_shared>> -> memref<128x64xf32, #tpu.memory_space<vmem_shared>>
      %dma_wait3A_426 = arith.constant 0 : i32
      %dma_wait3A_427 = tpu.memref_slice %arg19[%add3A_20, %dma_wait3A_426] : memref<10240x64xf32, #tpu.memory_space<vmem_shared>> -> memref<128x64xf32, #tpu.memory_space<vmem_shared>>
      tpu.wait_dma2 semaphore(%run_scoped3A : memref<!tpu.dma_semaphore, #tpu.memory_space<semaphore_mem>>) src(%arg18 : memref<128x64xf32, #tpu.memory_space<vmem>>) dst(%dma_wait3A_427 : memref<128x64xf32, #tpu.memory_space<vmem_shared>>)
      tpu.yield
    }) : () -> ()
    "tpu.region"() ({
      %run_scoped3A = tpu.sem_alloc : memref<!tpu.dma_semaphore, #tpu.memory_space<semaphore_mem>>
      %dma_start3A_420 = arith.constant 0 : i32
      %dma_start3A_421 = tpu.memref_slice %arg20[%add3A_20, %dma_start3A_420] : memref<10240x16xf32, #tpu.memory_space<vmem_shared>> -> memref<128x16xf32, #tpu.memory_space<vmem_shared>>
      %dma_start3A_422 = arith.constant 0 : i32
      %dma_start3A_423 = tpu.memref_slice %arg20[%add3A_20, %dma_start3A_422] : memref<10240x16xf32, #tpu.memory_space<vmem_shared>> -> memref<128x16xf32, #tpu.memory_space<vmem_shared>>
      tpu.enqueue_dma source(%arg17 : memref<128x16xf32, #tpu.memory_space<vmem>>) target(%dma_start3A_423 : memref<128x16xf32, #tpu.memory_space<vmem_shared>>) target_semaphore(%run_scoped3A : memref<!tpu.dma_semaphore, #tpu.memory_space<semaphore_mem>>)
      %dma_wait3A_424 = arith.constant 0 : i32
      %dma_wait3A_425 = tpu.memref_slice %arg20[%add3A_20, %dma_wait3A_424] : memref<10240x16xf32, #tpu.memory_space<vmem_shared>> -> memref<128x16xf32, #tpu.memory_space<vmem_shared>>
      %dma_wait3A_426 = arith.constant 0 : i32
      %dma_wait3A_427 = tpu.memref_slice %arg20[%add3A_20, %dma_wait3A_426] : memref<10240x16xf32, #tpu.memory_space<vmem_shared>> -> memref<128x16xf32, #tpu.memory_space<vmem_shared>>
      tpu.wait_dma2 semaphore(%run_scoped3A : memref<!tpu.dma_semaphore, #tpu.memory_space<semaphore_mem>>) src(%arg17 : memref<128x16xf32, #tpu.memory_space<vmem>>) dst(%dma_wait3A_427 : memref<128x16xf32, #tpu.memory_space<vmem_shared>>)
      tpu.yield
    }) : () -> ()
    %mul3A_21 = arith.constant 640 : i32
    %mul3A_22 = arith.muli %arg1, %mul3A_21 : i32
    %add3A_23 = arith.constant 384 : i32
    %add3A_24 = arith.addi %mul3A_22, %add3A_23 : i32
    "tpu.region"() ({
      %run_scoped3A = tpu.sem_alloc : memref<!tpu.dma_semaphore, #tpu.memory_space<semaphore_mem>>
      %dma_start3A_420 = arith.constant 0 : i32
      %dma_start3A_421 = tpu.memref_slice %arg19[%add3A_24, %dma_start3A_420] : memref<10240x64xf32, #tpu.memory_space<vmem_shared>> -> memref<128x64xf32, #tpu.memory_space<vmem_shared>>
      %dma_start3A_422 = arith.constant 0 : i32
      %dma_start3A_423 = tpu.memref_slice %arg19[%add3A_24, %dma_start3A_422] : memref<10240x64xf32, #tpu.memory_space<vmem_shared>> -> memref<128x64xf32, #tpu.memory_space<vmem_shared>>
      tpu.enqueue_dma source(%arg18 : memref<128x64xf32, #tpu.memory_space<vmem>>) target(%dma_start3A_423 : memref<128x64xf32, #tpu.memory_space<vmem_shared>>) target_semaphore(%run_scoped3A : memref<!tpu.dma_semaphore, #tpu.memory_space<semaphore_mem>>)
      %dma_wait3A_424 = arith.constant 0 : i32
      %dma_wait3A_425 = tpu.memref_slice %arg19[%add3A_24, %dma_wait3A_424] : memref<10240x64xf32, #tpu.memory_space<vmem_shared>> -> memref<128x64xf32, #tpu.memory_space<vmem_shared>>
      %dma_wait3A_426 = arith.constant 0 : i32
      %dma_wait3A_427 = tpu.memref_slice %arg19[%add3A_24, %dma_wait3A_426] : memref<10240x64xf32, #tpu.memory_space<vmem_shared>> -> memref<128x64xf32, #tpu.memory_space<vmem_shared>>
      tpu.wait_dma2 semaphore(%run_scoped3A : memref<!tpu.dma_semaphore, #tpu.memory_space<semaphore_mem>>) src(%arg18 : memref<128x64xf32, #tpu.memory_space<vmem>>) dst(%dma_wait3A_427 : memref<128x64xf32, #tpu.memory_space<vmem_shared>>)
      tpu.yield
    }) : () -> ()
    "tpu.region"() ({
      %run_scoped3A = tpu.sem_alloc : memref<!tpu.dma_semaphore, #tpu.memory_space<semaphore_mem>>
      %dma_start3A_420 = arith.constant 0 : i32
      %dma_start3A_421 = tpu.memref_slice %arg20[%add3A_24, %dma_start3A_420] : memref<10240x16xf32, #tpu.memory_space<vmem_shared>> -> memref<128x16xf32, #tpu.memory_space<vmem_shared>>
      %dma_start3A_422 = arith.constant 0 : i32
      %dma_start3A_423 = tpu.memref_slice %arg20[%add3A_24, %dma_start3A_422] : memref<10240x16xf32, #tpu.memory_space<vmem_shared>> -> memref<128x16xf32, #tpu.memory_space<vmem_shared>>
      tpu.enqueue_dma source(%arg17 : memref<128x16xf32, #tpu.memory_space<vmem>>) target(%dma_start3A_423 : memref<128x16xf32, #tpu.memory_space<vmem_shared>>) target_semaphore(%run_scoped3A : memref<!tpu.dma_semaphore, #tpu.memory_space<semaphore_mem>>)
      %dma_wait3A_424 = arith.constant 0 : i32
      %dma_wait3A_425 = tpu.memref_slice %arg20[%add3A_24, %dma_wait3A_424] : memref<10240x16xf32, #tpu.memory_space<vmem_shared>> -> memref<128x16xf32, #tpu.memory_space<vmem_shared>>
      %dma_wait3A_426 = arith.constant 0 : i32
      %dma_wait3A_427 = tpu.memref_slice %arg20[%add3A_24, %dma_wait3A_426] : memref<10240x16xf32, #tpu.memory_space<vmem_shared>> -> memref<128x16xf32, #tpu.memory_space<vmem_shared>>
      tpu.wait_dma2 semaphore(%run_scoped3A : memref<!tpu.dma_semaphore, #tpu.memory_space<semaphore_mem>>) src(%arg17 : memref<128x16xf32, #tpu.memory_space<vmem>>) dst(%dma_wait3A_427 : memref<128x16xf32, #tpu.memory_space<vmem_shared>>)
      tpu.yield
    }) : () -> ()
    %mul3A_25 = arith.constant 640 : i32
    %mul3A_26 = arith.muli %arg1, %mul3A_25 : i32
    %add3A_27 = arith.constant 512 : i32
    %add3A_28 = arith.addi %mul3A_26, %add3A_27 : i32
    "tpu.region"() ({
      %run_scoped3A = tpu.sem_alloc : memref<!tpu.dma_semaphore, #tpu.memory_space<semaphore_mem>>
      %dma_start3A_420 = arith.constant 0 : i32
      %dma_start3A_421 = tpu.memref_slice %arg19[%add3A_28, %dma_start3A_420] : memref<10240x64xf32, #tpu.memory_space<vmem_shared>> -> memref<128x64xf32, #tpu.memory_space<vmem_shared>>
      %dma_start3A_422 = arith.constant 0 : i32
      %dma_start3A_423 = tpu.memref_slice %arg19[%add3A_28, %dma_start3A_422] : memref<10240x64xf32, #tpu.memory_space<vmem_shared>> -> memref<128x64xf32, #tpu.memory_space<vmem_shared>>
      tpu.enqueue_dma source(%arg18 : memref<128x64xf32, #tpu.memory_space<vmem>>) target(%dma_start3A_423 : memref<128x64xf32, #tpu.memory_space<vmem_shared>>) target_semaphore(%run_scoped3A : memref<!tpu.dma_semaphore, #tpu.memory_space<semaphore_mem>>)
      %dma_wait3A_424 = arith.constant 0 : i32
      %dma_wait3A_425 = tpu.memref_slice %arg19[%add3A_28, %dma_wait3A_424] : memref<10240x64xf32, #tpu.memory_space<vmem_shared>> -> memref<128x64xf32, #tpu.memory_space<vmem_shared>>
      %dma_wait3A_426 = arith.constant 0 : i32
      %dma_wait3A_427 = tpu.memref_slice %arg19[%add3A_28, %dma_wait3A_426] : memref<10240x64xf32, #tpu.memory_space<vmem_shared>> -> memref<128x64xf32, #tpu.memory_space<vmem_shared>>
      tpu.wait_dma2 semaphore(%run_scoped3A : memref<!tpu.dma_semaphore, #tpu.memory_space<semaphore_mem>>) src(%arg18 : memref<128x64xf32, #tpu.memory_space<vmem>>) dst(%dma_wait3A_427 : memref<128x64xf32, #tpu.memory_space<vmem_shared>>)
      tpu.yield
    }) : () -> ()
    "tpu.region"() ({
      %run_scoped3A = tpu.sem_alloc : memref<!tpu.dma_semaphore, #tpu.memory_space<semaphore_mem>>
      %dma_start3A_420 = arith.constant 0 : i32
      %dma_start3A_421 = tpu.memref_slice %arg20[%add3A_28, %dma_start3A_420] : memref<10240x16xf32, #tpu.memory_space<vmem_shared>> -> memref<128x16xf32, #tpu.memory_space<vmem_shared>>
      %dma_start3A_422 = arith.constant 0 : i32
      %dma_start3A_423 = tpu.memref_slice %arg20[%add3A_28, %dma_start3A_422] : memref<10240x16xf32, #tpu.memory_space<vmem_shared>> -> memref<128x16xf32, #tpu.memory_space<vmem_shared>>
      tpu.enqueue_dma source(%arg17 : memref<128x16xf32, #tpu.memory_space<vmem>>) target(%dma_start3A_423 : memref<128x16xf32, #tpu.memory_space<vmem_shared>>) target_semaphore(%run_scoped3A : memref<!tpu.dma_semaphore, #tpu.memory_space<semaphore_mem>>)
      %dma_wait3A_424 = arith.constant 0 : i32
      %dma_wait3A_425 = tpu.memref_slice %arg20[%add3A_28, %dma_wait3A_424] : memref<10240x16xf32, #tpu.memory_space<vmem_shared>> -> memref<128x16xf32, #tpu.memory_space<vmem_shared>>
      %dma_wait3A_426 = arith.constant 0 : i32
      %dma_wait3A_427 = tpu.memref_slice %arg20[%add3A_28, %dma_wait3A_426] : memref<10240x16xf32, #tpu.memory_space<vmem_shared>> -> memref<128x16xf32, #tpu.memory_space<vmem_shared>>
      tpu.wait_dma2 semaphore(%run_scoped3A : memref<!tpu.dma_semaphore, #tpu.memory_space<semaphore_mem>>) src(%arg17 : memref<128x16xf32, #tpu.memory_space<vmem>>) dst(%dma_wait3A_427 : memref<128x16xf32, #tpu.memory_space<vmem_shared>>)
      tpu.yield
    }) : () -> ()
    %barrier3A = arith.constant 0 : index
    tpu.barrier barrier_id(%barrier3A)
    %mul3A_29 = arith.constant 20224 : i32
    %mul3A_30 = arith.muli %arg1, %mul3A_29 : i32
    %add3A_31 = arith.constant 0 : i32
    %add3A_32 = arith.addi %mul3A_30, %add3A_31 : i32
    %dma_start3A = arith.constant 0 : i32
    %dma_start3A_33 = arith.constant 0 : i32
    %dma_start3A_34 = tpu.memref_slice %arg8[%dma_start3A, %dma_start3A_33] : memref<2x128xi32, #tpu.memory_space<vmem>> -> memref<1x128xi32, #tpu.memory_space<vmem>>
    %dma_start3A_35 = tpu.memref_squeeze %dma_start3A_34 : memref<1x128xi32, #tpu.memory_space<vmem>> -> memref<128xi32, #tpu.memory_space<vmem>>
    %dma_start3A_36 = tpu.memref_slice %arg4[%add3A_32] : memref<323584xi32, #tpu.memory_space<hbm>> -> memref<128xi32, #tpu.memory_space<hbm>>
    %dma_start3A_37 = arith.constant 0 : i32
    %dma_start3A_38 = tpu.memref_slice %arg8[%dma_start3A, %dma_start3A_37] : memref<2x128xi32, #tpu.memory_space<vmem>> -> memref<1x128xi32, #tpu.memory_space<vmem>>
    %dma_start3A_39 = tpu.memref_squeeze %dma_start3A_38 : memref<1x128xi32, #tpu.memory_space<vmem>> -> memref<128xi32, #tpu.memory_space<vmem>>
    %dma_start3A_40 = tpu.memref_slice %arg4[%add3A_32] : memref<323584xi32, #tpu.memory_space<hbm>> -> memref<128xi32, #tpu.memory_space<hbm>>
    tpu.enqueue_dma source(%dma_start3A_40 : memref<128xi32, #tpu.memory_space<hbm>>) target(%dma_start3A_39 : memref<128xi32, #tpu.memory_space<vmem>>) target_semaphore(%arg21 : memref<!tpu.dma_semaphore, #tpu.memory_space<semaphore_mem>>)
    %dma_start3A_41 = arith.constant 0 : i32
    %dma_start3A_42 = arith.constant 0 : i32
    %dma_start3A_43 = tpu.memref_slice %arg9[%dma_start3A_41, %dma_start3A_42] : memref<2x128xi32, #tpu.memory_space<vmem>> -> memref<1x128xi32, #tpu.memory_space<vmem>>
    %dma_start3A_44 = tpu.memref_squeeze %dma_start3A_43 : memref<1x128xi32, #tpu.memory_space<vmem>> -> memref<128xi32, #tpu.memory_space<vmem>>
    %dma_start3A_45 = tpu.memref_slice %arg5[%add3A_32] : memref<323584xi32, #tpu.memory_space<hbm>> -> memref<128xi32, #tpu.memory_space<hbm>>
    %dma_start3A_46 = arith.constant 0 : i32
    %dma_start3A_47 = tpu.memref_slice %arg9[%dma_start3A_41, %dma_start3A_46] : memref<2x128xi32, #tpu.memory_space<vmem>> -> memref<1x128xi32, #tpu.memory_space<vmem>>
    %dma_start3A_48 = tpu.memref_squeeze %dma_start3A_47 : memref<1x128xi32, #tpu.memory_space<vmem>> -> memref<128xi32, #tpu.memory_space<vmem>>
    %dma_start3A_49 = tpu.memref_slice %arg5[%add3A_32] : memref<323584xi32, #tpu.memory_space<hbm>> -> memref<128xi32, #tpu.memory_space<hbm>>
    tpu.enqueue_dma source(%dma_start3A_49 : memref<128xi32, #tpu.memory_space<hbm>>) target(%dma_start3A_48 : memref<128xi32, #tpu.memory_space<vmem>>) target_semaphore(%arg21 : memref<!tpu.dma_semaphore, #tpu.memory_space<semaphore_mem>>)
    %add3A_50 = arith.constant 128 : i32
    %add3A_51 = arith.addi %mul3A_30, %add3A_50 : i32
    %dma_start3A_52 = arith.constant 1 : i32
    %dma_start3A_53 = arith.constant 0 : i32
    %dma_start3A_54 = tpu.memref_slice %arg8[%dma_start3A_52, %dma_start3A_53] : memref<2x128xi32, #tpu.memory_space<vmem>> -> memref<1x128xi32, #tpu.memory_space<vmem>>
    %dma_start3A_55 = tpu.memref_squeeze %dma_start3A_54 : memref<1x128xi32, #tpu.memory_space<vmem>> -> memref<128xi32, #tpu.memory_space<vmem>>
    %dma_start3A_56 = tpu.memref_slice %arg4[%add3A_51] : memref<323584xi32, #tpu.memory_space<hbm>> -> memref<128xi32, #tpu.memory_space<hbm>>
    %dma_start3A_57 = arith.constant 0 : i32
    %dma_start3A_58 = tpu.memref_slice %arg8[%dma_start3A_52, %dma_start3A_57] : memref<2x128xi32, #tpu.memory_space<vmem>> -> memref<1x128xi32, #tpu.memory_space<vmem>>
    %dma_start3A_59 = tpu.memref_squeeze %dma_start3A_58 : memref<1x128xi32, #tpu.memory_space<vmem>> -> memref<128xi32, #tpu.memory_space<vmem>>
    %dma_start3A_60 = tpu.memref_slice %arg4[%add3A_51] : memref<323584xi32, #tpu.memory_space<hbm>> -> memref<128xi32, #tpu.memory_space<hbm>>
    tpu.enqueue_dma source(%dma_start3A_60 : memref<128xi32, #tpu.memory_space<hbm>>) target(%dma_start3A_59 : memref<128xi32, #tpu.memory_space<vmem>>) target_semaphore(%arg22 : memref<!tpu.dma_semaphore, #tpu.memory_space<semaphore_mem>>)
    %dma_start3A_61 = arith.constant 1 : i32
    %dma_start3A_62 = arith.constant 0 : i32
    %dma_start3A_63 = tpu.memref_slice %arg9[%dma_start3A_61, %dma_start3A_62] : memref<2x128xi32, #tpu.memory_space<vmem>> -> memref<1x128xi32, #tpu.memory_space<vmem>>
    %dma_start3A_64 = tpu.memref_squeeze %dma_start3A_63 : memref<1x128xi32, #tpu.memory_space<vmem>> -> memref<128xi32, #tpu.memory_space<vmem>>
    %dma_start3A_65 = tpu.memref_slice %arg5[%add3A_51] : memref<323584xi32, #tpu.memory_space<hbm>> -> memref<128xi32, #tpu.memory_space<hbm>>
    %dma_start3A_66 = arith.constant 0 : i32
    %dma_start3A_67 = tpu.memref_slice %arg9[%dma_start3A_61, %dma_start3A_66] : memref<2x128xi32, #tpu.memory_space<vmem>> -> memref<1x128xi32, #tpu.memory_space<vmem>>
    %dma_start3A_68 = tpu.memref_squeeze %dma_start3A_67 : memref<1x128xi32, #tpu.memory_space<vmem>> -> memref<128xi32, #tpu.memory_space<vmem>>
    %dma_start3A_69 = tpu.memref_slice %arg5[%add3A_51] : memref<323584xi32, #tpu.memory_space<hbm>> -> memref<128xi32, #tpu.memory_space<hbm>>
    tpu.enqueue_dma source(%dma_start3A_69 : memref<128xi32, #tpu.memory_space<hbm>>) target(%dma_start3A_68 : memref<128xi32, #tpu.memory_space<vmem>>) target_semaphore(%arg22 : memref<!tpu.dma_semaphore, #tpu.memory_space<semaphore_mem>>)
    %add3A_70 = arith.constant 0 : i32
    %add3A_71 = arith.addi %mul3A_30, %add3A_70 : i32
    %dma_wait3A = arith.constant 0 : i32
    %dma_wait3A_72 = arith.constant 0 : i32
    %dma_wait3A_73 = tpu.memref_slice %arg8[%dma_wait3A, %dma_wait3A_72] : memref<2x128xi32, #tpu.memory_space<vmem>> -> memref<1x128xi32, #tpu.memory_space<vmem>>
    %dma_wait3A_74 = tpu.memref_squeeze %dma_wait3A_73 : memref<1x128xi32, #tpu.memory_space<vmem>> -> memref<128xi32, #tpu.memory_space<vmem>>
    %dma_wait3A_75 = tpu.memref_slice %arg4[%add3A_71] : memref<323584xi32, #tpu.memory_space<hbm>> -> memref<128xi32, #tpu.memory_space<hbm>>
    %dma_wait3A_76 = arith.constant 0 : i32
    %dma_wait3A_77 = tpu.memref_slice %arg8[%dma_wait3A, %dma_wait3A_76] : memref<2x128xi32, #tpu.memory_space<vmem>> -> memref<1x128xi32, #tpu.memory_space<vmem>>
    %dma_wait3A_78 = tpu.memref_squeeze %dma_wait3A_77 : memref<1x128xi32, #tpu.memory_space<vmem>> -> memref<128xi32, #tpu.memory_space<vmem>>
    %dma_wait3A_79 = tpu.memref_slice %arg4[%add3A_71] : memref<323584xi32, #tpu.memory_space<hbm>> -> memref<128xi32, #tpu.memory_space<hbm>>
    tpu.wait_dma2 semaphore(%arg21 : memref<!tpu.dma_semaphore, #tpu.memory_space<semaphore_mem>>) src(%dma_wait3A_79 : memref<128xi32, #tpu.memory_space<hbm>>) dst(%dma_wait3A_78 : memref<128xi32, #tpu.memory_space<vmem>>)
    %dma_wait3A_80 = arith.constant 0 : i32
    %dma_wait3A_81 = arith.constant 0 : i32
    %dma_wait3A_82 = tpu.memref_slice %arg9[%dma_wait3A_80, %dma_wait3A_81] : memref<2x128xi32, #tpu.memory_space<vmem>> -> memref<1x128xi32, #tpu.memory_space<vmem>>
    %dma_wait3A_83 = tpu.memref_squeeze %dma_wait3A_82 : memref<1x128xi32, #tpu.memory_space<vmem>> -> memref<128xi32, #tpu.memory_space<vmem>>
    %dma_wait3A_84 = tpu.memref_slice %arg5[%add3A_71] : memref<323584xi32, #tpu.memory_space<hbm>> -> memref<128xi32, #tpu.memory_space<hbm>>
    %dma_wait3A_85 = arith.constant 0 : i32
    %dma_wait3A_86 = tpu.memref_slice %arg9[%dma_wait3A_80, %dma_wait3A_85] : memref<2x128xi32, #tpu.memory_space<vmem>> -> memref<1x128xi32, #tpu.memory_space<vmem>>
    %dma_wait3A_87 = tpu.memref_squeeze %dma_wait3A_86 : memref<1x128xi32, #tpu.memory_space<vmem>> -> memref<128xi32, #tpu.memory_space<vmem>>
    %dma_wait3A_88 = tpu.memref_slice %arg5[%add3A_71] : memref<323584xi32, #tpu.memory_space<hbm>> -> memref<128xi32, #tpu.memory_space<hbm>>
    tpu.wait_dma2 semaphore(%arg21 : memref<!tpu.dma_semaphore, #tpu.memory_space<semaphore_mem>>) src(%dma_wait3A_88 : memref<128xi32, #tpu.memory_space<hbm>>) dst(%dma_wait3A_87 : memref<128xi32, #tpu.memory_space<vmem>>)
    %get3A = arith.constant 0 : i32
    %get3A_89 = arith.index_cast %get3A : i32 to index
    %get3A_90 = arith.constant 0 : index
    %get3A_91 = tpu.vector_load %arg8[%get3A_89, %get3A_90] {strides = array<i32>} : memref<2x128xi32, #tpu.memory_space<vmem>>, vector<1x16xi32>,
    %get3A_92 = vector.shape_cast %get3A_91 : vector<1x16xi32> to vector<16xi32>
    %get3A_93 = arith.constant 0 : i32
    %get3A_94 = arith.index_cast %get3A_93 : i32 to index
    %get3A_95 = arith.constant 0 : index
    %get3A_96 = tpu.vector_load %arg9[%get3A_94, %get3A_95] {strides = array<i32>} : memref<2x128xi32, #tpu.memory_space<vmem>>, vector<1x16xi32>,
    %get3A_97 = vector.shape_cast %get3A_96 : vector<1x16xi32> to vector<16xi32>
    %add3A_98 = arith.addi %get3A_92, %broadcast_in_dim3A_4 : vector<16xi32>
    %swap3A = arith.constant 0 : i32
    %swap3A_99 = arith.index_cast %swap3A : i32 to index
    %swap3A_100 = arith.constant 0 : index
    %swap3A_101 = tpu.vector_load %arg10[%swap3A_99, %swap3A_100] {strides = array<i32>} : memref<2x128xi32, #tpu.memory_space<vmem>>, vector<1x16xi32>,
    %swap3A_102 = vector.shape_cast %swap3A_101 : vector<1x16xi32> to vector<16xi32>
    %swap3A_103 = vector.shape_cast %add3A_98 : vector<16xi32> to vector<1x16xi32>
    tpu.vector_store %arg10[%swap3A_99, %swap3A_100], %swap3A_103 {strides = array<i32>} : memref<2x128xi32, #tpu.memory_space<vmem>>, vector<1x16xi32>,
    %swap3A_104 = arith.constant 0 : i32
    %swap3A_105 = arith.index_cast %swap3A_104 : i32 to index
    %swap3A_106 = arith.constant 0 : index
    %swap3A_107 = tpu.vector_load %arg11[%swap3A_105, %swap3A_106] {strides = array<i32>} : memref<2x128xi32, #tpu.memory_space<vmem>>, vector<1x16xi32>,
    %swap3A_108 = vector.shape_cast %swap3A_107 : vector<1x16xi32> to vector<16xi32>
    %swap3A_109 = vector.shape_cast %get3A_97 : vector<16xi32> to vector<1x16xi32>
    tpu.vector_store %arg11[%swap3A_105, %swap3A_106], %swap3A_109 {strides = array<i32>} : memref<2x128xi32, #tpu.memory_space<vmem>>, vector<1x16xi32>,
    %add3A_110 = arith.addi %get3A_97, %broadcast_in_dim3A_4 : vector<16xi32>
    %swap3A_111 = arith.constant 0 : i32
    %swap3A_112 = arith.index_cast %swap3A_111 : i32 to index
    %swap3A_113 = arith.constant 0 : index
    %swap3A_114 = tpu.vector_load %arg12[%swap3A_112, %swap3A_113] {strides = array<i32>} : memref<2x128xi32, #tpu.memory_space<vmem>>, vector<1x16xi32>,
    %swap3A_115 = vector.shape_cast %swap3A_114 : vector<1x16xi32> to vector<16xi32>
    %swap3A_116 = vector.shape_cast %add3A_110 : vector<16xi32> to vector<1x16xi32>
    tpu.vector_store %arg12[%swap3A_112, %swap3A_113], %swap3A_116 {strides = array<i32>} : memref<2x128xi32, #tpu.memory_space<vmem>>, vector<1x16xi32>,
    %get3A_117 = arith.constant 0 : i32
    %get3A_118 = arith.index_cast %get3A_117 : i32 to index
    %get3A_119 = arith.constant 16 : index
    %get3A_120 = tpu.vector_load %arg8[%get3A_118, %get3A_119] {strides = array<i32>} : memref<2x128xi32, #tpu.memory_space<vmem>>, vector<1x16xi32>,
    %get3A_121 = vector.shape_cast %get3A_120 : vector<1x16xi32> to vector<16xi32>
    %get3A_122 = arith.constant 0 : i32
    %get3A_123 = arith.index_cast %get3A_122 : i32 to index
    %get3A_124 = arith.constant 16 : index
    %get3A_125 = tpu.vector_load %arg9[%get3A_123, %get3A_124] {strides = array<i32>} : memref<2x128xi32, #tpu.memory_space<vmem>>, vector<1x16xi32>,
    %get3A_126 = vector.shape_cast %get3A_125 : vector<1x16xi32> to vector<16xi32>
    %add3A_127 = arith.addi %get3A_121, %broadcast_in_dim3A_4 : vector<16xi32>
    %swap3A_128 = arith.constant 0 : i32
    %swap3A_129 = arith.index_cast %swap3A_128 : i32 to index
    %swap3A_130 = arith.constant 16 : index
    %swap3A_131 = tpu.vector_load %arg10[%swap3A_129, %swap3A_130] {strides = array<i32>} : memref<2x128xi32, #tpu.memory_space<vmem>>, vector<1x16xi32>,
    %swap3A_132 = vector.shape_cast %swap3A_131 : vector<1x16xi32> to vector<16xi32>
    %swap3A_133 = vector.shape_cast %add3A_127 : vector<16xi32> to vector<1x16xi32>
    tpu.vector_store %arg10[%swap3A_129, %swap3A_130], %swap3A_133 {strides = array<i32>} : memref<2x128xi32, #tpu.memory_space<vmem>>, vector<1x16xi32>,
    %swap3A_134 = arith.constant 0 : i32
    %swap3A_135 = arith.index_cast %swap3A_134 : i32 to index
    %swap3A_136 = arith.constant 16 : index
    %swap3A_137 = tpu.vector_load %arg11[%swap3A_135, %swap3A_136] {strides = array<i32>} : memref<2x128xi32, #tpu.memory_space<vmem>>, vector<1x16xi32>,
    %swap3A_138 = vector.shape_cast %swap3A_137 : vector<1x16xi32> to vector<16xi32>
    %swap3A_139 = vector.shape_cast %get3A_126 : vector<16xi32> to vector<1x16xi32>
    tpu.vector_store %arg11[%swap3A_135, %swap3A_136], %swap3A_139 {strides = array<i32>} : memref<2x128xi32, #tpu.memory_space<vmem>>, vector<1x16xi32>,
    %add3A_140 = arith.addi %get3A_126, %broadcast_in_dim3A_4 : vector<16xi32>
    %swap3A_141 = arith.constant 0 : i32
    %swap3A_142 = arith.index_cast %swap3A_141 : i32 to index
    %swap3A_143 = arith.constant 16 : index
    %swap3A_144 = tpu.vector_load %arg12[%swap3A_142, %swap3A_143] {strides = array<i32>} : memref<2x128xi32, #tpu.memory_space<vmem>>, vector<1x16xi32>,
    %swap3A_145 = vector.shape_cast %swap3A_144 : vector<1x16xi32> to vector<16xi32>
    %swap3A_146 = vector.shape_cast %add3A_140 : vector<16xi32> to vector<1x16xi32>
    tpu.vector_store %arg12[%swap3A_142, %swap3A_143], %swap3A_146 {strides = array<i32>} : memref<2x128xi32, #tpu.memory_space<vmem>>, vector<1x16xi32>,
    %get3A_147 = arith.constant 0 : i32
    %get3A_148 = arith.index_cast %get3A_147 : i32 to index
    %get3A_149 = arith.constant 32 : index
    %get3A_150 = tpu.vector_load %arg8[%get3A_148, %get3A_149] {strides = array<i32>} : memref<2x128xi32, #tpu.memory_space<vmem>>, vector<1x16xi32>,
    %get3A_151 = vector.shape_cast %get3A_150 : vector<1x16xi32> to vector<16xi32>
    %get3A_152 = arith.constant 0 : i32
    %get3A_153 = arith.index_cast %get3A_152 : i32 to index
    %get3A_154 = arith.constant 32 : index
    %get3A_155 = tpu.vector_load %arg9[%get3A_153, %get3A_154] {strides = array<i32>} : memref<2x128xi32, #tpu.memory_space<vmem>>, vector<1x16xi32>,
    %get3A_156 = vector.shape_cast %get3A_155 : vector<1x16xi32> to vector<16xi32>
    %add3A_157 = arith.addi %get3A_151, %broadcast_in_dim3A_4 : vector<16xi32>
    %swap3A_158 = arith.constant 0 : i32
    %swap3A_159 = arith.index_cast %swap3A_158 : i32 to index
    %swap3A_160 = arith.constant 32 : index
    %swap3A_161 = tpu.vector_load %arg10[%swap3A_159, %swap3A_160] {strides = array<i32>} : memref<2x128xi32, #tpu.memory_space<vmem>>, vector<1x16xi32>,
    %swap3A_162 = vector.shape_cast %swap3A_161 : vector<1x16xi32> to vector<16xi32>
    %swap3A_163 = vector.shape_cast %add3A_157 : vector<16xi32> to vector<1x16xi32>
    tpu.vector_store %arg10[%swap3A_159, %swap3A_160], %swap3A_163 {strides = array<i32>} : memref<2x128xi32, #tpu.memory_space<vmem>>, vector<1x16xi32>,
    %swap3A_164 = arith.constant 0 : i32
    %swap3A_165 = arith.index_cast %swap3A_164 : i32 to index
    %swap3A_166 = arith.constant 32 : index
    %swap3A_167 = tpu.vector_load %arg11[%swap3A_165, %swap3A_166] {strides = array<i32>} : memref<2x128xi32, #tpu.memory_space<vmem>>, vector<1x16xi32>,
    %swap3A_168 = vector.shape_cast %swap3A_167 : vector<1x16xi32> to vector<16xi32>
    %swap3A_169 = vector.shape_cast %get3A_156 : vector<16xi32> to vector<1x16xi32>
    tpu.vector_store %arg11[%swap3A_165, %swap3A_166], %swap3A_169 {strides = array<i32>} : memref<2x128xi32, #tpu.memory_space<vmem>>, vector<1x16xi32>,
    %add3A_170 = arith.addi %get3A_156, %broadcast_in_dim3A_4 : vector<16xi32>
    %swap3A_171 = arith.constant 0 : i32
    %swap3A_172 = arith.index_cast %swap3A_171 : i32 to index
    %swap3A_173 = arith.constant 32 : index
    %swap3A_174 = tpu.vector_load %arg12[%swap3A_172, %swap3A_173] {strides = array<i32>} : memref<2x128xi32, #tpu.memory_space<vmem>>, vector<1x16xi32>,
    %swap3A_175 = vector.shape_cast %swap3A_174 : vector<1x16xi32> to vector<16xi32>
    %swap3A_176 = vector.shape_cast %add3A_170 : vector<16xi32> to vector<1x16xi32>
    tpu.vector_store %arg12[%swap3A_172, %swap3A_173], %swap3A_176 {strides = array<i32>} : memref<2x128xi32, #tpu.memory_space<vmem>>, vector<1x16xi32>,
    %get3A_177 = arith.constant 0 : i32
    %get3A_178 = arith.index_cast %get3A_177 : i32 to index
    %get3A_179 = arith.constant 48 : index
    %get3A_180 = tpu.vector_load %arg8[%get3A_178, %get3A_179] {strides = array<i32>} : memref<2x128xi32, #tpu.memory_space<vmem>>, vector<1x16xi32>,
    %get3A_181 = vector.shape_cast %get3A_180 : vector<1x16xi32> to vector<16xi32>
    %get3A_182 = arith.constant 0 : i32
    %get3A_183 = arith.index_cast %get3A_182 : i32 to index
    %get3A_184 = arith.constant 48 : index
    %get3A_185 = tpu.vector_load %arg9[%get3A_183, %get3A_184] {strides = array<i32>} : memref<2x128xi32, #tpu.memory_space<vmem>>, vector<1x16xi32>,
    %get3A_186 = vector.shape_cast %get3A_185 : vector<1x16xi32> to vector<16xi32>
    %add3A_187 = arith.addi %get3A_181, %broadcast_in_dim3A_4 : vector<16xi32>
    %swap3A_188 = arith.constant 0 : i32
    %swap3A_189 = arith.index_cast %swap3A_188 : i32 to index
    %swap3A_190 = arith.constant 48 : index
    %swap3A_191 = tpu.vector_load %arg10[%swap3A_189, %swap3A_190] {strides = array<i32>} : memref<2x128xi32, #tpu.memory_space<vmem>>, vector<1x16xi32>,
    %swap3A_192 = vector.shape_cast %swap3A_191 : vector<1x16xi32> to vector<16xi32>
    %swap3A_193 = vector.shape_cast %add3A_187 : vector<16xi32> to vector<1x16xi32>
    tpu.vector_store %arg10[%swap3A_189, %swap3A_190], %swap3A_193 {strides = array<i32>} : memref<2x128xi32, #tpu.memory_space<vmem>>, vector<1x16xi32>,
    %swap3A_194 = arith.constant 0 : i32
    %swap3A_195 = arith.index_cast %swap3A_194 : i32 to index
    %swap3A_196 = arith.constant 48 : index
    %swap3A_197 = tpu.vector_load %arg11[%swap3A_195, %swap3A_196] {strides = array<i32>} : memref<2x128xi32, #tpu.memory_space<vmem>>, vector<1x16xi32>,
    %swap3A_198 = vector.shape_cast %swap3A_197 : vector<1x16xi32> to vector<16xi32>
    %swap3A_199 = vector.shape_cast %get3A_186 : vector<16xi32> to vector<1x16xi32>
    tpu.vector_store %arg11[%swap3A_195, %swap3A_196], %swap3A_199 {strides = array<i32>} : memref<2x128xi32, #tpu.memory_space<vmem>>, vector<1x16xi32>,
    %add3A_200 = arith.addi %get3A_186, %broadcast_in_dim3A_4 : vector<16xi32>
    %swap3A_201 = arith.constant 0 : i32
    %swap3A_202 = arith.index_cast %swap3A_201 : i32 to index
    %swap3A_203 = arith.constant 48 : index
    %swap3A_204 = tpu.vector_load %arg12[%swap3A_202, %swap3A_203] {strides = array<i32>} : memref<2x128xi32, #tpu.memory_space<vmem>>, vector<1x16xi32>,
    %swap3A_205 = vector.shape_cast %swap3A_204 : vector<1x16xi32> to vector<16xi32>
    %swap3A_206 = vector.shape_cast %add3A_200 : vector<16xi32> to vector<1x16xi32>
    tpu.vector_store %arg12[%swap3A_202, %swap3A_203], %swap3A_206 {strides = array<i32>} : memref<2x128xi32, #tpu.memory_space<vmem>>, vector<1x16xi32>,
    %get3A_207 = arith.constant 0 : i32
    %get3A_208 = arith.index_cast %get3A_207 : i32 to index
    %get3A_209 = arith.constant 64 : index
    %get3A_210 = tpu.vector_load %arg8[%get3A_208, %get3A_209] {strides = array<i32>} : memref<2x128xi32, #tpu.memory_space<vmem>>, vector<1x16xi32>,
    %get3A_211 = vector.shape_cast %get3A_210 : vector<1x16xi32> to vector<16xi32>
    %get3A_212 = arith.constant 0 : i32
    %get3A_213 = arith.index_cast %get3A_212 : i32 to index
    %get3A_214 = arith.constant 64 : index
    %get3A_215 = tpu.vector_load %arg9[%get3A_213, %get3A_214] {strides = array<i32>} : memref<2x128xi32, #tpu.memory_space<vmem>>, vector<1x16xi32>,
    %get3A_216 = vector.shape_cast %get3A_215 : vector<1x16xi32> to vector<16xi32>
    %add3A_217 = arith.addi %get3A_211, %broadcast_in_dim3A_4 : vector<16xi32>
    %swap3A_218 = arith.constant 0 : i32
    %swap3A_219 = arith.index_cast %swap3A_218 : i32 to index
    %swap3A_220 = arith.constant 64 : index
    %swap3A_221 = tpu.vector_load %arg10[%swap3A_219, %swap3A_220] {strides = array<i32>} : memref<2x128xi32, #tpu.memory_space<vmem>>, vector<1x16xi32>,
    %swap3A_222 = vector.shape_cast %swap3A_221 : vector<1x16xi32> to vector<16xi32>
    %swap3A_223 = vector.shape_cast %add3A_217 : vector<16xi32> to vector<1x16xi32>
    tpu.vector_store %arg10[%swap3A_219, %swap3A_220], %swap3A_223 {strides = array<i32>} : memref<2x128xi32, #tpu.memory_space<vmem>>, vector<1x16xi32>,
    %swap3A_224 = arith.constant 0 : i32
    %swap3A_225 = arith.index_cast %swap3A_224 : i32 to index
    %swap3A_226 = arith.constant 64 : index
    %swap3A_227 = tpu.vector_load %arg11[%swap3A_225, %swap3A_226] {strides = array<i32>} : memref<2x128xi32, #tpu.memory_space<vmem>>, vector<1x16xi32>,
    %swap3A_228 = vector.shape_cast %swap3A_227 : vector<1x16xi32> to vector<16xi32>
    %swap3A_229 = vector.shape_cast %get3A_216 : vector<16xi32> to vector<1x16xi32>
    tpu.vector_store %arg11[%swap3A_225, %swap3A_226], %swap3A_229 {strides = array<i32>} : memref<2x128xi32, #tpu.memory_space<vmem>>, vector<1x16xi32>,
    %add3A_230 = arith.addi %get3A_216, %broadcast_in_dim3A_4 : vector<16xi32>
    %swap3A_231 = arith.constant 0 : i32
    %swap3A_232 = arith.index_cast %swap3A_231 : i32 to index
    %swap3A_233 = arith.constant 64 : index
    %swap3A_234 = tpu.vector_load %arg12[%swap3A_232, %swap3A_233] {strides = array<i32>} : memref<2x128xi32, #tpu.memory_space<vmem>>, vector<1x16xi32>,
    %swap3A_235 = vector.shape_cast %swap3A_234 : vector<1x16xi32> to vector<16xi32>
    %swap3A_236 = vector.shape_cast %add3A_230 : vector<16xi32> to vector<1x16xi32>
    tpu.vector_store %arg12[%swap3A_232, %swap3A_233], %swap3A_236 {strides = array<i32>} : memref<2x128xi32, #tpu.memory_space<vmem>>, vector<1x16xi32>,
    %get3A_237 = arith.constant 0 : i32
    %get3A_238 = arith.index_cast %get3A_237 : i32 to index
    %get3A_239 = arith.constant 80 : index
    %get3A_240 = tpu.vector_load %arg8[%get3A_238, %get3A_239] {strides = array<i32>} : memref<2x128xi32, #tpu.memory_space<vmem>>, vector<1x16xi32>,
    %get3A_241 = vector.shape_cast %get3A_240 : vector<1x16xi32> to vector<16xi32>
    %get3A_242 = arith.constant 0 : i32
    %get3A_243 = arith.index_cast %get3A_242 : i32 to index
    %get3A_244 = arith.constant 80 : index
    %get3A_245 = tpu.vector_load %arg9[%get3A_243, %get3A_244] {strides = array<i32>} : memref<2x128xi32, #tpu.memory_space<vmem>>, vector<1x16xi32>,
    %get3A_246 = vector.shape_cast %get3A_245 : vector<1x16xi32> to vector<16xi32>
    %add3A_247 = arith.addi %get3A_241, %broadcast_in_dim3A_4 : vector<16xi32>
    %swap3A_248 = arith.constant 0 : i32
    %swap3A_249 = arith.index_cast %swap3A_248 : i32 to index
    %swap3A_250 = arith.constant 80 : index
    %swap3A_251 = tpu.vector_load %arg10[%swap3A_249, %swap3A_250] {strides = array<i32>} : memref<2x128xi32, #tpu.memory_space<vmem>>, vector<1x16xi32>,
    %swap3A_252 = vector.shape_cast %swap3A_251 : vector<1x16xi32> to vector<16xi32>
    %swap3A_253 = vector.shape_cast %add3A_247 : vector<16xi32> to vector<1x16xi32>
    tpu.vector_store %arg10[%swap3A_249, %swap3A_250], %swap3A_253 {strides = array<i32>} : memref<2x128xi32, #tpu.memory_space<vmem>>, vector<1x16xi32>,
    %swap3A_254 = arith.constant 0 : i32
    %swap3A_255 = arith.index_cast %swap3A_254 : i32 to index
    %swap3A_256 = arith.constant 80 : index
    %swap3A_257 = tpu.vector_load %arg11[%swap3A_255, %swap3A_256] {strides = array<i32>} : memref<2x128xi32, #tpu.memory_space<vmem>>, vector<1x16xi32>,
    %swap3A_258 = vector.shape_cast %swap3A_257 : vector<1x16xi32> to vector<16xi32>
    %swap3A_259 = vector.shape_cast %get3A_246 : vector<16xi32> to vector<1x16xi32>
    tpu.vector_store %arg11[%swap3A_255, %swap3A_256], %swap3A_259 {strides = array<i32>} : memref<2x128xi32, #tpu.memory_space<vmem>>, vector<1x16xi32>,
    %add3A_260 = arith.addi %get3A_246, %broadcast_in_dim3A_4 : vector<16xi32>
    %swap3A_261 = arith.constant 0 : i32
    %swap3A_262 = arith.index_cast %swap3A_261 : i32 to index
    %swap3A_263 = arith.constant 80 : index
    %swap3A_264 = tpu.vector_load %arg12[%swap3A_262, %swap3A_263] {strides = array<i32>} : memref<2x128xi32, #tpu.memory_space<vmem>>, vector<1x16xi32>,
    %swap3A_265 = vector.shape_cast %swap3A_264 : vector<1x16xi32> to vector<16xi32>
    %swap3A_266 = vector.shape_cast %add3A_260 : vector<16xi32> to vector<1x16xi32>
    tpu.vector_store %arg12[%swap3A_262, %swap3A_263], %swap3A_266 {strides = array<i32>} : memref<2x128xi32, #tpu.memory_space<vmem>>, vector<1x16xi32>,
    %get3A_267 = arith.constant 0 : i32
    %get3A_268 = arith.index_cast %get3A_267 : i32 to index
    %get3A_269 = arith.constant 96 : index
    %get3A_270 = tpu.vector_load %arg8[%get3A_268, %get3A_269] {strides = array<i32>} : memref<2x128xi32, #tpu.memory_space<vmem>>, vector<1x16xi32>,
    %get3A_271 = vector.shape_cast %get3A_270 : vector<1x16xi32> to vector<16xi32>
    %get3A_272 = arith.constant 0 : i32
    %get3A_273 = arith.index_cast %get3A_272 : i32 to index
    %get3A_274 = arith.constant 96 : index
    %get3A_275 = tpu.vector_load %arg9[%get3A_273, %get3A_274] {strides = array<i32>} : memref<2x128xi32, #tpu.memory_space<vmem>>, vector<1x16xi32>,
    %get3A_276 = vector.shape_cast %get3A_275 : vector<1x16xi32> to vector<16xi32>
    %add3A_277 = arith.addi %get3A_271, %broadcast_in_dim3A_4 : vector<16xi32>
    %swap3A_278 = arith.constant 0 : i32
    %swap3A_279 = arith.index_cast %swap3A_278 : i32 to index
    %swap3A_280 = arith.constant 96 : index
    %swap3A_281 = tpu.vector_load %arg10[%swap3A_279, %swap3A_280] {strides = array<i32>} : memref<2x128xi32, #tpu.memory_space<vmem>>, vector<1x16xi32>,
    %swap3A_282 = vector.shape_cast %swap3A_281 : vector<1x16xi32> to vector<16xi32>
    %swap3A_283 = vector.shape_cast %add3A_277 : vector<16xi32> to vector<1x16xi32>
    tpu.vector_store %arg10[%swap3A_279, %swap3A_280], %swap3A_283 {strides = array<i32>} : memref<2x128xi32, #tpu.memory_space<vmem>>, vector<1x16xi32>,
    %swap3A_284 = arith.constant 0 : i32
    %swap3A_285 = arith.index_cast %swap3A_284 : i32 to index
    %swap3A_286 = arith.constant 96 : index
    %swap3A_287 = tpu.vector_load %arg11[%swap3A_285, %swap3A_286] {strides = array<i32>} : memref<2x128xi32, #tpu.memory_space<vmem>>, vector<1x16xi32>,
    %swap3A_288 = vector.shape_cast %swap3A_287 : vector<1x16xi32> to vector<16xi32>
    %swap3A_289 = vector.shape_cast %get3A_276 : vector<16xi32> to vector<1x16xi32>
    tpu.vector_store %arg11[%swap3A_285, %swap3A_286], %swap3A_289 {strides = array<i32>} : memref<2x128xi32, #tpu.memory_space<vmem>>, vector<1x16xi32>,
    %add3A_290 = arith.addi %get3A_276, %broadcast_in_dim3A_4 : vector<16xi32>
    %swap3A_291 = arith.constant 0 : i32
    %swap3A_292 = arith.index_cast %swap3A_291 : i32 to index
    %swap3A_293 = arith.constant 96 : index
    %swap3A_294 = tpu.vector_load %arg12[%swap3A_292, %swap3A_293] {strides = array<i32>} : memref<2x128xi32, #tpu.memory_space<vmem>>, vector<1x16xi32>,
    %swap3A_295 = vector.shape_cast %swap3A_294 : vector<1x16xi32> to vector<16xi32>
    %swap3A_296 = vector.shape_cast %add3A_290 : vector<16xi32> to vector<1x16xi32>
    tpu.vector_store %arg12[%swap3A_292, %swap3A_293], %swap3A_296 {strides = array<i32>} : memref<2x128xi32, #tpu.memory_space<vmem>>, vector<1x16xi32>,
    %get3A_297 = arith.constant 0 : i32
    %get3A_298 = arith.index_cast %get3A_297 : i32 to index
    %get3A_299 = arith.constant 112 : index
    %get3A_300 = tpu.vector_load %arg8[%get3A_298, %get3A_299] {strides = array<i32>} : memref<2x128xi32, #tpu.memory_space<vmem>>, vector<1x16xi32>,
    %get3A_301 = vector.shape_cast %get3A_300 : vector<1x16xi32> to vector<16xi32>
    %get3A_302 = arith.constant 0 : i32
    %get3A_303 = arith.index_cast %get3A_302 : i32 to index
    %get3A_304 = arith.constant 112 : index
    %get3A_305 = tpu.vector_load %arg9[%get3A_303, %get3A_304] {strides = array<i32>} : memref<2x128xi32, #tpu.memory_space<vmem>>, vector<1x16xi32>,
    %get3A_306 = vector.shape_cast %get3A_305 : vector<1x16xi32> to vector<16xi32>
    %add3A_307 = arith.addi %get3A_301, %broadcast_in_dim3A_4 : vector<16xi32>
    %swap3A_308 = arith.constant 0 : i32
    %swap3A_309 = arith.index_cast %swap3A_308 : i32 to index
    %swap3A_310 = arith.constant 112 : index
    %swap3A_311 = tpu.vector_load %arg10[%swap3A_309, %swap3A_310] {strides = array<i32>} : memref<2x128xi32, #tpu.memory_space<vmem>>, vector<1x16xi32>,
    %swap3A_312 = vector.shape_cast %swap3A_311 : vector<1x16xi32> to vector<16xi32>
    %swap3A_313 = vector.shape_cast %add3A_307 : vector<16xi32> to vector<1x16xi32>
    tpu.vector_store %arg10[%swap3A_309, %swap3A_310], %swap3A_313 {strides = array<i32>} : memref<2x128xi32, #tpu.memory_space<vmem>>, vector<1x16xi32>,
    %swap3A_314 = arith.constant 0 : i32
    %swap3A_315 = arith.index_cast %swap3A_314 : i32 to index
    %swap3A_316 = arith.constant 112 : index
    %swap3A_317 = tpu.vector_load %arg11[%swap3A_315, %swap3A_316] {strides = array<i32>} : memref<2x128xi32, #tpu.memory_space<vmem>>, vector<1x16xi32>,
    %swap3A_318 = vector.shape_cast %swap3A_317 : vector<1x16xi32> to vector<16xi32>
    %swap3A_319 = vector.shape_cast %get3A_306 : vector<16xi32> to vector<1x16xi32>
    tpu.vector_store %arg11[%swap3A_315, %swap3A_316], %swap3A_319 {strides = array<i32>} : memref<2x128xi32, #tpu.memory_space<vmem>>, vector<1x16xi32>,
    %add3A_320 = arith.addi %get3A_306, %broadcast_in_dim3A_4 : vector<16xi32>
    %swap3A_321 = arith.constant 0 : i32
    %swap3A_322 = arith.index_cast %swap3A_321 : i32 to index
    %swap3A_323 = arith.constant 112 : index
    %swap3A_324 = tpu.vector_load %arg12[%swap3A_322, %swap3A_323] {strides = array<i32>} : memref<2x128xi32, #tpu.memory_space<vmem>>, vector<1x16xi32>,
    %swap3A_325 = vector.shape_cast %swap3A_324 : vector<1x16xi32> to vector<16xi32>
    %swap3A_326 = vector.shape_cast %add3A_320 : vector<16xi32> to vector<1x16xi32>
    tpu.vector_store %arg12[%swap3A_322, %swap3A_323], %swap3A_326 {strides = array<i32>} : memref<2x128xi32, #tpu.memory_space<vmem>>, vector<1x16xi32>,
    %dma_start3A_327 = arith.constant 0 : i32
    %dma_start3A_328 = arith.constant 0 : i32
    %dma_start3A_329 = arith.constant 0 : i32
    %dma_start3A_330 = arith.constant 0 : i32
    %dma_start3A_331 = tpu.memref_slice %arg13[%dma_start3A_328, %dma_start3A_329, %dma_start3A_330] : memref<2x128x64xf32, #tpu.memory_space<vmem>> -> memref<1x64x64xf32, #tpu.memory_space<vmem>>
    %dma_start3A_332 = tpu.memref_squeeze %dma_start3A_331 : memref<1x64x64xf32, #tpu.memory_space<vmem>> -> memref<64x64xf32, #tpu.memory_space<vmem>>
    %dma_start3A_333 = arith.constant 0 : i32
    %dma_start3A_334 = tpu.memref_slice %arg12[%dma_start3A_327, %dma_start3A_333] : memref<2x128xi32, #tpu.memory_space<vmem>> -> memref<1x64xi32, #tpu.memory_space<vmem>>
    %dma_start3A_335 = tpu.memref_squeeze %dma_start3A_334 : memref<1x64xi32, #tpu.memory_space<vmem>> -> memref<64xi32, #tpu.memory_space<vmem>>
    %dma_start3A_336 = arith.constant 0 : i32
    %dma_start3A_337 = arith.constant 0 : i32
    %dma_start3A_338 = tpu.memref_slice %arg2[%dma_start3A_336, %dma_start3A_337] : memref<20480x64xf32, #tpu.memory_space<hbm>> -> memref<20480x64xf32, #tpu.memory_space<hbm>>
    tpu.enqueue_indirect_dma source(%dma_start3A_338 : memref<20480x64xf32, #tpu.memory_space<hbm>>) target(%dma_start3A_332 : memref<64x64xf32, #tpu.memory_space<vmem>>) offsets(%dma_start3A_335 : memref<64xi32, #tpu.memory_space<vmem>>) semaphore(%arg23 : memref<!tpu.dma_semaphore, #tpu.memory_space<semaphore_mem>>)
    %dma_start3A_339 = arith.constant 0 : i32
    %dma_start3A_340 = arith.constant 0 : i32
    %dma_start3A_341 = arith.constant 0 : i32
    %dma_start3A_342 = arith.constant 0 : i32
    %dma_start3A_343 = tpu.memref_slice %arg14[%dma_start3A_340, %dma_start3A_341, %dma_start3A_342] : memref<2x128x64xf32, #tpu.memory_space<vmem>> -> memref<1x64x64xf32, #tpu.memory_space<vmem>>
    %dma_start3A_344 = tpu.memref_squeeze %dma_start3A_343 : memref<1x64x64xf32, #tpu.memory_space<vmem>> -> memref<64x64xf32, #tpu.memory_space<vmem>>
    %dma_start3A_345 = arith.constant 0 : i32
    %dma_start3A_346 = tpu.memref_slice %arg10[%dma_start3A_339, %dma_start3A_345] : memref<2x128xi32, #tpu.memory_space<vmem>> -> memref<1x64xi32, #tpu.memory_space<vmem>>
    %dma_start3A_347 = tpu.memref_squeeze %dma_start3A_346 : memref<1x64xi32, #tpu.memory_space<vmem>> -> memref<64xi32, #tpu.memory_space<vmem>>
    %dma_start3A_348 = arith.constant 0 : i32
    %dma_start3A_349 = arith.constant 0 : i32
    %dma_start3A_350 = tpu.memref_slice %arg3[%dma_start3A_348, %dma_start3A_349] : memref<20480x64xf32, #tpu.memory_space<hbm>> -> memref<20480x64xf32, #tpu.memory_space<hbm>>
    tpu.enqueue_indirect_dma source(%dma_start3A_350 : memref<20480x64xf32, #tpu.memory_space<hbm>>) target(%dma_start3A_344 : memref<64x64xf32, #tpu.memory_space<vmem>>) offsets(%dma_start3A_347 : memref<64xi32, #tpu.memory_space<vmem>>) semaphore(%arg25 : memref<!tpu.dma_semaphore, #tpu.memory_space<semaphore_mem>>)
    %dma_start3A_351 = arith.constant 0 : i32
    %dma_start3A_352 = arith.constant 0 : i32
    %dma_start3A_353 = arith.constant 64 : i32
    %dma_start3A_354 = arith.constant 0 : i32
    %dma_start3A_355 = tpu.memref_slice %arg13[%dma_start3A_352, %dma_start3A_353, %dma_start3A_354] : memref<2x128x64xf32, #tpu.memory_space<vmem>> -> memref<1x64x64xf32, #tpu.memory_space<vmem>>
    %dma_start3A_356 = tpu.memref_squeeze %dma_start3A_355 : memref<1x64x64xf32, #tpu.memory_space<vmem>> -> memref<64x64xf32, #tpu.memory_space<vmem>>
    %dma_start3A_357 = arith.constant 64 : i32
    %dma_start3A_358 = tpu.memref_slice %arg12[%dma_start3A_351, %dma_start3A_357] : memref<2x128xi32, #tpu.memory_space<vmem>> -> memref<1x64xi32, #tpu.memory_space<vmem>>
    %dma_start3A_359 = tpu.memref_squeeze %dma_start3A_358 : memref<1x64xi32, #tpu.memory_space<vmem>> -> memref<64xi32, #tpu.memory_space<vmem>>
    %dma_start3A_360 = arith.constant 0 : i32
    %dma_start3A_361 = arith.constant 0 : i32
    %dma_start3A_362 = tpu.memref_slice %arg2[%dma_start3A_360, %dma_start3A_361] : memref<20480x64xf32, #tpu.memory_space<hbm>> -> memref<20480x64xf32, #tpu.memory_space<hbm>>
    tpu.enqueue_indirect_dma source(%dma_start3A_362 : memref<20480x64xf32, #tpu.memory_space<hbm>>) target(%dma_start3A_356 : memref<64x64xf32, #tpu.memory_space<vmem>>) offsets(%dma_start3A_359 : memref<64xi32, #tpu.memory_space<vmem>>) semaphore(%arg23 : memref<!tpu.dma_semaphore, #tpu.memory_space<semaphore_mem>>)
    %dma_start3A_363 = arith.constant 0 : i32
    %dma_start3A_364 = arith.constant 0 : i32
    %dma_start3A_365 = arith.constant 64 : i32
    %dma_start3A_366 = arith.constant 0 : i32
    %dma_start3A_367 = tpu.memref_slice %arg14[%dma_start3A_364, %dma_start3A_365, %dma_start3A_366] : memref<2x128x64xf32, #tpu.memory_space<vmem>> -> memref<1x64x64xf32, #tpu.memory_space<vmem>>
    %dma_start3A_368 = tpu.memref_squeeze %dma_start3A_367 : memref<1x64x64xf32, #tpu.memory_space<vmem>> -> memref<64x64xf32, #tpu.memory_space<vmem>>
    %dma_start3A_369 = arith.constant 64 : i32
    %dma_start3A_370 = tpu.memref_slice %arg10[%dma_start3A_363, %dma_start3A_369] : memref<2x128xi32, #tpu.memory_space<vmem>> -> memref<1x64xi32, #tpu.memory_space<vmem>>
    %dma_start3A_371 = tpu.memref_squeeze %dma_start3A_370 : memref<1x64xi32, #tpu.memory_space<vmem>> -> memref<64xi32, #tpu.memory_space<vmem>>
    %dma_start3A_372 = arith.constant 0 : i32
    %dma_start3A_373 = arith.constant 0 : i32
    %dma_start3A_374 = tpu.memref_slice %arg3[%dma_start3A_372, %dma_start3A_373] : memref<20480x64xf32, #tpu.memory_space<hbm>> -> memref<20480x64xf32, #tpu.memory_space<hbm>>
    tpu.enqueue_indirect_dma source(%dma_start3A_374 : memref<20480x64xf32, #tpu.memory_space<hbm>>) target(%dma_start3A_368 : memref<64x64xf32, #tpu.memory_space<vmem>>) offsets(%dma_start3A_371 : memref<64xi32, #tpu.memory_space<vmem>>) semaphore(%arg25 : memref<!tpu.dma_semaphore, #tpu.memory_space<semaphore_mem>>)
    %scan3A_375 = arith.constant 0 : i32
    %scan3A_376 = arith.constant 0 : i32
    %scan3A_377 = arith.constant 79 : i32
    %scan3A_378 = arith.addi %scan3A_376, %scan3A_377 : i32
    %scan3A_379 = arith.constant 1 : i32
    scf.for %scan3A_420 = %scan3A_376 to %scan3A_378 step %scan3A_379  : i32 {
      %mul3A_421 = arith.constant 2 : i32
      %mul3A_422 = arith.muli %mul3A_421, %scan3A_420 : i32
      %add3A_423 = arith.constant 0 : i32
      %add3A_424 = arith.addi %mul3A_422, %add3A_423 : i32
      %add3A_425 = arith.constant 1 : i32
      %add3A_426 = arith.addi %add3A_424, %add3A_425 : i32
      %add3A_427 = arith.constant 2 : i32
      %add3A_428 = arith.addi %add3A_424, %add3A_427 : i32
      %lt3A = arith.constant 158 : i32
      %lt3A_429 = arith.cmpi slt, %add3A_428, %lt3A : i32
      %convert_element_type3A_430 = arith.extui %lt3A_429 : i1 to i32
      %cond3A_431 = arith.constant 0 : i32
      %cond3A_432 = arith.cmpi ne, %convert_element_type3A_430, %cond3A_431 : i32
      scf.if %cond3A_432 {
        %add3A_598 = arith.constant 2 : i32
        %add3A_599 = arith.addi %add3A_424, %add3A_598 : i32
        %mul3A_600 = arith.constant 128 : i32
        %mul3A_601 = arith.muli %add3A_599, %mul3A_600 : i32
        %add3A_602 = arith.addi %mul3A_30, %mul3A_601 : i32
        %dma_start3A_603 = arith.constant 0 : i32
        %dma_start3A_604 = arith.constant 0 : i32
        %dma_start3A_605 = tpu.memref_slice %arg8[%dma_start3A_603, %dma_start3A_604] : memref<2x128xi32, #tpu.memory_space<vmem>> -> memref<1x128xi32, #tpu.memory_space<vmem>>
        %dma_start3A_606 = tpu.memref_squeeze %dma_start3A_605 : memref<1x128xi32, #tpu.memory_space<vmem>> -> memref<128xi32, #tpu.memory_space<vmem>>
        %dma_start3A_607 = tpu.memref_slice %arg4[%add3A_602] : memref<323584xi32, #tpu.memory_space<hbm>> -> memref<128xi32, #tpu.memory_space<hbm>>
        %dma_start3A_608 = arith.constant 0 : i32
        %dma_start3A_609 = tpu.memref_slice %arg8[%dma_start3A_603, %dma_start3A_608] : memref<2x128xi32, #tpu.memory_space<vmem>> -> memref<1x128xi32, #tpu.memory_space<vmem>>
        %dma_start3A_610 = tpu.memref_squeeze %dma_start3A_609 : memref<1x128xi32, #tpu.memory_space<vmem>> -> memref<128xi32, #tpu.memory_space<vmem>>
        %dma_start3A_611 = tpu.memref_slice %arg4[%add3A_602] : memref<323584xi32, #tpu.memory_space<hbm>> -> memref<128xi32, #tpu.memory_space<hbm>>
        tpu.enqueue_dma source(%dma_start3A_611 : memref<128xi32, #tpu.memory_space<hbm>>) target(%dma_start3A_610 : memref<128xi32, #tpu.memory_space<vmem>>) target_semaphore(%arg21 : memref<!tpu.dma_semaphore, #tpu.memory_space<semaphore_mem>>)
        %dma_start3A_612 = arith.constant 0 : i32
        %dma_start3A_613 = arith.constant 0 : i32
        %dma_start3A_614 = tpu.memref_slice %arg9[%dma_start3A_612, %dma_start3A_613] : memref<2x128xi32, #tpu.memory_space<vmem>> -> memref<1x128xi32, #tpu.memory_space<vmem>>
        %dma_start3A_615 = tpu.memref_squeeze %dma_start3A_614 : memref<1x128xi32, #tpu.memory_space<vmem>> -> memref<128xi32, #tpu.memory_space<vmem>>
        %dma_start3A_616 = tpu.memref_slice %arg5[%add3A_602] : memref<323584xi32, #tpu.memory_space<hbm>> -> memref<128xi32, #tpu.memory_space<hbm>>
        %dma_start3A_617 = arith.constant 0 : i32
        %dma_start3A_618 = tpu.memref_slice %arg9[%dma_start3A_612, %dma_start3A_617] : memref<2x128xi32, #tpu.memory_space<vmem>> -> memref<1x128xi32, #tpu.memory_space<vmem>>
        %dma_start3A_619 = tpu.memref_squeeze %dma_start3A_618 : memref<1x128xi32, #tpu.memory_space<vmem>> -> memref<128xi32, #tpu.memory_space<vmem>>
        %dma_start3A_620 = tpu.memref_slice %arg5[%add3A_602] : memref<323584xi32, #tpu.memory_space<hbm>> -> memref<128xi32, #tpu.memory_space<hbm>>
        tpu.enqueue_dma source(%dma_start3A_620 : memref<128xi32, #tpu.memory_space<hbm>>) target(%dma_start3A_619 : memref<128xi32, #tpu.memory_space<vmem>>) target_semaphore(%arg21 : memref<!tpu.dma_semaphore, #tpu.memory_space<semaphore_mem>>)
      } else {
      }
      %lt3A_433 = arith.constant 158 : i32
      %lt3A_434 = arith.cmpi slt, %add3A_426, %lt3A_433 : i32
      %convert_element_type3A_435 = arith.extui %lt3A_434 : i1 to i32
      %cond3A_436 = arith.constant 0 : i32
      %cond3A_437 = arith.cmpi ne, %convert_element_type3A_435, %cond3A_436 : i32
      scf.if %cond3A_437 {
        %ge3A = arith.constant 2 : i32
        %ge3A_598 = arith.cmpi sge, %add3A_426, %ge3A : i32
        %convert_element_type3A_599 = arith.extui %ge3A_598 : i1 to i32
        %cond3A_600 = arith.constant 0 : i32
        %cond3A_601 = arith.cmpi ne, %convert_element_type3A_599, %cond3A_600 : i32
        scf.if %cond3A_601 {
          %dma_wait3A_911 = arith.constant 1 : i32
          %dma_wait3A_912 = arith.constant 1 : i32
          %dma_wait3A_913 = arith.constant 0 : i32
          %dma_wait3A_914 = arith.constant 0 : i32
          %dma_wait3A_915 = tpu.memref_slice %arg15[%dma_wait3A_911, %dma_wait3A_913, %dma_wait3A_914] : memref<2x128x64xf32, #tpu.memory_space<vmem>> -> memref<1x128x64xf32, #tpu.memory_space<vmem>>
          %dma_wait3A_916 = tpu.memref_squeeze %dma_wait3A_915 : memref<1x128x64xf32, #tpu.memory_space<vmem>> -> memref<128x64xf32, #tpu.memory_space<vmem>>
          %dma_wait3A_917 = arith.constant 0 : i32
          %dma_wait3A_918 = tpu.memref_slice %arg11[%dma_wait3A_912, %dma_wait3A_917] : memref<2x128xi32, #tpu.memory_space<vmem>> -> memref<1x128xi32, #tpu.memory_space<vmem>>
          %dma_wait3A_919 = tpu.memref_squeeze %dma_wait3A_918 : memref<1x128xi32, #tpu.memory_space<vmem>> -> memref<128xi32, #tpu.memory_space<vmem>>
          %dma_wait3A_920 = arith.constant 0 : i32
          %dma_wait3A_921 = arith.constant 0 : i32
          %dma_wait3A_922 = tpu.memref_slice %arg19[%dma_wait3A_920, %dma_wait3A_921] : memref<10240x64xf32, #tpu.memory_space<vmem_shared>> -> memref<10240x64xf32, #tpu.memory_space<vmem_shared>>
          tpu.wait_indirect_dma semaphore(%arg28 : memref<!tpu.dma_semaphore, #tpu.memory_space<semaphore_mem>>) src(%dma_wait3A_916 : memref<128x64xf32, #tpu.memory_space<vmem>>) dst(%dma_wait3A_922 : memref<10240x64xf32, #tpu.memory_space<vmem_shared>>)
          %eq3A_923 = arith.constant 0 : i32
          %eq3A_924 = arith.cmpi eq, %arg0, %eq3A_923 : i32
          %convert_element_type3A_925 = arith.extui %eq3A_924 : i1 to i32
          %cond3A_926 = arith.constant 0 : i32
          %cond3A_927 = arith.cmpi ne, %convert_element_type3A_925, %cond3A_926 : i32
          scf.if %cond3A_927 {
            %dma_wait3A_928 = arith.constant 1 : i32
            %dma_wait3A_929 = arith.constant 0 : i32
            %dma_wait3A_930 = tpu.memref_slice %arg11[%dma_wait3A_928, %dma_wait3A_929] : memref<2x128xi32, #tpu.memory_space<vmem>> -> memref<1x128xi32, #tpu.memory_space<vmem>>
            %dma_wait3A_931 = tpu.memref_squeeze %dma_wait3A_930 : memref<1x128xi32, #tpu.memory_space<vmem>> -> memref<128xi32, #tpu.memory_space<vmem>>
            %dma_wait3A_932 = arith.constant 0 : i32
            %dma_wait3A_933 = arith.constant 0 : i32
            %dma_wait3A_934 = tpu.memref_slice %arg20[%dma_wait3A_932, %dma_wait3A_933] : memref<10240x16xf32, #tpu.memory_space<vmem_shared>> -> memref<10240x16xf32, #tpu.memory_space<vmem_shared>>
            tpu.wait_indirect_dma semaphore(%arg30 : memref<!tpu.dma_semaphore, #tpu.memory_space<semaphore_mem>>) src(%arg16 : memref<128x16xf32, #tpu.memory_space<vmem>>) dst(%dma_wait3A_934 : memref<10240x16xf32, #tpu.memory_space<vmem_shared>>)
          } else {
          }
        } else {
        }
        %mul3A_602 = arith.constant 128 : i32
        %mul3A_603 = arith.muli %add3A_426, %mul3A_602 : i32
        %add3A_604 = arith.addi %mul3A_30, %mul3A_603 : i32
        %dma_wait3A_605 = arith.constant 1 : i32
        %dma_wait3A_606 = arith.constant 0 : i32
        %dma_wait3A_607 = tpu.memref_slice %arg8[%dma_wait3A_605, %dma_wait3A_606] : memref<2x128xi32, #tpu.memory_space<vmem>> -> memref<1x128xi32, #tpu.memory_space<vmem>>
        %dma_wait3A_608 = tpu.memref_squeeze %dma_wait3A_607 : memref<1x128xi32, #tpu.memory_space<vmem>> -> memref<128xi32, #tpu.memory_space<vmem>>
        %dma_wait3A_609 = tpu.memref_slice %arg4[%add3A_604] : memref<323584xi32, #tpu.memory_space<hbm>> -> memref<128xi32, #tpu.memory_space<hbm>>
        %dma_wait3A_610 = arith.constant 0 : i32
        %dma_wait3A_611 = tpu.memref_slice %arg8[%dma_wait3A_605, %dma_wait3A_610] : memref<2x128xi32, #tpu.memory_space<vmem>> -> memref<1x128xi32, #tpu.memory_space<vmem>>
        %dma_wait3A_612 = tpu.memref_squeeze %dma_wait3A_611 : memref<1x128xi32, #tpu.memory_space<vmem>> -> memref<128xi32, #tpu.memory_space<vmem>>
        %dma_wait3A_613 = tpu.memref_slice %arg4[%add3A_604] : memref<323584xi32, #tpu.memory_space<hbm>> -> memref<128xi32, #tpu.memory_space<hbm>>
        tpu.wait_dma2 semaphore(%arg22 : memref<!tpu.dma_semaphore, #tpu.memory_space<semaphore_mem>>) src(%dma_wait3A_613 : memref<128xi32, #tpu.memory_space<hbm>>) dst(%dma_wait3A_612 : memref<128xi32, #tpu.memory_space<vmem>>)
        %dma_wait3A_614 = arith.constant 1 : i32
        %dma_wait3A_615 = arith.constant 0 : i32
        %dma_wait3A_616 = tpu.memref_slice %arg9[%dma_wait3A_614, %dma_wait3A_615] : memref<2x128xi32, #tpu.memory_space<vmem>> -> memref<1x128xi32, #tpu.memory_space<vmem>>
        %dma_wait3A_617 = tpu.memref_squeeze %dma_wait3A_616 : memref<1x128xi32, #tpu.memory_space<vmem>> -> memref<128xi32, #tpu.memory_space<vmem>>
        %dma_wait3A_618 = tpu.memref_slice %arg5[%add3A_604] : memref<323584xi32, #tpu.memory_space<hbm>> -> memref<128xi32, #tpu.memory_space<hbm>>
        %dma_wait3A_619 = arith.constant 0 : i32
        %dma_wait3A_620 = tpu.memref_slice %arg9[%dma_wait3A_614, %dma_wait3A_619] : memref<2x128xi32, #tpu.memory_space<vmem>> -> memref<1x128xi32, #tpu.memory_space<vmem>>
        %dma_wait3A_621 = tpu.memref_squeeze %dma_wait3A_620 : memref<1x128xi32, #tpu.memory_space<vmem>> -> memref<128xi32, #tpu.memory_space<vmem>>
        %dma_wait3A_622 = tpu.memref_slice %arg5[%add3A_604] : memref<323584xi32, #tpu.memory_space<hbm>> -> memref<128xi32, #tpu.memory_space<hbm>>
        tpu.wait_dma2 semaphore(%arg22 : memref<!tpu.dma_semaphore, #tpu.memory_space<semaphore_mem>>) src(%dma_wait3A_622 : memref<128xi32, #tpu.memory_space<hbm>>) dst(%dma_wait3A_621 : memref<128xi32, #tpu.memory_space<vmem>>)
        %get3A_623 = arith.constant 1 : i32
        %get3A_624 = arith.index_cast %get3A_623 : i32 to index
        %get3A_625 = arith.constant 0 : index
        %get3A_626 = tpu.vector_load %arg8[%get3A_624, %get3A_625] {strides = array<i32>} : memref<2x128xi32, #tpu.memory_space<vmem>>, vector<1x16xi32>,
        %get3A_627 = vector.shape_cast %get3A_626 : vector<1x16xi32> to vector<16xi32>
        %get3A_628 = arith.constant 1 : i32
        %get3A_629 = arith.index_cast %get3A_628 : i32 to index
        %get3A_630 = arith.constant 0 : index
        %get3A_631 = tpu.vector_load %arg9[%get3A_629, %get3A_630] {strides = array<i32>} : memref<2x128xi32, #tpu.memory_space<vmem>>, vector<1x16xi32>,
        %get3A_632 = vector.shape_cast %get3A_631 : vector<1x16xi32> to vector<16xi32>
        %add3A_633 = arith.addi %get3A_627, %broadcast_in_dim3A_4 : vector<16xi32>
        %swap3A_634 = arith.constant 1 : i32
        %swap3A_635 = arith.index_cast %swap3A_634 : i32 to index
        %swap3A_636 = arith.constant 0 : index
        %swap3A_637 = tpu.vector_load %arg10[%swap3A_635, %swap3A_636] {strides = array<i32>} : memref<2x128xi32, #tpu.memory_space<vmem>>, vector<1x16xi32>,
        %swap3A_638 = vector.shape_cast %swap3A_637 : vector<1x16xi32> to vector<16xi32>
        %swap3A_639 = vector.shape_cast %add3A_633 : vector<16xi32> to vector<1x16xi32>
        tpu.vector_store %arg10[%swap3A_635, %swap3A_636], %swap3A_639 {strides = array<i32>} : memref<2x128xi32, #tpu.memory_space<vmem>>, vector<1x16xi32>,
        %swap3A_640 = arith.constant 1 : i32
        %swap3A_641 = arith.index_cast %swap3A_640 : i32 to index
        %swap3A_642 = arith.constant 0 : index
        %swap3A_643 = tpu.vector_load %arg11[%swap3A_641, %swap3A_642] {strides = array<i32>} : memref<2x128xi32, #tpu.memory_space<vmem>>, vector<1x16xi32>,
        %swap3A_644 = vector.shape_cast %swap3A_643 : vector<1x16xi32> to vector<16xi32>
        %swap3A_645 = vector.shape_cast %get3A_632 : vector<16xi32> to vector<1x16xi32>
        tpu.vector_store %arg11[%swap3A_641, %swap3A_642], %swap3A_645 {strides = array<i32>} : memref<2x128xi32, #tpu.memory_space<vmem>>, vector<1x16xi32>,
        %add3A_646 = arith.addi %get3A_632, %broadcast_in_dim3A_4 : vector<16xi32>
        %swap3A_647 = arith.constant 1 : i32
        %swap3A_648 = arith.index_cast %swap3A_647 : i32 to index
        %swap3A_649 = arith.constant 0 : index
        %swap3A_650 = tpu.vector_load %arg12[%swap3A_648, %swap3A_649] {strides = array<i32>} : memref<2x128xi32, #tpu.memory_space<vmem>>, vector<1x16xi32>,
        %swap3A_651 = vector.shape_cast %swap3A_650 : vector<1x16xi32> to vector<16xi32>
        %swap3A_652 = vector.shape_cast %add3A_646 : vector<16xi32> to vector<1x16xi32>
        tpu.vector_store %arg12[%swap3A_648, %swap3A_649], %swap3A_652 {strides = array<i32>} : memref<2x128xi32, #tpu.memory_space<vmem>>, vector<1x16xi32>,
        %get3A_653 = arith.constant 1 : i32
        %get3A_654 = arith.index_cast %get3A_653 : i32 to index
        %get3A_655 = arith.constant 16 : index
        %get3A_656 = tpu.vector_load %arg8[%get3A_654, %get3A_655] {strides = array<i32>} : memref<2x128xi32, #tpu.memory_space<vmem>>, vector<1x16xi32>,
        %get3A_657 = vector.shape_cast %get3A_656 : vector<1x16xi32> to vector<16xi32>
        %get3A_658 = arith.constant 1 : i32
        %get3A_659 = arith.index_cast %get3A_658 : i32 to index
        %get3A_660 = arith.constant 16 : index
        %get3A_661 = tpu.vector_load %arg9[%get3A_659, %get3A_660] {strides = array<i32>} : memref<2x128xi32, #tpu.memory_space<vmem>>, vector<1x16xi32>,
        %get3A_662 = vector.shape_cast %get3A_661 : vector<1x16xi32> to vector<16xi32>
        %add3A_663 = arith.addi %get3A_657, %broadcast_in_dim3A_4 : vector<16xi32>
        %swap3A_664 = arith.constant 1 : i32
        %swap3A_665 = arith.index_cast %swap3A_664 : i32 to index
        %swap3A_666 = arith.constant 16 : index
        %swap3A_667 = tpu.vector_load %arg10[%swap3A_665, %swap3A_666] {strides = array<i32>} : memref<2x128xi32, #tpu.memory_space<vmem>>, vector<1x16xi32>,
        %swap3A_668 = vector.shape_cast %swap3A_667 : vector<1x16xi32> to vector<16xi32>
        %swap3A_669 = vector.shape_cast %add3A_663 : vector<16xi32> to vector<1x16xi32>
        tpu.vector_store %arg10[%swap3A_665, %swap3A_666], %swap3A_669 {strides = array<i32>} : memref<2x128xi32, #tpu.memory_space<vmem>>, vector<1x16xi32>,
        %swap3A_670 = arith.constant 1 : i32
        %swap3A_671 = arith.index_cast %swap3A_670 : i32 to index
        %swap3A_672 = arith.constant 16 : index
        %swap3A_673 = tpu.vector_load %arg11[%swap3A_671, %swap3A_672] {strides = array<i32>} : memref<2x128xi32, #tpu.memory_space<vmem>>, vector<1x16xi32>,
        %swap3A_674 = vector.shape_cast %swap3A_673 : vector<1x16xi32> to vector<16xi32>
        %swap3A_675 = vector.shape_cast %get3A_662 : vector<16xi32> to vector<1x16xi32>
        tpu.vector_store %arg11[%swap3A_671, %swap3A_672], %swap3A_675 {strides = array<i32>} : memref<2x128xi32, #tpu.memory_space<vmem>>, vector<1x16xi32>,
        %add3A_676 = arith.addi %get3A_662, %broadcast_in_dim3A_4 : vector<16xi32>
        %swap3A_677 = arith.constant 1 : i32
        %swap3A_678 = arith.index_cast %swap3A_677 : i32 to index
        %swap3A_679 = arith.constant 16 : index
        %swap3A_680 = tpu.vector_load %arg12[%swap3A_678, %swap3A_679] {strides = array<i32>} : memref<2x128xi32, #tpu.memory_space<vmem>>, vector<1x16xi32>,
        %swap3A_681 = vector.shape_cast %swap3A_680 : vector<1x16xi32> to vector<16xi32>
        %swap3A_682 = vector.shape_cast %add3A_676 : vector<16xi32> to vector<1x16xi32>
        tpu.vector_store %arg12[%swap3A_678, %swap3A_679], %swap3A_682 {strides = array<i32>} : memref<2x128xi32, #tpu.memory_space<vmem>>, vector<1x16xi32>,
        %get3A_683 = arith.constant 1 : i32
        %get3A_684 = arith.index_cast %get3A_683 : i32 to index
        %get3A_685 = arith.constant 32 : index
        %get3A_686 = tpu.vector_load %arg8[%get3A_684, %get3A_685] {strides = array<i32>} : memref<2x128xi32, #tpu.memory_space<vmem>>, vector<1x16xi32>,
        %get3A_687 = vector.shape_cast %get3A_686 : vector<1x16xi32> to vector<16xi32>
        %get3A_688 = arith.constant 1 : i32
        %get3A_689 = arith.index_cast %get3A_688 : i32 to index
        %get3A_690 = arith.constant 32 : index
        %get3A_691 = tpu.vector_load %arg9[%get3A_689, %get3A_690] {strides = array<i32>} : memref<2x128xi32, #tpu.memory_space<vmem>>, vector<1x16xi32>,
        %get3A_692 = vector.shape_cast %get3A_691 : vector<1x16xi32> to vector<16xi32>
        %add3A_693 = arith.addi %get3A_687, %broadcast_in_dim3A_4 : vector<16xi32>
        %swap3A_694 = arith.constant 1 : i32
        %swap3A_695 = arith.index_cast %swap3A_694 : i32 to index
        %swap3A_696 = arith.constant 32 : index
        %swap3A_697 = tpu.vector_load %arg10[%swap3A_695, %swap3A_696] {strides = array<i32>} : memref<2x128xi32, #tpu.memory_space<vmem>>, vector<1x16xi32>,
        %swap3A_698 = vector.shape_cast %swap3A_697 : vector<1x16xi32> to vector<16xi32>
        %swap3A_699 = vector.shape_cast %add3A_693 : vector<16xi32> to vector<1x16xi32>
        tpu.vector_store %arg10[%swap3A_695, %swap3A_696], %swap3A_699 {strides = array<i32>} : memref<2x128xi32, #tpu.memory_space<vmem>>, vector<1x16xi32>,
        %swap3A_700 = arith.constant 1 : i32
        %swap3A_701 = arith.index_cast %swap3A_700 : i32 to index
        %swap3A_702 = arith.constant 32 : index
        %swap3A_703 = tpu.vector_load %arg11[%swap3A_701, %swap3A_702] {strides = array<i32>} : memref<2x128xi32, #tpu.memory_space<vmem>>, vector<1x16xi32>,
        %swap3A_704 = vector.shape_cast %swap3A_703 : vector<1x16xi32> to vector<16xi32>
        %swap3A_705 = vector.shape_cast %get3A_692 : vector<16xi32> to vector<1x16xi32>
        tpu.vector_store %arg11[%swap3A_701, %swap3A_702], %swap3A_705 {strides = array<i32>} : memref<2x128xi32, #tpu.memory_space<vmem>>, vector<1x16xi32>,
        %add3A_706 = arith.addi %get3A_692, %broadcast_in_dim3A_4 : vector<16xi32>
        %swap3A_707 = arith.constant 1 : i32
        %swap3A_708 = arith.index_cast %swap3A_707 : i32 to index
        %swap3A_709 = arith.constant 32 : index
        %swap3A_710 = tpu.vector_load %arg12[%swap3A_708, %swap3A_709] {strides = array<i32>} : memref<2x128xi32, #tpu.memory_space<vmem>>, vector<1x16xi32>,
        %swap3A_711 = vector.shape_cast %swap3A_710 : vector<1x16xi32> to vector<16xi32>
        %swap3A_712 = vector.shape_cast %add3A_706 : vector<16xi32> to vector<1x16xi32>
        tpu.vector_store %arg12[%swap3A_708, %swap3A_709], %swap3A_712 {strides = array<i32>} : memref<2x128xi32, #tpu.memory_space<vmem>>, vector<1x16xi32>,
        %get3A_713 = arith.constant 1 : i32
        %get3A_714 = arith.index_cast %get3A_713 : i32 to index
        %get3A_715 = arith.constant 48 : index
        %get3A_716 = tpu.vector_load %arg8[%get3A_714, %get3A_715] {strides = array<i32>} : memref<2x128xi32, #tpu.memory_space<vmem>>, vector<1x16xi32>,
        %get3A_717 = vector.shape_cast %get3A_716 : vector<1x16xi32> to vector<16xi32>
        %get3A_718 = arith.constant 1 : i32
        %get3A_719 = arith.index_cast %get3A_718 : i32 to index
        %get3A_720 = arith.constant 48 : index
        %get3A_721 = tpu.vector_load %arg9[%get3A_719, %get3A_720] {strides = array<i32>} : memref<2x128xi32, #tpu.memory_space<vmem>>, vector<1x16xi32>,
        %get3A_722 = vector.shape_cast %get3A_721 : vector<1x16xi32> to vector<16xi32>
        %add3A_723 = arith.addi %get3A_717, %broadcast_in_dim3A_4 : vector<16xi32>
        %swap3A_724 = arith.constant 1 : i32
        %swap3A_725 = arith.index_cast %swap3A_724 : i32 to index
        %swap3A_726 = arith.constant 48 : index
        %swap3A_727 = tpu.vector_load %arg10[%swap3A_725, %swap3A_726] {strides = array<i32>} : memref<2x128xi32, #tpu.memory_space<vmem>>, vector<1x16xi32>,
        %swap3A_728 = vector.shape_cast %swap3A_727 : vector<1x16xi32> to vector<16xi32>
        %swap3A_729 = vector.shape_cast %add3A_723 : vector<16xi32> to vector<1x16xi32>
        tpu.vector_store %arg10[%swap3A_725, %swap3A_726], %swap3A_729 {strides = array<i32>} : memref<2x128xi32, #tpu.memory_space<vmem>>, vector<1x16xi32>,
        %swap3A_730 = arith.constant 1 : i32
        %swap3A_731 = arith.index_cast %swap3A_730 : i32 to index
        %swap3A_732 = arith.constant 48 : index
        %swap3A_733 = tpu.vector_load %arg11[%swap3A_731, %swap3A_732] {strides = array<i32>} : memref<2x128xi32, #tpu.memory_space<vmem>>, vector<1x16xi32>,
        %swap3A_734 = vector.shape_cast %swap3A_733 : vector<1x16xi32> to vector<16xi32>
        %swap3A_735 = vector.shape_cast %get3A_722 : vector<16xi32> to vector<1x16xi32>
        tpu.vector_store %arg11[%swap3A_731, %swap3A_732], %swap3A_735 {strides = array<i32>} : memref<2x128xi32, #tpu.memory_space<vmem>>, vector<1x16xi32>,
        %add3A_736 = arith.addi %get3A_722, %broadcast_in_dim3A_4 : vector<16xi32>
        %swap3A_737 = arith.constant 1 : i32
        %swap3A_738 = arith.index_cast %swap3A_737 : i32 to index
        %swap3A_739 = arith.constant 48 : index
        %swap3A_740 = tpu.vector_load %arg12[%swap3A_738, %swap3A_739] {strides = array<i32>} : memref<2x128xi32, #tpu.memory_space<vmem>>, vector<1x16xi32>,
        %swap3A_741 = vector.shape_cast %swap3A_740 : vector<1x16xi32> to vector<16xi32>
        %swap3A_742 = vector.shape_cast %add3A_736 : vector<16xi32> to vector<1x16xi32>
        tpu.vector_store %arg12[%swap3A_738, %swap3A_739], %swap3A_742 {strides = array<i32>} : memref<2x128xi32, #tpu.memory_space<vmem>>, vector<1x16xi32>,
        %get3A_743 = arith.constant 1 : i32
        %get3A_744 = arith.index_cast %get3A_743 : i32 to index
        %get3A_745 = arith.constant 64 : index
        %get3A_746 = tpu.vector_load %arg8[%get3A_744, %get3A_745] {strides = array<i32>} : memref<2x128xi32, #tpu.memory_space<vmem>>, vector<1x16xi32>,
        %get3A_747 = vector.shape_cast %get3A_746 : vector<1x16xi32> to vector<16xi32>
        %get3A_748 = arith.constant 1 : i32
        %get3A_749 = arith.index_cast %get3A_748 : i32 to index
        %get3A_750 = arith.constant 64 : index
        %get3A_751 = tpu.vector_load %arg9[%get3A_749, %get3A_750] {strides = array<i32>} : memref<2x128xi32, #tpu.memory_space<vmem>>, vector<1x16xi32>,
        %get3A_752 = vector.shape_cast %get3A_751 : vector<1x16xi32> to vector<16xi32>
        %add3A_753 = arith.addi %get3A_747, %broadcast_in_dim3A_4 : vector<16xi32>
        %swap3A_754 = arith.constant 1 : i32
        %swap3A_755 = arith.index_cast %swap3A_754 : i32 to index
        %swap3A_756 = arith.constant 64 : index
        %swap3A_757 = tpu.vector_load %arg10[%swap3A_755, %swap3A_756] {strides = array<i32>} : memref<2x128xi32, #tpu.memory_space<vmem>>, vector<1x16xi32>,
        %swap3A_758 = vector.shape_cast %swap3A_757 : vector<1x16xi32> to vector<16xi32>
        %swap3A_759 = vector.shape_cast %add3A_753 : vector<16xi32> to vector<1x16xi32>
        tpu.vector_store %arg10[%swap3A_755, %swap3A_756], %swap3A_759 {strides = array<i32>} : memref<2x128xi32, #tpu.memory_space<vmem>>, vector<1x16xi32>,
        %swap3A_760 = arith.constant 1 : i32
        %swap3A_761 = arith.index_cast %swap3A_760 : i32 to index
        %swap3A_762 = arith.constant 64 : index
        %swap3A_763 = tpu.vector_load %arg11[%swap3A_761, %swap3A_762] {strides = array<i32>} : memref<2x128xi32, #tpu.memory_space<vmem>>, vector<1x16xi32>,
        %swap3A_764 = vector.shape_cast %swap3A_763 : vector<1x16xi32> to vector<16xi32>
        %swap3A_765 = vector.shape_cast %get3A_752 : vector<16xi32> to vector<1x16xi32>
        tpu.vector_store %arg11[%swap3A_761, %swap3A_762], %swap3A_765 {strides = array<i32>} : memref<2x128xi32, #tpu.memory_space<vmem>>, vector<1x16xi32>,
        %add3A_766 = arith.addi %get3A_752, %broadcast_in_dim3A_4 : vector<16xi32>
        %swap3A_767 = arith.constant 1 : i32
        %swap3A_768 = arith.index_cast %swap3A_767 : i32 to index
        %swap3A_769 = arith.constant 64 : index
        %swap3A_770 = tpu.vector_load %arg12[%swap3A_768, %swap3A_769] {strides = array<i32>} : memref<2x128xi32, #tpu.memory_space<vmem>>, vector<1x16xi32>,
        %swap3A_771 = vector.shape_cast %swap3A_770 : vector<1x16xi32> to vector<16xi32>
        %swap3A_772 = vector.shape_cast %add3A_766 : vector<16xi32> to vector<1x16xi32>
        tpu.vector_store %arg12[%swap3A_768, %swap3A_769], %swap3A_772 {strides = array<i32>} : memref<2x128xi32, #tpu.memory_space<vmem>>, vector<1x16xi32>,
        %get3A_773 = arith.constant 1 : i32
        %get3A_774 = arith.index_cast %get3A_773 : i32 to index
        %get3A_775 = arith.constant 80 : index
        %get3A_776 = tpu.vector_load %arg8[%get3A_774, %get3A_775] {strides = array<i32>} : memref<2x128xi32, #tpu.memory_space<vmem>>, vector<1x16xi32>,
        %get3A_777 = vector.shape_cast %get3A_776 : vector<1x16xi32> to vector<16xi32>
        %get3A_778 = arith.constant 1 : i32
        %get3A_779 = arith.index_cast %get3A_778 : i32 to index
        %get3A_780 = arith.constant 80 : index
        %get3A_781 = tpu.vector_load %arg9[%get3A_779, %get3A_780] {strides = array<i32>} : memref<2x128xi32, #tpu.memory_space<vmem>>, vector<1x16xi32>,
        %get3A_782 = vector.shape_cast %get3A_781 : vector<1x16xi32> to vector<16xi32>
        %add3A_783 = arith.addi %get3A_777, %broadcast_in_dim3A_4 : vector<16xi32>
        %swap3A_784 = arith.constant 1 : i32
        %swap3A_785 = arith.index_cast %swap3A_784 : i32 to index
        %swap3A_786 = arith.constant 80 : index
        %swap3A_787 = tpu.vector_load %arg10[%swap3A_785, %swap3A_786] {strides = array<i32>} : memref<2x128xi32, #tpu.memory_space<vmem>>, vector<1x16xi32>,
        %swap3A_788 = vector.shape_cast %swap3A_787 : vector<1x16xi32> to vector<16xi32>
        %swap3A_789 = vector.shape_cast %add3A_783 : vector<16xi32> to vector<1x16xi32>
        tpu.vector_store %arg10[%swap3A_785, %swap3A_786], %swap3A_789 {strides = array<i32>} : memref<2x128xi32, #tpu.memory_space<vmem>>, vector<1x16xi32>,
        %swap3A_790 = arith.constant 1 : i32
        %swap3A_791 = arith.index_cast %swap3A_790 : i32 to index
        %swap3A_792 = arith.constant 80 : index
        %swap3A_793 = tpu.vector_load %arg11[%swap3A_791, %swap3A_792] {strides = array<i32>} : memref<2x128xi32, #tpu.memory_space<vmem>>, vector<1x16xi32>,
        %swap3A_794 = vector.shape_cast %swap3A_793 : vector<1x16xi32> to vector<16xi32>
        %swap3A_795 = vector.shape_cast %get3A_782 : vector<16xi32> to vector<1x16xi32>
        tpu.vector_store %arg11[%swap3A_791, %swap3A_792], %swap3A_795 {strides = array<i32>} : memref<2x128xi32, #tpu.memory_space<vmem>>, vector<1x16xi32>,
        %add3A_796 = arith.addi %get3A_782, %broadcast_in_dim3A_4 : vector<16xi32>
        %swap3A_797 = arith.constant 1 : i32
        %swap3A_798 = arith.index_cast %swap3A_797 : i32 to index
        %swap3A_799 = arith.constant 80 : index
        %swap3A_800 = tpu.vector_load %arg12[%swap3A_798, %swap3A_799] {strides = array<i32>} : memref<2x128xi32, #tpu.memory_space<vmem>>, vector<1x16xi32>,
        %swap3A_801 = vector.shape_cast %swap3A_800 : vector<1x16xi32> to vector<16xi32>
        %swap3A_802 = vector.shape_cast %add3A_796 : vector<16xi32> to vector<1x16xi32>
        tpu.vector_store %arg12[%swap3A_798, %swap3A_799], %swap3A_802 {strides = array<i32>} : memref<2x128xi32, #tpu.memory_space<vmem>>, vector<1x16xi32>,
        %get3A_803 = arith.constant 1 : i32
        %get3A_804 = arith.index_cast %get3A_803 : i32 to index
        %get3A_805 = arith.constant 96 : index
        %get3A_806 = tpu.vector_load %arg8[%get3A_804, %get3A_805] {strides = array<i32>} : memref<2x128xi32, #tpu.memory_space<vmem>>, vector<1x16xi32>,
        %get3A_807 = vector.shape_cast %get3A_806 : vector<1x16xi32> to vector<16xi32>
        %get3A_808 = arith.constant 1 : i32
        %get3A_809 = arith.index_cast %get3A_808 : i32 to index
        %get3A_810 = arith.constant 96 : index
        %get3A_811 = tpu.vector_load %arg9[%get3A_809, %get3A_810] {strides = array<i32>} : memref<2x128xi32, #tpu.memory_space<vmem>>, vector<1x16xi32>,
        %get3A_812 = vector.shape_cast %get3A_811 : vector<1x16xi32> to vector<16xi32>
        %add3A_813 = arith.addi %get3A_807, %broadcast_in_dim3A_4 : vector<16xi32>
        %swap3A_814 = arith.constant 1 : i32
        %swap3A_815 = arith.index_cast %swap3A_814 : i32 to index
        %swap3A_816 = arith.constant 96 : index
        %swap3A_817 = tpu.vector_load %arg10[%swap3A_815, %swap3A_816] {strides = array<i32>} : memref<2x128xi32, #tpu.memory_space<vmem>>, vector<1x16xi32>,
        %swap3A_818 = vector.shape_cast %swap3A_817 : vector<1x16xi32> to vector<16xi32>
        %swap3A_819 = vector.shape_cast %add3A_813 : vector<16xi32> to vector<1x16xi32>
        tpu.vector_store %arg10[%swap3A_815, %swap3A_816], %swap3A_819 {strides = array<i32>} : memref<2x128xi32, #tpu.memory_space<vmem>>, vector<1x16xi32>,
        %swap3A_820 = arith.constant 1 : i32
        %swap3A_821 = arith.index_cast %swap3A_820 : i32 to index
        %swap3A_822 = arith.constant 96 : index
        %swap3A_823 = tpu.vector_load %arg11[%swap3A_821, %swap3A_822] {strides = array<i32>} : memref<2x128xi32, #tpu.memory_space<vmem>>, vector<1x16xi32>,
        %swap3A_824 = vector.shape_cast %swap3A_823 : vector<1x16xi32> to vector<16xi32>
        %swap3A_825 = vector.shape_cast %get3A_812 : vector<16xi32> to vector<1x16xi32>
        tpu.vector_store %arg11[%swap3A_821, %swap3A_822], %swap3A_825 {strides = array<i32>} : memref<2x128xi32, #tpu.memory_space<vmem>>, vector<1x16xi32>,
        %add3A_826 = arith.addi %get3A_812, %broadcast_in_dim3A_4 : vector<16xi32>
        %swap3A_827 = arith.constant 1 : i32
        %swap3A_828 = arith.index_cast %swap3A_827 : i32 to index
        %swap3A_829 = arith.constant 96 : index
        %swap3A_830 = tpu.vector_load %arg12[%swap3A_828, %swap3A_829] {strides = array<i32>} : memref<2x128xi32, #tpu.memory_space<vmem>>, vector<1x16xi32>,
        %swap3A_831 = vector.shape_cast %swap3A_830 : vector<1x16xi32> to vector<16xi32>
        %swap3A_832 = vector.shape_cast %add3A_826 : vector<16xi32> to vector<1x16xi32>
        tpu.vector_store %arg12[%swap3A_828, %swap3A_829], %swap3A_832 {strides = array<i32>} : memref<2x128xi32, #tpu.memory_space<vmem>>, vector<1x16xi32>,
        %get3A_833 = arith.constant 1 : i32
        %get3A_834 = arith.index_cast %get3A_833 : i32 to index
        %get3A_835 = arith.constant 112 : index
        %get3A_836 = tpu.vector_load %arg8[%get3A_834, %get3A_835] {strides = array<i32>} : memref<2x128xi32, #tpu.memory_space<vmem>>, vector<1x16xi32>,
        %get3A_837 = vector.shape_cast %get3A_836 : vector<1x16xi32> to vector<16xi32>
        %get3A_838 = arith.constant 1 : i32
        %get3A_839 = arith.index_cast %get3A_838 : i32 to index
        %get3A_840 = arith.constant 112 : index
        %get3A_841 = tpu.vector_load %arg9[%get3A_839, %get3A_840] {strides = array<i32>} : memref<2x128xi32, #tpu.memory_space<vmem>>, vector<1x16xi32>,
        %get3A_842 = vector.shape_cast %get3A_841 : vector<1x16xi32> to vector<16xi32>
        %add3A_843 = arith.addi %get3A_837, %broadcast_in_dim3A_4 : vector<16xi32>
        %swap3A_844 = arith.constant 1 : i32
        %swap3A_845 = arith.index_cast %swap3A_844 : i32 to index
        %swap3A_846 = arith.constant 112 : index
        %swap3A_847 = tpu.vector_load %arg10[%swap3A_845, %swap3A_846] {strides = array<i32>} : memref<2x128xi32, #tpu.memory_space<vmem>>, vector<1x16xi32>,
        %swap3A_848 = vector.shape_cast %swap3A_847 : vector<1x16xi32> to vector<16xi32>
        %swap3A_849 = vector.shape_cast %add3A_843 : vector<16xi32> to vector<1x16xi32>
        tpu.vector_store %arg10[%swap3A_845, %swap3A_846], %swap3A_849 {strides = array<i32>} : memref<2x128xi32, #tpu.memory_space<vmem>>, vector<1x16xi32>,
        %swap3A_850 = arith.constant 1 : i32
        %swap3A_851 = arith.index_cast %swap3A_850 : i32 to index
        %swap3A_852 = arith.constant 112 : index
        %swap3A_853 = tpu.vector_load %arg11[%swap3A_851, %swap3A_852] {strides = array<i32>} : memref<2x128xi32, #tpu.memory_space<vmem>>, vector<1x16xi32>,
        %swap3A_854 = vector.shape_cast %swap3A_853 : vector<1x16xi32> to vector<16xi32>
        %swap3A_855 = vector.shape_cast %get3A_842 : vector<16xi32> to vector<1x16xi32>
        tpu.vector_store %arg11[%swap3A_851, %swap3A_852], %swap3A_855 {strides = array<i32>} : memref<2x128xi32, #tpu.memory_space<vmem>>, vector<1x16xi32>,
        %add3A_856 = arith.addi %get3A_842, %broadcast_in_dim3A_4 : vector<16xi32>
        %swap3A_857 = arith.constant 1 : i32
        %swap3A_858 = arith.index_cast %swap3A_857 : i32 to index
        %swap3A_859 = arith.constant 112 : index
        %swap3A_860 = tpu.vector_load %arg12[%swap3A_858, %swap3A_859] {strides = array<i32>} : memref<2x128xi32, #tpu.memory_space<vmem>>, vector<1x16xi32>,
        %swap3A_861 = vector.shape_cast %swap3A_860 : vector<1x16xi32> to vector<16xi32>
        %swap3A_862 = vector.shape_cast %add3A_856 : vector<16xi32> to vector<1x16xi32>
        tpu.vector_store %arg12[%swap3A_858, %swap3A_859], %swap3A_862 {strides = array<i32>} : memref<2x128xi32, #tpu.memory_space<vmem>>, vector<1x16xi32>,
        %dma_start3A_863 = arith.constant 1 : i32
        %dma_start3A_864 = arith.constant 1 : i32
        %dma_start3A_865 = arith.constant 0 : i32
        %dma_start3A_866 = arith.constant 0 : i32
        %dma_start3A_867 = tpu.memref_slice %arg13[%dma_start3A_864, %dma_start3A_865, %dma_start3A_866] : memref<2x128x64xf32, #tpu.memory_space<vmem>> -> memref<1x64x64xf32, #tpu.memory_space<vmem>>
        %dma_start3A_868 = tpu.memref_squeeze %dma_start3A_867 : memref<1x64x64xf32, #tpu.memory_space<vmem>> -> memref<64x64xf32, #tpu.memory_space<vmem>>
        %dma_start3A_869 = arith.constant 0 : i32
        %dma_start3A_870 = tpu.memref_slice %arg12[%dma_start3A_863, %dma_start3A_869] : memref<2x128xi32, #tpu.memory_space<vmem>> -> memref<1x64xi32, #tpu.memory_space<vmem>>
        %dma_start3A_871 = tpu.memref_squeeze %dma_start3A_870 : memref<1x64xi32, #tpu.memory_space<vmem>> -> memref<64xi32, #tpu.memory_space<vmem>>
        %dma_start3A_872 = arith.constant 0 : i32
        %dma_start3A_873 = arith.constant 0 : i32
        %dma_start3A_874 = tpu.memref_slice %arg2[%dma_start3A_872, %dma_start3A_873] : memref<20480x64xf32, #tpu.memory_space<hbm>> -> memref<20480x64xf32, #tpu.memory_space<hbm>>
        tpu.enqueue_indirect_dma source(%dma_start3A_874 : memref<20480x64xf32, #tpu.memory_space<hbm>>) target(%dma_start3A_868 : memref<64x64xf32, #tpu.memory_space<vmem>>) offsets(%dma_start3A_871 : memref<64xi32, #tpu.memory_space<vmem>>) semaphore(%arg24 : memref<!tpu.dma_semaphore, #tpu.memory_space<semaphore_mem>>)
        %dma_start3A_875 = arith.constant 1 : i32
        %dma_start3A_876 = arith.constant 1 : i32
        %dma_start3A_877 = arith.constant 0 : i32
        %dma_start3A_878 = arith.constant 0 : i32
        %dma_start3A_879 = tpu.memref_slice %arg14[%dma_start3A_876, %dma_start3A_877, %dma_start3A_878] : memref<2x128x64xf32, #tpu.memory_space<vmem>> -> memref<1x64x64xf32, #tpu.memory_space<vmem>>
        %dma_start3A_880 = tpu.memref_squeeze %dma_start3A_879 : memref<1x64x64xf32, #tpu.memory_space<vmem>> -> memref<64x64xf32, #tpu.memory_space<vmem>>
        %dma_start3A_881 = arith.constant 0 : i32
        %dma_start3A_882 = tpu.memref_slice %arg10[%dma_start3A_875, %dma_start3A_881] : memref<2x128xi32, #tpu.memory_space<vmem>> -> memref<1x64xi32, #tpu.memory_space<vmem>>
        %dma_start3A_883 = tpu.memref_squeeze %dma_start3A_882 : memref<1x64xi32, #tpu.memory_space<vmem>> -> memref<64xi32, #tpu.memory_space<vmem>>
        %dma_start3A_884 = arith.constant 0 : i32
        %dma_start3A_885 = arith.constant 0 : i32
        %dma_start3A_886 = tpu.memref_slice %arg3[%dma_start3A_884, %dma_start3A_885] : memref<20480x64xf32, #tpu.memory_space<hbm>> -> memref<20480x64xf32, #tpu.memory_space<hbm>>
        tpu.enqueue_indirect_dma source(%dma_start3A_886 : memref<20480x64xf32, #tpu.memory_space<hbm>>) target(%dma_start3A_880 : memref<64x64xf32, #tpu.memory_space<vmem>>) offsets(%dma_start3A_883 : memref<64xi32, #tpu.memory_space<vmem>>) semaphore(%arg26 : memref<!tpu.dma_semaphore, #tpu.memory_space<semaphore_mem>>)
        %dma_start3A_887 = arith.constant 1 : i32
        %dma_start3A_888 = arith.constant 1 : i32
        %dma_start3A_889 = arith.constant 64 : i32
        %dma_start3A_890 = arith.constant 0 : i32
        %dma_start3A_891 = tpu.memref_slice %arg13[%dma_start3A_888, %dma_start3A_889, %dma_start3A_890] : memref<2x128x64xf32, #tpu.memory_space<vmem>> -> memref<1x64x64xf32, #tpu.memory_space<vmem>>
        %dma_start3A_892 = tpu.memref_squeeze %dma_start3A_891 : memref<1x64x64xf32, #tpu.memory_space<vmem>> -> memref<64x64xf32, #tpu.memory_space<vmem>>
        %dma_start3A_893 = arith.constant 64 : i32
        %dma_start3A_894 = tpu.memref_slice %arg12[%dma_start3A_887, %dma_start3A_893] : memref<2x128xi32, #tpu.memory_space<vmem>> -> memref<1x64xi32, #tpu.memory_space<vmem>>
        %dma_start3A_895 = tpu.memref_squeeze %dma_start3A_894 : memref<1x64xi32, #tpu.memory_space<vmem>> -> memref<64xi32, #tpu.memory_space<vmem>>
        %dma_start3A_896 = arith.constant 0 : i32
        %dma_start3A_897 = arith.constant 0 : i32
        %dma_start3A_898 = tpu.memref_slice %arg2[%dma_start3A_896, %dma_start3A_897] : memref<20480x64xf32, #tpu.memory_space<hbm>> -> memref<20480x64xf32, #tpu.memory_space<hbm>>
        tpu.enqueue_indirect_dma source(%dma_start3A_898 : memref<20480x64xf32, #tpu.memory_space<hbm>>) target(%dma_start3A_892 : memref<64x64xf32, #tpu.memory_space<vmem>>) offsets(%dma_start3A_895 : memref<64xi32, #tpu.memory_space<vmem>>) semaphore(%arg24 : memref<!tpu.dma_semaphore, #tpu.memory_space<semaphore_mem>>)
        %dma_start3A_899 = arith.constant 1 : i32
        %dma_start3A_900 = arith.constant 1 : i32
        %dma_start3A_901 = arith.constant 64 : i32
        %dma_start3A_902 = arith.constant 0 : i32
        %dma_start3A_903 = tpu.memref_slice %arg14[%dma_start3A_900, %dma_start3A_901, %dma_start3A_902] : memref<2x128x64xf32, #tpu.memory_space<vmem>> -> memref<1x64x64xf32, #tpu.memory_space<vmem>>
        %dma_start3A_904 = tpu.memref_squeeze %dma_start3A_903 : memref<1x64x64xf32, #tpu.memory_space<vmem>> -> memref<64x64xf32, #tpu.memory_space<vmem>>
        %dma_start3A_905 = arith.constant 64 : i32
        %dma_start3A_906 = tpu.memref_slice %arg10[%dma_start3A_899, %dma_start3A_905] : memref<2x128xi32, #tpu.memory_space<vmem>> -> memref<1x64xi32, #tpu.memory_space<vmem>>
        %dma_start3A_907 = tpu.memref_squeeze %dma_start3A_906 : memref<1x64xi32, #tpu.memory_space<vmem>> -> memref<64xi32, #tpu.memory_space<vmem>>
        %dma_start3A_908 = arith.constant 0 : i32
        %dma_start3A_909 = arith.constant 0 : i32
        %dma_start3A_910 = tpu.memref_slice %arg3[%dma_start3A_908, %dma_start3A_909] : memref<20480x64xf32, #tpu.memory_space<hbm>> -> memref<20480x64xf32, #tpu.memory_space<hbm>>
        tpu.enqueue_indirect_dma source(%dma_start3A_910 : memref<20480x64xf32, #tpu.memory_space<hbm>>) target(%dma_start3A_904 : memref<64x64xf32, #tpu.memory_space<vmem>>) offsets(%dma_start3A_907 : memref<64xi32, #tpu.memory_space<vmem>>) semaphore(%arg26 : memref<!tpu.dma_semaphore, #tpu.memory_space<semaphore_mem>>)
      } else {
      }
      %dma_wait3A_438 = arith.constant 0 : i32
      %dma_wait3A_439 = arith.constant 0 : i32
      %dma_wait3A_440 = arith.constant 0 : i32
      %dma_wait3A_441 = arith.constant 0 : i32
      %dma_wait3A_442 = tpu.memref_slice %arg13[%dma_wait3A_439, %dma_wait3A_440, %dma_wait3A_441] : memref<2x128x64xf32, #tpu.memory_space<vmem>> -> memref<1x64x64xf32, #tpu.memory_space<vmem>>
      %dma_wait3A_443 = tpu.memref_squeeze %dma_wait3A_442 : memref<1x64x64xf32, #tpu.memory_space<vmem>> -> memref<64x64xf32, #tpu.memory_space<vmem>>
      %dma_wait3A_444 = arith.constant 0 : i32
      %dma_wait3A_445 = tpu.memref_slice %arg12[%dma_wait3A_438, %dma_wait3A_444] : memref<2x128xi32, #tpu.memory_space<vmem>> -> memref<1x64xi32, #tpu.memory_space<vmem>>
      %dma_wait3A_446 = tpu.memref_squeeze %dma_wait3A_445 : memref<1x64xi32, #tpu.memory_space<vmem>> -> memref<64xi32, #tpu.memory_space<vmem>>
      %dma_wait3A_447 = arith.constant 0 : i32
      %dma_wait3A_448 = arith.constant 0 : i32
      %dma_wait3A_449 = tpu.memref_slice %arg2[%dma_wait3A_447, %dma_wait3A_448] : memref<20480x64xf32, #tpu.memory_space<hbm>> -> memref<20480x64xf32, #tpu.memory_space<hbm>>
      tpu.wait_indirect_dma semaphore(%arg23 : memref<!tpu.dma_semaphore, #tpu.memory_space<semaphore_mem>>) src(%dma_wait3A_449 : memref<20480x64xf32, #tpu.memory_space<hbm>>) dst(%dma_wait3A_443 : memref<64x64xf32, #tpu.memory_space<vmem>>)
      %dma_wait3A_450 = arith.constant 0 : i32
      %dma_wait3A_451 = arith.constant 0 : i32
      %dma_wait3A_452 = arith.constant 64 : i32
      %dma_wait3A_453 = arith.constant 0 : i32
      %dma_wait3A_454 = tpu.memref_slice %arg13[%dma_wait3A_451, %dma_wait3A_452, %dma_wait3A_453] : memref<2x128x64xf32, #tpu.memory_space<vmem>> -> memref<1x64x64xf32, #tpu.memory_space<vmem>>
      %dma_wait3A_455 = tpu.memref_squeeze %dma_wait3A_454 : memref<1x64x64xf32, #tpu.memory_space<vmem>> -> memref<64x64xf32, #tpu.memory_space<vmem>>
      %dma_wait3A_456 = arith.constant 64 : i32
      %dma_wait3A_457 = tpu.memref_slice %arg12[%dma_wait3A_450, %dma_wait3A_456] : memref<2x128xi32, #tpu.memory_space<vmem>> -> memref<1x64xi32, #tpu.memory_space<vmem>>
      %dma_wait3A_458 = tpu.memref_squeeze %dma_wait3A_457 : memref<1x64xi32, #tpu.memory_space<vmem>> -> memref<64xi32, #tpu.memory_space<vmem>>
      %dma_wait3A_459 = arith.constant 0 : i32
      %dma_wait3A_460 = arith.constant 0 : i32
      %dma_wait3A_461 = tpu.memref_slice %arg2[%dma_wait3A_459, %dma_wait3A_460] : memref<20480x64xf32, #tpu.memory_space<hbm>> -> memref<20480x64xf32, #tpu.memory_space<hbm>>
      tpu.wait_indirect_dma semaphore(%arg23 : memref<!tpu.dma_semaphore, #tpu.memory_space<semaphore_mem>>) src(%dma_wait3A_461 : memref<20480x64xf32, #tpu.memory_space<hbm>>) dst(%dma_wait3A_455 : memref<64x64xf32, #tpu.memory_space<vmem>>)
      %dma_wait3A_462 = arith.constant 0 : i32
      %dma_wait3A_463 = arith.constant 0 : i32
      %dma_wait3A_464 = arith.constant 0 : i32
      %dma_wait3A_465 = arith.constant 0 : i32
      %dma_wait3A_466 = tpu.memref_slice %arg14[%dma_wait3A_463, %dma_wait3A_464, %dma_wait3A_465] : memref<2x128x64xf32, #tpu.memory_space<vmem>> -> memref<1x64x64xf32, #tpu.memory_space<vmem>>
      %dma_wait3A_467 = tpu.memref_squeeze %dma_wait3A_466 : memref<1x64x64xf32, #tpu.memory_space<vmem>> -> memref<64x64xf32, #tpu.memory_space<vmem>>
      %dma_wait3A_468 = arith.constant 0 : i32
      %dma_wait3A_469 = tpu.memref_slice %arg10[%dma_wait3A_462, %dma_wait3A_468] : memref<2x128xi32, #tpu.memory_space<vmem>> -> memref<1x64xi32, #tpu.memory_space<vmem>>
      %dma_wait3A_470 = tpu.memref_squeeze %dma_wait3A_469 : memref<1x64xi32, #tpu.memory_space<vmem>> -> memref<64xi32, #tpu.memory_space<vmem>>
      %dma_wait3A_471 = arith.constant 0 : i32
      %dma_wait3A_472 = arith.constant 0 : i32
      %dma_wait3A_473 = tpu.memref_slice %arg3[%dma_wait3A_471, %dma_wait3A_472] : memref<20480x64xf32, #tpu.memory_space<hbm>> -> memref<20480x64xf32, #tpu.memory_space<hbm>>
      tpu.wait_indirect_dma semaphore(%arg25 : memref<!tpu.dma_semaphore, #tpu.memory_space<semaphore_mem>>) src(%dma_wait3A_473 : memref<20480x64xf32, #tpu.memory_space<hbm>>) dst(%dma_wait3A_467 : memref<64x64xf32, #tpu.memory_space<vmem>>)
      %dma_wait3A_474 = arith.constant 0 : i32
      %dma_wait3A_475 = arith.constant 0 : i32
      %dma_wait3A_476 = arith.constant 64 : i32
      %dma_wait3A_477 = arith.constant 0 : i32
      %dma_wait3A_478 = tpu.memref_slice %arg14[%dma_wait3A_475, %dma_wait3A_476, %dma_wait3A_477] : memref<2x128x64xf32, #tpu.memory_space<vmem>> -> memref<1x64x64xf32, #tpu.memory_space<vmem>>
      %dma_wait3A_479 = tpu.memref_squeeze %dma_wait3A_478 : memref<1x64x64xf32, #tpu.memory_space<vmem>> -> memref<64x64xf32, #tpu.memory_space<vmem>>
      %dma_wait3A_480 = arith.constant 64 : i32
      %dma_wait3A_481 = tpu.memref_slice %arg10[%dma_wait3A_474, %dma_wait3A_480] : memref<2x128xi32, #tpu.memory_space<vmem>> -> memref<1x64xi32, #tpu.memory_space<vmem>>
      %dma_wait3A_482 = tpu.memref_squeeze %dma_wait3A_481 : memref<1x64xi32, #tpu.memory_space<vmem>> -> memref<64xi32, #tpu.memory_space<vmem>>
      %dma_wait3A_483 = arith.constant 0 : i32
      %dma_wait3A_484 = arith.constant 0 : i32
      %dma_wait3A_485 = tpu.memref_slice %arg3[%dma_wait3A_483, %dma_wait3A_484] : memref<20480x64xf32, #tpu.memory_space<hbm>> -> memref<20480x64xf32, #tpu.memory_space<hbm>>
      tpu.wait_indirect_dma semaphore(%arg25 : memref<!tpu.dma_semaphore, #tpu.memory_space<semaphore_mem>>) src(%dma_wait3A_485 : memref<20480x64xf32, #tpu.memory_space<hbm>>) dst(%dma_wait3A_479 : memref<64x64xf32, #tpu.memory_space<vmem>>)
      %scan3A_486 = arith.constant 0 : i32
      %scan3A_487 = arith.constant 0 : i32
      %scan3A_488 = arith.constant 128 : i32
      %scan3A_489 = arith.addi %scan3A_487, %scan3A_488 : i32
      %scan3A_490 = arith.constant 1 : i32
      scf.for %scan3A_598 = %scan3A_487 to %scan3A_489 step %scan3A_490  : i32 {
        %get3A_599 = arith.constant 0 : i32
        %get3A_600 = arith.index_cast %get3A_599 : i32 to index
        %get3A_601 = arith.index_cast %scan3A_598 : i32 to index
        %get3A_602 = arith.constant 0 : index
        %get3A_603 = tpu.vector_load %arg13[%get3A_600, %get3A_601, %get3A_602] {strides = array<i32>} : memref<2x128x64xf32, #tpu.memory_space<vmem>>, vector<1x1x16xf32>,
        %get3A_604 = vector.shape_cast %get3A_603 : vector<1x1x16xf32> to vector<16xf32>
        %get3A_605 = arith.constant 0 : i32
        %get3A_606 = arith.index_cast %get3A_605 : i32 to index
        %get3A_607 = arith.index_cast %scan3A_598 : i32 to index
        %get3A_608 = arith.constant 0 : index
        %get3A_609 = tpu.vector_load %arg14[%get3A_606, %get3A_607, %get3A_608] {strides = array<i32>} : memref<2x128x64xf32, #tpu.memory_space<vmem>>, vector<1x1x16xf32>,
        %get3A_610 = vector.shape_cast %get3A_609 : vector<1x1x16xf32> to vector<16xf32>
        %add3A_611 = arith.addf %get3A_604, %get3A_610 : vector<16xf32>
        %max3A = arith.constant 0.000000e+00 : f32
        %max3A_612 = vector.broadcast %max3A : f32 to vector<16xf32>
        %max3A_613 = arith.maximumf %add3A_611, %max3A_612 : vector<16xf32>
        %swap3A_614 = arith.constant 0 : i32
        %swap3A_615 = arith.index_cast %swap3A_614 : i32 to index
        %swap3A_616 = arith.index_cast %scan3A_598 : i32 to index
        %swap3A_617 = arith.constant 0 : index
        %swap3A_618 = tpu.vector_load %arg15[%swap3A_615, %swap3A_616, %swap3A_617] {strides = array<i32>} : memref<2x128x64xf32, #tpu.memory_space<vmem>>, vector<1x1x16xf32>,
        %swap3A_619 = vector.shape_cast %swap3A_618 : vector<1x1x16xf32> to vector<16xf32>
        %swap3A_620 = vector.shape_cast %max3A_613 : vector<16xf32> to vector<1x1x16xf32>
        tpu.vector_store %arg15[%swap3A_615, %swap3A_616, %swap3A_617], %swap3A_620 {strides = array<i32>} : memref<2x128x64xf32, #tpu.memory_space<vmem>>, vector<1x1x16xf32>,
        %get3A_621 = arith.constant 0 : i32
        %get3A_622 = arith.index_cast %get3A_621 : i32 to index
        %get3A_623 = arith.index_cast %scan3A_598 : i32 to index
        %get3A_624 = arith.constant 16 : index
        %get3A_625 = tpu.vector_load %arg13[%get3A_622, %get3A_623, %get3A_624] {strides = array<i32>} : memref<2x128x64xf32, #tpu.memory_space<vmem>>, vector<1x1x16xf32>,
        %get3A_626 = vector.shape_cast %get3A_625 : vector<1x1x16xf32> to vector<16xf32>
        %get3A_627 = arith.constant 0 : i32
        %get3A_628 = arith.index_cast %get3A_627 : i32 to index
        %get3A_629 = arith.index_cast %scan3A_598 : i32 to index
        %get3A_630 = arith.constant 16 : index
        %get3A_631 = tpu.vector_load %arg14[%get3A_628, %get3A_629, %get3A_630] {strides = array<i32>} : memref<2x128x64xf32, #tpu.memory_space<vmem>>, vector<1x1x16xf32>,
        %get3A_632 = vector.shape_cast %get3A_631 : vector<1x1x16xf32> to vector<16xf32>
        %add3A_633 = arith.addf %get3A_626, %get3A_632 : vector<16xf32>
        %max3A_634 = arith.constant 0.000000e+00 : f32
        %max3A_635 = vector.broadcast %max3A_634 : f32 to vector<16xf32>
        %max3A_636 = arith.maximumf %add3A_633, %max3A_635 : vector<16xf32>
        %swap3A_637 = arith.constant 0 : i32
        %swap3A_638 = arith.index_cast %swap3A_637 : i32 to index
        %swap3A_639 = arith.index_cast %scan3A_598 : i32 to index
        %swap3A_640 = arith.constant 16 : index
        %swap3A_641 = tpu.vector_load %arg15[%swap3A_638, %swap3A_639, %swap3A_640] {strides = array<i32>} : memref<2x128x64xf32, #tpu.memory_space<vmem>>, vector<1x1x16xf32>,
        %swap3A_642 = vector.shape_cast %swap3A_641 : vector<1x1x16xf32> to vector<16xf32>
        %swap3A_643 = vector.shape_cast %max3A_636 : vector<16xf32> to vector<1x1x16xf32>
        tpu.vector_store %arg15[%swap3A_638, %swap3A_639, %swap3A_640], %swap3A_643 {strides = array<i32>} : memref<2x128x64xf32, #tpu.memory_space<vmem>>, vector<1x1x16xf32>,
        %get3A_644 = arith.constant 0 : i32
        %get3A_645 = arith.index_cast %get3A_644 : i32 to index
        %get3A_646 = arith.index_cast %scan3A_598 : i32 to index
        %get3A_647 = arith.constant 32 : index
        %get3A_648 = tpu.vector_load %arg13[%get3A_645, %get3A_646, %get3A_647] {strides = array<i32>} : memref<2x128x64xf32, #tpu.memory_space<vmem>>, vector<1x1x16xf32>,
        %get3A_649 = vector.shape_cast %get3A_648 : vector<1x1x16xf32> to vector<16xf32>
        %get3A_650 = arith.constant 0 : i32
        %get3A_651 = arith.index_cast %get3A_650 : i32 to index
        %get3A_652 = arith.index_cast %scan3A_598 : i32 to index
        %get3A_653 = arith.constant 32 : index
        %get3A_654 = tpu.vector_load %arg14[%get3A_651, %get3A_652, %get3A_653] {strides = array<i32>} : memref<2x128x64xf32, #tpu.memory_space<vmem>>, vector<1x1x16xf32>,
        %get3A_655 = vector.shape_cast %get3A_654 : vector<1x1x16xf32> to vector<16xf32>
        %add3A_656 = arith.addf %get3A_649, %get3A_655 : vector<16xf32>
        %max3A_657 = arith.constant 0.000000e+00 : f32
        %max3A_658 = vector.broadcast %max3A_657 : f32 to vector<16xf32>
        %max3A_659 = arith.maximumf %add3A_656, %max3A_658 : vector<16xf32>
        %swap3A_660 = arith.constant 0 : i32
        %swap3A_661 = arith.index_cast %swap3A_660 : i32 to index
        %swap3A_662 = arith.index_cast %scan3A_598 : i32 to index
        %swap3A_663 = arith.constant 32 : index
        %swap3A_664 = tpu.vector_load %arg15[%swap3A_661, %swap3A_662, %swap3A_663] {strides = array<i32>} : memref<2x128x64xf32, #tpu.memory_space<vmem>>, vector<1x1x16xf32>,
        %swap3A_665 = vector.shape_cast %swap3A_664 : vector<1x1x16xf32> to vector<16xf32>
        %swap3A_666 = vector.shape_cast %max3A_659 : vector<16xf32> to vector<1x1x16xf32>
        tpu.vector_store %arg15[%swap3A_661, %swap3A_662, %swap3A_663], %swap3A_666 {strides = array<i32>} : memref<2x128x64xf32, #tpu.memory_space<vmem>>, vector<1x1x16xf32>,
        %get3A_667 = arith.constant 0 : i32
        %get3A_668 = arith.index_cast %get3A_667 : i32 to index
        %get3A_669 = arith.index_cast %scan3A_598 : i32 to index
        %get3A_670 = arith.constant 48 : index
        %get3A_671 = tpu.vector_load %arg13[%get3A_668, %get3A_669, %get3A_670] {strides = array<i32>} : memref<2x128x64xf32, #tpu.memory_space<vmem>>, vector<1x1x16xf32>,
        %get3A_672 = vector.shape_cast %get3A_671 : vector<1x1x16xf32> to vector<16xf32>
        %get3A_673 = arith.constant 0 : i32
        %get3A_674 = arith.index_cast %get3A_673 : i32 to index
        %get3A_675 = arith.index_cast %scan3A_598 : i32 to index
        %get3A_676 = arith.constant 48 : index
        %get3A_677 = tpu.vector_load %arg14[%get3A_674, %get3A_675, %get3A_676] {strides = array<i32>} : memref<2x128x64xf32, #tpu.memory_space<vmem>>, vector<1x1x16xf32>,
        %get3A_678 = vector.shape_cast %get3A_677 : vector<1x1x16xf32> to vector<16xf32>
        %add3A_679 = arith.addf %get3A_672, %get3A_678 : vector<16xf32>
        %max3A_680 = arith.constant 0.000000e+00 : f32
        %max3A_681 = vector.broadcast %max3A_680 : f32 to vector<16xf32>
        %max3A_682 = arith.maximumf %add3A_679, %max3A_681 : vector<16xf32>
        %swap3A_683 = arith.constant 0 : i32
        %swap3A_684 = arith.index_cast %swap3A_683 : i32 to index
        %swap3A_685 = arith.index_cast %scan3A_598 : i32 to index
        %swap3A_686 = arith.constant 48 : index
        %swap3A_687 = tpu.vector_load %arg15[%swap3A_684, %swap3A_685, %swap3A_686] {strides = array<i32>} : memref<2x128x64xf32, #tpu.memory_space<vmem>>, vector<1x1x16xf32>,
        %swap3A_688 = vector.shape_cast %swap3A_687 : vector<1x1x16xf32> to vector<16xf32>
        %swap3A_689 = vector.shape_cast %max3A_682 : vector<16xf32> to vector<1x1x16xf32>
        tpu.vector_store %arg15[%swap3A_684, %swap3A_685, %swap3A_686], %swap3A_689 {strides = array<i32>} : memref<2x128x64xf32, #tpu.memory_space<vmem>>, vector<1x1x16xf32>,
      }
      %scan3A_491 = arith.constant 128 : i32
      %dma_start3A_492 = arith.constant 0 : i32
      %dma_start3A_493 = arith.constant 0 : i32
      %dma_start3A_494 = arith.constant 0 : i32
      %dma_start3A_495 = arith.constant 0 : i32
      %dma_start3A_496 = tpu.memref_slice %arg15[%dma_start3A_492, %dma_start3A_494, %dma_start3A_495] : memref<2x128x64xf32, #tpu.memory_space<vmem>> -> memref<1x128x64xf32, #tpu.memory_space<vmem>>
      %dma_start3A_497 = tpu.memref_squeeze %dma_start3A_496 : memref<1x128x64xf32, #tpu.memory_space<vmem>> -> memref<128x64xf32, #tpu.memory_space<vmem>>
      %dma_start3A_498 = arith.constant 0 : i32
      %dma_start3A_499 = tpu.memref_slice %arg11[%dma_start3A_493, %dma_start3A_498] : memref<2x128xi32, #tpu.memory_space<vmem>> -> memref<1x128xi32, #tpu.memory_space<vmem>>
      %dma_start3A_500 = tpu.memref_squeeze %dma_start3A_499 : memref<1x128xi32, #tpu.memory_space<vmem>> -> memref<128xi32, #tpu.memory_space<vmem>>
      %dma_start3A_501 = arith.constant 0 : i32
      %dma_start3A_502 = arith.constant 0 : i32
      %dma_start3A_503 = tpu.memref_slice %arg19[%dma_start3A_501, %dma_start3A_502] : memref<10240x64xf32, #tpu.memory_space<vmem_shared>> -> memref<10240x64xf32, #tpu.memory_space<vmem_shared>>
      tpu.enqueue_indirect_dma source(%dma_start3A_497 : memref<128x64xf32, #tpu.memory_space<vmem>>) target(%dma_start3A_503 : memref<10240x64xf32, #tpu.memory_space<vmem_shared>>) offsets(%dma_start3A_500 : memref<128xi32, #tpu.memory_space<vmem>>) semaphore(%arg27 : memref<!tpu.dma_semaphore, #tpu.memory_space<semaphore_mem>>) {add = true}
      %eq3A_504 = arith.constant 0 : i32
      %eq3A_505 = arith.cmpi eq, %arg0, %eq3A_504 : i32
      %convert_element_type3A_506 = arith.extui %eq3A_505 : i1 to i32
      %cond3A_507 = arith.constant 0 : i32
      %cond3A_508 = arith.cmpi ne, %convert_element_type3A_506, %cond3A_507 : i32
      scf.if %cond3A_508 {
        %dma_start3A_598 = arith.constant 0 : i32
        %dma_start3A_599 = arith.constant 0 : i32
        %dma_start3A_600 = tpu.memref_slice %arg11[%dma_start3A_598, %dma_start3A_599] : memref<2x128xi32, #tpu.memory_space<vmem>> -> memref<1x128xi32, #tpu.memory_space<vmem>>
        %dma_start3A_601 = tpu.memref_squeeze %dma_start3A_600 : memref<1x128xi32, #tpu.memory_space<vmem>> -> memref<128xi32, #tpu.memory_space<vmem>>
        %dma_start3A_602 = arith.constant 0 : i32
        %dma_start3A_603 = arith.constant 0 : i32
        %dma_start3A_604 = tpu.memref_slice %arg20[%dma_start3A_602, %dma_start3A_603] : memref<10240x16xf32, #tpu.memory_space<vmem_shared>> -> memref<10240x16xf32, #tpu.memory_space<vmem_shared>>
        tpu.enqueue_indirect_dma source(%arg16 : memref<128x16xf32, #tpu.memory_space<vmem>>) target(%dma_start3A_604 : memref<10240x16xf32, #tpu.memory_space<vmem_shared>>) offsets(%dma_start3A_601 : memref<128xi32, #tpu.memory_space<vmem>>) semaphore(%arg29 : memref<!tpu.dma_semaphore, #tpu.memory_space<semaphore_mem>>) {add = true}
      } else {
      }
      %mul3A_509 = arith.constant 2 : i32
      %mul3A_510 = arith.muli %mul3A_509, %scan3A_420 : i32
      %add3A_511 = arith.constant 1 : i32
      %add3A_512 = arith.addi %mul3A_510, %add3A_511 : i32
      %add3A_513 = arith.constant 1 : i32
      %add3A_514 = arith.addi %add3A_512, %add3A_513 : i32
      %add3A_515 = arith.constant 2 : i32
      %add3A_516 = arith.addi %add3A_512, %add3A_515 : i32
      %lt3A_517 = arith.constant 158 : i32
      %lt3A_518 = arith.cmpi slt, %add3A_516, %lt3A_517 : i32
      %convert_element_type3A_519 = arith.extui %lt3A_518 : i1 to i32
      %cond3A_520 = arith.constant 0 : i32
      %cond3A_521 = arith.cmpi ne, %convert_element_type3A_519, %cond3A_520 : i32
      scf.if %cond3A_521 {
        %add3A_598 = arith.constant 2 : i32
        %add3A_599 = arith.addi %add3A_512, %add3A_598 : i32
        %mul3A_600 = arith.constant 128 : i32
        %mul3A_601 = arith.muli %add3A_599, %mul3A_600 : i32
        %add3A_602 = arith.addi %mul3A_30, %mul3A_601 : i32
        %dma_start3A_603 = arith.constant 1 : i32
        %dma_start3A_604 = arith.constant 0 : i32
        %dma_start3A_605 = tpu.memref_slice %arg8[%dma_start3A_603, %dma_start3A_604] : memref<2x128xi32, #tpu.memory_space<vmem>> -> memref<1x128xi32, #tpu.memory_space<vmem>>
        %dma_start3A_606 = tpu.memref_squeeze %dma_start3A_605 : memref<1x128xi32, #tpu.memory_space<vmem>> -> memref<128xi32, #tpu.memory_space<vmem>>
        %dma_start3A_607 = tpu.memref_slice %arg4[%add3A_602] : memref<323584xi32, #tpu.memory_space<hbm>> -> memref<128xi32, #tpu.memory_space<hbm>>
        %dma_start3A_608 = arith.constant 0 : i32
        %dma_start3A_609 = tpu.memref_slice %arg8[%dma_start3A_603, %dma_start3A_608] : memref<2x128xi32, #tpu.memory_space<vmem>> -> memref<1x128xi32, #tpu.memory_space<vmem>>
        %dma_start3A_610 = tpu.memref_squeeze %dma_start3A_609 : memref<1x128xi32, #tpu.memory_space<vmem>> -> memref<128xi32, #tpu.memory_space<vmem>>
        %dma_start3A_611 = tpu.memref_slice %arg4[%add3A_602] : memref<323584xi32, #tpu.memory_space<hbm>> -> memref<128xi32, #tpu.memory_space<hbm>>
        tpu.enqueue_dma source(%dma_start3A_611 : memref<128xi32, #tpu.memory_space<hbm>>) target(%dma_start3A_610 : memref<128xi32, #tpu.memory_space<vmem>>) target_semaphore(%arg22 : memref<!tpu.dma_semaphore, #tpu.memory_space<semaphore_mem>>)
        %dma_start3A_612 = arith.constant 1 : i32
        %dma_start3A_613 = arith.constant 0 : i32
        %dma_start3A_614 = tpu.memref_slice %arg9[%dma_start3A_612, %dma_start3A_613] : memref<2x128xi32, #tpu.memory_space<vmem>> -> memref<1x128xi32, #tpu.memory_space<vmem>>
        %dma_start3A_615 = tpu.memref_squeeze %dma_start3A_614 : memref<1x128xi32, #tpu.memory_space<vmem>> -> memref<128xi32, #tpu.memory_space<vmem>>
        %dma_start3A_616 = tpu.memref_slice %arg5[%add3A_602] : memref<323584xi32, #tpu.memory_space<hbm>> -> memref<128xi32, #tpu.memory_space<hbm>>
        %dma_start3A_617 = arith.constant 0 : i32
        %dma_start3A_618 = tpu.memref_slice %arg9[%dma_start3A_612, %dma_start3A_617] : memref<2x128xi32, #tpu.memory_space<vmem>> -> memref<1x128xi32, #tpu.memory_space<vmem>>
        %dma_start3A_619 = tpu.memref_squeeze %dma_start3A_618 : memref<1x128xi32, #tpu.memory_space<vmem>> -> memref<128xi32, #tpu.memory_space<vmem>>
        %dma_start3A_620 = tpu.memref_slice %arg5[%add3A_602] : memref<323584xi32, #tpu.memory_space<hbm>> -> memref<128xi32, #tpu.memory_space<hbm>>
        tpu.enqueue_dma source(%dma_start3A_620 : memref<128xi32, #tpu.memory_space<hbm>>) target(%dma_start3A_619 : memref<128xi32, #tpu.memory_space<vmem>>) target_semaphore(%arg22 : memref<!tpu.dma_semaphore, #tpu.memory_space<semaphore_mem>>)
      } else {
      }
      %lt3A_522 = arith.constant 158 : i32
      %lt3A_523 = arith.cmpi slt, %add3A_514, %lt3A_522 : i32
      %convert_element_type3A_524 = arith.extui %lt3A_523 : i1 to i32
      %cond3A_525 = arith.constant 0 : i32
      %cond3A_526 = arith.cmpi ne, %convert_element_type3A_524, %cond3A_525 : i32
      scf.if %cond3A_526 {
        %ge3A = arith.constant 2 : i32
        %ge3A_598 = arith.cmpi sge, %add3A_514, %ge3A : i32
        %convert_element_type3A_599 = arith.extui %ge3A_598 : i1 to i32
        %cond3A_600 = arith.constant 0 : i32
        %cond3A_601 = arith.cmpi ne, %convert_element_type3A_599, %cond3A_600 : i32
        scf.if %cond3A_601 {
          %dma_wait3A_911 = arith.constant 0 : i32
          %dma_wait3A_912 = arith.constant 0 : i32
          %dma_wait3A_913 = arith.constant 0 : i32
          %dma_wait3A_914 = arith.constant 0 : i32
          %dma_wait3A_915 = tpu.memref_slice %arg15[%dma_wait3A_911, %dma_wait3A_913, %dma_wait3A_914] : memref<2x128x64xf32, #tpu.memory_space<vmem>> -> memref<1x128x64xf32, #tpu.memory_space<vmem>>
          %dma_wait3A_916 = tpu.memref_squeeze %dma_wait3A_915 : memref<1x128x64xf32, #tpu.memory_space<vmem>> -> memref<128x64xf32, #tpu.memory_space<vmem>>
          %dma_wait3A_917 = arith.constant 0 : i32
          %dma_wait3A_918 = tpu.memref_slice %arg11[%dma_wait3A_912, %dma_wait3A_917] : memref<2x128xi32, #tpu.memory_space<vmem>> -> memref<1x128xi32, #tpu.memory_space<vmem>>
          %dma_wait3A_919 = tpu.memref_squeeze %dma_wait3A_918 : memref<1x128xi32, #tpu.memory_space<vmem>> -> memref<128xi32, #tpu.memory_space<vmem>>
          %dma_wait3A_920 = arith.constant 0 : i32
          %dma_wait3A_921 = arith.constant 0 : i32
          %dma_wait3A_922 = tpu.memref_slice %arg19[%dma_wait3A_920, %dma_wait3A_921] : memref<10240x64xf32, #tpu.memory_space<vmem_shared>> -> memref<10240x64xf32, #tpu.memory_space<vmem_shared>>
          tpu.wait_indirect_dma semaphore(%arg27 : memref<!tpu.dma_semaphore, #tpu.memory_space<semaphore_mem>>) src(%dma_wait3A_916 : memref<128x64xf32, #tpu.memory_space<vmem>>) dst(%dma_wait3A_922 : memref<10240x64xf32, #tpu.memory_space<vmem_shared>>)
          %eq3A_923 = arith.constant 0 : i32
          %eq3A_924 = arith.cmpi eq, %arg0, %eq3A_923 : i32
          %convert_element_type3A_925 = arith.extui %eq3A_924 : i1 to i32
          %cond3A_926 = arith.constant 0 : i32
          %cond3A_927 = arith.cmpi ne, %convert_element_type3A_925, %cond3A_926 : i32
          scf.if %cond3A_927 {
            %dma_wait3A_928 = arith.constant 0 : i32
            %dma_wait3A_929 = arith.constant 0 : i32
            %dma_wait3A_930 = tpu.memref_slice %arg11[%dma_wait3A_928, %dma_wait3A_929] : memref<2x128xi32, #tpu.memory_space<vmem>> -> memref<1x128xi32, #tpu.memory_space<vmem>>
            %dma_wait3A_931 = tpu.memref_squeeze %dma_wait3A_930 : memref<1x128xi32, #tpu.memory_space<vmem>> -> memref<128xi32, #tpu.memory_space<vmem>>
            %dma_wait3A_932 = arith.constant 0 : i32
            %dma_wait3A_933 = arith.constant 0 : i32
            %dma_wait3A_934 = tpu.memref_slice %arg20[%dma_wait3A_932, %dma_wait3A_933] : memref<10240x16xf32, #tpu.memory_space<vmem_shared>> -> memref<10240x16xf32, #tpu.memory_space<vmem_shared>>
            tpu.wait_indirect_dma semaphore(%arg29 : memref<!tpu.dma_semaphore, #tpu.memory_space<semaphore_mem>>) src(%arg16 : memref<128x16xf32, #tpu.memory_space<vmem>>) dst(%dma_wait3A_934 : memref<10240x16xf32, #tpu.memory_space<vmem_shared>>)
          } else {
          }
        } else {
        }
        %mul3A_602 = arith.constant 128 : i32
        %mul3A_603 = arith.muli %add3A_514, %mul3A_602 : i32
        %add3A_604 = arith.addi %mul3A_30, %mul3A_603 : i32
        %dma_wait3A_605 = arith.constant 0 : i32
        %dma_wait3A_606 = arith.constant 0 : i32
        %dma_wait3A_607 = tpu.memref_slice %arg8[%dma_wait3A_605, %dma_wait3A_606] : memref<2x128xi32, #tpu.memory_space<vmem>> -> memref<1x128xi32, #tpu.memory_space<vmem>>
        %dma_wait3A_608 = tpu.memref_squeeze %dma_wait3A_607 : memref<1x128xi32, #tpu.memory_space<vmem>> -> memref<128xi32, #tpu.memory_space<vmem>>
        %dma_wait3A_609 = tpu.memref_slice %arg4[%add3A_604] : memref<323584xi32, #tpu.memory_space<hbm>> -> memref<128xi32, #tpu.memory_space<hbm>>
        %dma_wait3A_610 = arith.constant 0 : i32
        %dma_wait3A_611 = tpu.memref_slice %arg8[%dma_wait3A_605, %dma_wait3A_610] : memref<2x128xi32, #tpu.memory_space<vmem>> -> memref<1x128xi32, #tpu.memory_space<vmem>>
        %dma_wait3A_612 = tpu.memref_squeeze %dma_wait3A_611 : memref<1x128xi32, #tpu.memory_space<vmem>> -> memref<128xi32, #tpu.memory_space<vmem>>
        %dma_wait3A_613 = tpu.memref_slice %arg4[%add3A_604] : memref<323584xi32, #tpu.memory_space<hbm>> -> memref<128xi32, #tpu.memory_space<hbm>>
        tpu.wait_dma2 semaphore(%arg21 : memref<!tpu.dma_semaphore, #tpu.memory_space<semaphore_mem>>) src(%dma_wait3A_613 : memref<128xi32, #tpu.memory_space<hbm>>) dst(%dma_wait3A_612 : memref<128xi32, #tpu.memory_space<vmem>>)
        %dma_wait3A_614 = arith.constant 0 : i32
        %dma_wait3A_615 = arith.constant 0 : i32
        %dma_wait3A_616 = tpu.memref_slice %arg9[%dma_wait3A_614, %dma_wait3A_615] : memref<2x128xi32, #tpu.memory_space<vmem>> -> memref<1x128xi32, #tpu.memory_space<vmem>>
        %dma_wait3A_617 = tpu.memref_squeeze %dma_wait3A_616 : memref<1x128xi32, #tpu.memory_space<vmem>> -> memref<128xi32, #tpu.memory_space<vmem>>
        %dma_wait3A_618 = tpu.memref_slice %arg5[%add3A_604] : memref<323584xi32, #tpu.memory_space<hbm>> -> memref<128xi32, #tpu.memory_space<hbm>>
        %dma_wait3A_619 = arith.constant 0 : i32
        %dma_wait3A_620 = tpu.memref_slice %arg9[%dma_wait3A_614, %dma_wait3A_619] : memref<2x128xi32, #tpu.memory_space<vmem>> -> memref<1x128xi32, #tpu.memory_space<vmem>>
        %dma_wait3A_621 = tpu.memref_squeeze %dma_wait3A_620 : memref<1x128xi32, #tpu.memory_space<vmem>> -> memref<128xi32, #tpu.memory_space<vmem>>
        %dma_wait3A_622 = tpu.memref_slice %arg5[%add3A_604] : memref<323584xi32, #tpu.memory_space<hbm>> -> memref<128xi32, #tpu.memory_space<hbm>>
        tpu.wait_dma2 semaphore(%arg21 : memref<!tpu.dma_semaphore, #tpu.memory_space<semaphore_mem>>) src(%dma_wait3A_622 : memref<128xi32, #tpu.memory_space<hbm>>) dst(%dma_wait3A_621 : memref<128xi32, #tpu.memory_space<vmem>>)
        %get3A_623 = arith.constant 0 : i32
        %get3A_624 = arith.index_cast %get3A_623 : i32 to index
        %get3A_625 = arith.constant 0 : index
        %get3A_626 = tpu.vector_load %arg8[%get3A_624, %get3A_625] {strides = array<i32>} : memref<2x128xi32, #tpu.memory_space<vmem>>, vector<1x16xi32>,
        %get3A_627 = vector.shape_cast %get3A_626 : vector<1x16xi32> to vector<16xi32>
        %get3A_628 = arith.constant 0 : i32
        %get3A_629 = arith.index_cast %get3A_628 : i32 to index
        %get3A_630 = arith.constant 0 : index
        %get3A_631 = tpu.vector_load %arg9[%get3A_629, %get3A_630] {strides = array<i32>} : memref<2x128xi32, #tpu.memory_space<vmem>>, vector<1x16xi32>,
        %get3A_632 = vector.shape_cast %get3A_631 : vector<1x16xi32> to vector<16xi32>
        %add3A_633 = arith.addi %get3A_627, %broadcast_in_dim3A_4 : vector<16xi32>
        %swap3A_634 = arith.constant 0 : i32
        %swap3A_635 = arith.index_cast %swap3A_634 : i32 to index
        %swap3A_636 = arith.constant 0 : index
        %swap3A_637 = tpu.vector_load %arg10[%swap3A_635, %swap3A_636] {strides = array<i32>} : memref<2x128xi32, #tpu.memory_space<vmem>>, vector<1x16xi32>,
        %swap3A_638 = vector.shape_cast %swap3A_637 : vector<1x16xi32> to vector<16xi32>
        %swap3A_639 = vector.shape_cast %add3A_633 : vector<16xi32> to vector<1x16xi32>
        tpu.vector_store %arg10[%swap3A_635, %swap3A_636], %swap3A_639 {strides = array<i32>} : memref<2x128xi32, #tpu.memory_space<vmem>>, vector<1x16xi32>,
        %swap3A_640 = arith.constant 0 : i32
        %swap3A_641 = arith.index_cast %swap3A_640 : i32 to index
        %swap3A_642 = arith.constant 0 : index
        %swap3A_643 = tpu.vector_load %arg11[%swap3A_641, %swap3A_642] {strides = array<i32>} : memref<2x128xi32, #tpu.memory_space<vmem>>, vector<1x16xi32>,
        %swap3A_644 = vector.shape_cast %swap3A_643 : vector<1x16xi32> to vector<16xi32>
        %swap3A_645 = vector.shape_cast %get3A_632 : vector<16xi32> to vector<1x16xi32>
        tpu.vector_store %arg11[%swap3A_641, %swap3A_642], %swap3A_645 {strides = array<i32>} : memref<2x128xi32, #tpu.memory_space<vmem>>, vector<1x16xi32>,
        %add3A_646 = arith.addi %get3A_632, %broadcast_in_dim3A_4 : vector<16xi32>
        %swap3A_647 = arith.constant 0 : i32
        %swap3A_648 = arith.index_cast %swap3A_647 : i32 to index
        %swap3A_649 = arith.constant 0 : index
        %swap3A_650 = tpu.vector_load %arg12[%swap3A_648, %swap3A_649] {strides = array<i32>} : memref<2x128xi32, #tpu.memory_space<vmem>>, vector<1x16xi32>,
        %swap3A_651 = vector.shape_cast %swap3A_650 : vector<1x16xi32> to vector<16xi32>
        %swap3A_652 = vector.shape_cast %add3A_646 : vector<16xi32> to vector<1x16xi32>
        tpu.vector_store %arg12[%swap3A_648, %swap3A_649], %swap3A_652 {strides = array<i32>} : memref<2x128xi32, #tpu.memory_space<vmem>>, vector<1x16xi32>,
        %get3A_653 = arith.constant 0 : i32
        %get3A_654 = arith.index_cast %get3A_653 : i32 to index
        %get3A_655 = arith.constant 16 : index
        %get3A_656 = tpu.vector_load %arg8[%get3A_654, %get3A_655] {strides = array<i32>} : memref<2x128xi32, #tpu.memory_space<vmem>>, vector<1x16xi32>,
        %get3A_657 = vector.shape_cast %get3A_656 : vector<1x16xi32> to vector<16xi32>
        %get3A_658 = arith.constant 0 : i32
        %get3A_659 = arith.index_cast %get3A_658 : i32 to index
        %get3A_660 = arith.constant 16 : index
        %get3A_661 = tpu.vector_load %arg9[%get3A_659, %get3A_660] {strides = array<i32>} : memref<2x128xi32, #tpu.memory_space<vmem>>, vector<1x16xi32>,
        %get3A_662 = vector.shape_cast %get3A_661 : vector<1x16xi32> to vector<16xi32>
        %add3A_663 = arith.addi %get3A_657, %broadcast_in_dim3A_4 : vector<16xi32>
        %swap3A_664 = arith.constant 0 : i32
        %swap3A_665 = arith.index_cast %swap3A_664 : i32 to index
        %swap3A_666 = arith.constant 16 : index
        %swap3A_667 = tpu.vector_load %arg10[%swap3A_665, %swap3A_666] {strides = array<i32>} : memref<2x128xi32, #tpu.memory_space<vmem>>, vector<1x16xi32>,
        %swap3A_668 = vector.shape_cast %swap3A_667 : vector<1x16xi32> to vector<16xi32>
        %swap3A_669 = vector.shape_cast %add3A_663 : vector<16xi32> to vector<1x16xi32>
        tpu.vector_store %arg10[%swap3A_665, %swap3A_666], %swap3A_669 {strides = array<i32>} : memref<2x128xi32, #tpu.memory_space<vmem>>, vector<1x16xi32>,
        %swap3A_670 = arith.constant 0 : i32
        %swap3A_671 = arith.index_cast %swap3A_670 : i32 to index
        %swap3A_672 = arith.constant 16 : index
        %swap3A_673 = tpu.vector_load %arg11[%swap3A_671, %swap3A_672] {strides = array<i32>} : memref<2x128xi32, #tpu.memory_space<vmem>>, vector<1x16xi32>,
        %swap3A_674 = vector.shape_cast %swap3A_673 : vector<1x16xi32> to vector<16xi32>
        %swap3A_675 = vector.shape_cast %get3A_662 : vector<16xi32> to vector<1x16xi32>
        tpu.vector_store %arg11[%swap3A_671, %swap3A_672], %swap3A_675 {strides = array<i32>} : memref<2x128xi32, #tpu.memory_space<vmem>>, vector<1x16xi32>,
        %add3A_676 = arith.addi %get3A_662, %broadcast_in_dim3A_4 : vector<16xi32>
        %swap3A_677 = arith.constant 0 : i32
        %swap3A_678 = arith.index_cast %swap3A_677 : i32 to index
        %swap3A_679 = arith.constant 16 : index
        %swap3A_680 = tpu.vector_load %arg12[%swap3A_678, %swap3A_679] {strides = array<i32>} : memref<2x128xi32, #tpu.memory_space<vmem>>, vector<1x16xi32>,
        %swap3A_681 = vector.shape_cast %swap3A_680 : vector<1x16xi32> to vector<16xi32>
        %swap3A_682 = vector.shape_cast %add3A_676 : vector<16xi32> to vector<1x16xi32>
        tpu.vector_store %arg12[%swap3A_678, %swap3A_679], %swap3A_682 {strides = array<i32>} : memref<2x128xi32, #tpu.memory_space<vmem>>, vector<1x16xi32>,
        %get3A_683 = arith.constant 0 : i32
        %get3A_684 = arith.index_cast %get3A_683 : i32 to index
        %get3A_685 = arith.constant 32 : index
        %get3A_686 = tpu.vector_load %arg8[%get3A_684, %get3A_685] {strides = array<i32>} : memref<2x128xi32, #tpu.memory_space<vmem>>, vector<1x16xi32>,
        %get3A_687 = vector.shape_cast %get3A_686 : vector<1x16xi32> to vector<16xi32>
        %get3A_688 = arith.constant 0 : i32
        %get3A_689 = arith.index_cast %get3A_688 : i32 to index
        %get3A_690 = arith.constant 32 : index
        %get3A_691 = tpu.vector_load %arg9[%get3A_689, %get3A_690] {strides = array<i32>} : memref<2x128xi32, #tpu.memory_space<vmem>>, vector<1x16xi32>,
        %get3A_692 = vector.shape_cast %get3A_691 : vector<1x16xi32> to vector<16xi32>
        %add3A_693 = arith.addi %get3A_687, %broadcast_in_dim3A_4 : vector<16xi32>
        %swap3A_694 = arith.constant 0 : i32
        %swap3A_695 = arith.index_cast %swap3A_694 : i32 to index
        %swap3A_696 = arith.constant 32 : index
        %swap3A_697 = tpu.vector_load %arg10[%swap3A_695, %swap3A_696] {strides = array<i32>} : memref<2x128xi32, #tpu.memory_space<vmem>>, vector<1x16xi32>,
        %swap3A_698 = vector.shape_cast %swap3A_697 : vector<1x16xi32> to vector<16xi32>
        %swap3A_699 = vector.shape_cast %add3A_693 : vector<16xi32> to vector<1x16xi32>
        tpu.vector_store %arg10[%swap3A_695, %swap3A_696], %swap3A_699 {strides = array<i32>} : memref<2x128xi32, #tpu.memory_space<vmem>>, vector<1x16xi32>,
        %swap3A_700 = arith.constant 0 : i32
        %swap3A_701 = arith.index_cast %swap3A_700 : i32 to index
        %swap3A_702 = arith.constant 32 : index
        %swap3A_703 = tpu.vector_load %arg11[%swap3A_701, %swap3A_702] {strides = array<i32>} : memref<2x128xi32, #tpu.memory_space<vmem>>, vector<1x16xi32>,
        %swap3A_704 = vector.shape_cast %swap3A_703 : vector<1x16xi32> to vector<16xi32>
        %swap3A_705 = vector.shape_cast %get3A_692 : vector<16xi32> to vector<1x16xi32>
        tpu.vector_store %arg11[%swap3A_701, %swap3A_702], %swap3A_705 {strides = array<i32>} : memref<2x128xi32, #tpu.memory_space<vmem>>, vector<1x16xi32>,
        %add3A_706 = arith.addi %get3A_692, %broadcast_in_dim3A_4 : vector<16xi32>
        %swap3A_707 = arith.constant 0 : i32
        %swap3A_708 = arith.index_cast %swap3A_707 : i32 to index
        %swap3A_709 = arith.constant 32 : index
        %swap3A_710 = tpu.vector_load %arg12[%swap3A_708, %swap3A_709] {strides = array<i32>} : memref<2x128xi32, #tpu.memory_space<vmem>>, vector<1x16xi32>,
        %swap3A_711 = vector.shape_cast %swap3A_710 : vector<1x16xi32> to vector<16xi32>
        %swap3A_712 = vector.shape_cast %add3A_706 : vector<16xi32> to vector<1x16xi32>
        tpu.vector_store %arg12[%swap3A_708, %swap3A_709], %swap3A_712 {strides = array<i32>} : memref<2x128xi32, #tpu.memory_space<vmem>>, vector<1x16xi32>,
        %get3A_713 = arith.constant 0 : i32
        %get3A_714 = arith.index_cast %get3A_713 : i32 to index
        %get3A_715 = arith.constant 48 : index
        %get3A_716 = tpu.vector_load %arg8[%get3A_714, %get3A_715] {strides = array<i32>} : memref<2x128xi32, #tpu.memory_space<vmem>>, vector<1x16xi32>,
        %get3A_717 = vector.shape_cast %get3A_716 : vector<1x16xi32> to vector<16xi32>
        %get3A_718 = arith.constant 0 : i32
        %get3A_719 = arith.index_cast %get3A_718 : i32 to index
        %get3A_720 = arith.constant 48 : index
        %get3A_721 = tpu.vector_load %arg9[%get3A_719, %get3A_720] {strides = array<i32>} : memref<2x128xi32, #tpu.memory_space<vmem>>, vector<1x16xi32>,
        %get3A_722 = vector.shape_cast %get3A_721 : vector<1x16xi32> to vector<16xi32>
        %add3A_723 = arith.addi %get3A_717, %broadcast_in_dim3A_4 : vector<16xi32>
        %swap3A_724 = arith.constant 0 : i32
        %swap3A_725 = arith.index_cast %swap3A_724 : i32 to index
        %swap3A_726 = arith.constant 48 : index
        %swap3A_727 = tpu.vector_load %arg10[%swap3A_725, %swap3A_726] {strides = array<i32>} : memref<2x128xi32, #tpu.memory_space<vmem>>, vector<1x16xi32>,
        %swap3A_728 = vector.shape_cast %swap3A_727 : vector<1x16xi32> to vector<16xi32>
        %swap3A_729 = vector.shape_cast %add3A_723 : vector<16xi32> to vector<1x16xi32>
        tpu.vector_store %arg10[%swap3A_725, %swap3A_726], %swap3A_729 {strides = array<i32>} : memref<2x128xi32, #tpu.memory_space<vmem>>, vector<1x16xi32>,
        %swap3A_730 = arith.constant 0 : i32
        %swap3A_731 = arith.index_cast %swap3A_730 : i32 to index
        %swap3A_732 = arith.constant 48 : index
        %swap3A_733 = tpu.vector_load %arg11[%swap3A_731, %swap3A_732] {strides = array<i32>} : memref<2x128xi32, #tpu.memory_space<vmem>>, vector<1x16xi32>,
        %swap3A_734 = vector.shape_cast %swap3A_733 : vector<1x16xi32> to vector<16xi32>
        %swap3A_735 = vector.shape_cast %get3A_722 : vector<16xi32> to vector<1x16xi32>
        tpu.vector_store %arg11[%swap3A_731, %swap3A_732], %swap3A_735 {strides = array<i32>} : memref<2x128xi32, #tpu.memory_space<vmem>>, vector<1x16xi32>,
        %add3A_736 = arith.addi %get3A_722, %broadcast_in_dim3A_4 : vector<16xi32>
        %swap3A_737 = arith.constant 0 : i32
        %swap3A_738 = arith.index_cast %swap3A_737 : i32 to index
        %swap3A_739 = arith.constant 48 : index
        %swap3A_740 = tpu.vector_load %arg12[%swap3A_738, %swap3A_739] {strides = array<i32>} : memref<2x128xi32, #tpu.memory_space<vmem>>, vector<1x16xi32>,
        %swap3A_741 = vector.shape_cast %swap3A_740 : vector<1x16xi32> to vector<16xi32>
        %swap3A_742 = vector.shape_cast %add3A_736 : vector<16xi32> to vector<1x16xi32>
        tpu.vector_store %arg12[%swap3A_738, %swap3A_739], %swap3A_742 {strides = array<i32>} : memref<2x128xi32, #tpu.memory_space<vmem>>, vector<1x16xi32>,
        %get3A_743 = arith.constant 0 : i32
        %get3A_744 = arith.index_cast %get3A_743 : i32 to index
        %get3A_745 = arith.constant 64 : index
        %get3A_746 = tpu.vector_load %arg8[%get3A_744, %get3A_745] {strides = array<i32>} : memref<2x128xi32, #tpu.memory_space<vmem>>, vector<1x16xi32>,
        %get3A_747 = vector.shape_cast %get3A_746 : vector<1x16xi32> to vector<16xi32>
        %get3A_748 = arith.constant 0 : i32
        %get3A_749 = arith.index_cast %get3A_748 : i32 to index
        %get3A_750 = arith.constant 64 : index
        %get3A_751 = tpu.vector_load %arg9[%get3A_749, %get3A_750] {strides = array<i32>} : memref<2x128xi32, #tpu.memory_space<vmem>>, vector<1x16xi32>,
        %get3A_752 = vector.shape_cast %get3A_751 : vector<1x16xi32> to vector<16xi32>
        %add3A_753 = arith.addi %get3A_747, %broadcast_in_dim3A_4 : vector<16xi32>
        %swap3A_754 = arith.constant 0 : i32
        %swap3A_755 = arith.index_cast %swap3A_754 : i32 to index
        %swap3A_756 = arith.constant 64 : index
        %swap3A_757 = tpu.vector_load %arg10[%swap3A_755, %swap3A_756] {strides = array<i32>} : memref<2x128xi32, #tpu.memory_space<vmem>>, vector<1x16xi32>,
        %swap3A_758 = vector.shape_cast %swap3A_757 : vector<1x16xi32> to vector<16xi32>
        %swap3A_759 = vector.shape_cast %add3A_753 : vector<16xi32> to vector<1x16xi32>
        tpu.vector_store %arg10[%swap3A_755, %swap3A_756], %swap3A_759 {strides = array<i32>} : memref<2x128xi32, #tpu.memory_space<vmem>>, vector<1x16xi32>,
        %swap3A_760 = arith.constant 0 : i32
        %swap3A_761 = arith.index_cast %swap3A_760 : i32 to index
        %swap3A_762 = arith.constant 64 : index
        %swap3A_763 = tpu.vector_load %arg11[%swap3A_761, %swap3A_762] {strides = array<i32>} : memref<2x128xi32, #tpu.memory_space<vmem>>, vector<1x16xi32>,
        %swap3A_764 = vector.shape_cast %swap3A_763 : vector<1x16xi32> to vector<16xi32>
        %swap3A_765 = vector.shape_cast %get3A_752 : vector<16xi32> to vector<1x16xi32>
        tpu.vector_store %arg11[%swap3A_761, %swap3A_762], %swap3A_765 {strides = array<i32>} : memref<2x128xi32, #tpu.memory_space<vmem>>, vector<1x16xi32>,
        %add3A_766 = arith.addi %get3A_752, %broadcast_in_dim3A_4 : vector<16xi32>
        %swap3A_767 = arith.constant 0 : i32
        %swap3A_768 = arith.index_cast %swap3A_767 : i32 to index
        %swap3A_769 = arith.constant 64 : index
        %swap3A_770 = tpu.vector_load %arg12[%swap3A_768, %swap3A_769] {strides = array<i32>} : memref<2x128xi32, #tpu.memory_space<vmem>>, vector<1x16xi32>,
        %swap3A_771 = vector.shape_cast %swap3A_770 : vector<1x16xi32> to vector<16xi32>
        %swap3A_772 = vector.shape_cast %add3A_766 : vector<16xi32> to vector<1x16xi32>
        tpu.vector_store %arg12[%swap3A_768, %swap3A_769], %swap3A_772 {strides = array<i32>} : memref<2x128xi32, #tpu.memory_space<vmem>>, vector<1x16xi32>,
        %get3A_773 = arith.constant 0 : i32
        %get3A_774 = arith.index_cast %get3A_773 : i32 to index
        %get3A_775 = arith.constant 80 : index
        %get3A_776 = tpu.vector_load %arg8[%get3A_774, %get3A_775] {strides = array<i32>} : memref<2x128xi32, #tpu.memory_space<vmem>>, vector<1x16xi32>,
        %get3A_777 = vector.shape_cast %get3A_776 : vector<1x16xi32> to vector<16xi32>
        %get3A_778 = arith.constant 0 : i32
        %get3A_779 = arith.index_cast %get3A_778 : i32 to index
        %get3A_780 = arith.constant 80 : index
        %get3A_781 = tpu.vector_load %arg9[%get3A_779, %get3A_780] {strides = array<i32>} : memref<2x128xi32, #tpu.memory_space<vmem>>, vector<1x16xi32>,
        %get3A_782 = vector.shape_cast %get3A_781 : vector<1x16xi32> to vector<16xi32>
        %add3A_783 = arith.addi %get3A_777, %broadcast_in_dim3A_4 : vector<16xi32>
        %swap3A_784 = arith.constant 0 : i32
        %swap3A_785 = arith.index_cast %swap3A_784 : i32 to index
        %swap3A_786 = arith.constant 80 : index
        %swap3A_787 = tpu.vector_load %arg10[%swap3A_785, %swap3A_786] {strides = array<i32>} : memref<2x128xi32, #tpu.memory_space<vmem>>, vector<1x16xi32>,
        %swap3A_788 = vector.shape_cast %swap3A_787 : vector<1x16xi32> to vector<16xi32>
        %swap3A_789 = vector.shape_cast %add3A_783 : vector<16xi32> to vector<1x16xi32>
        tpu.vector_store %arg10[%swap3A_785, %swap3A_786], %swap3A_789 {strides = array<i32>} : memref<2x128xi32, #tpu.memory_space<vmem>>, vector<1x16xi32>,
        %swap3A_790 = arith.constant 0 : i32
        %swap3A_791 = arith.index_cast %swap3A_790 : i32 to index
        %swap3A_792 = arith.constant 80 : index
        %swap3A_793 = tpu.vector_load %arg11[%swap3A_791, %swap3A_792] {strides = array<i32>} : memref<2x128xi32, #tpu.memory_space<vmem>>, vector<1x16xi32>,
        %swap3A_794 = vector.shape_cast %swap3A_793 : vector<1x16xi32> to vector<16xi32>
        %swap3A_795 = vector.shape_cast %get3A_782 : vector<16xi32> to vector<1x16xi32>
        tpu.vector_store %arg11[%swap3A_791, %swap3A_792], %swap3A_795 {strides = array<i32>} : memref<2x128xi32, #tpu.memory_space<vmem>>, vector<1x16xi32>,
        %add3A_796 = arith.addi %get3A_782, %broadcast_in_dim3A_4 : vector<16xi32>
        %swap3A_797 = arith.constant 0 : i32
        %swap3A_798 = arith.index_cast %swap3A_797 : i32 to index
        %swap3A_799 = arith.constant 80 : index
        %swap3A_800 = tpu.vector_load %arg12[%swap3A_798, %swap3A_799] {strides = array<i32>} : memref<2x128xi32, #tpu.memory_space<vmem>>, vector<1x16xi32>,
        %swap3A_801 = vector.shape_cast %swap3A_800 : vector<1x16xi32> to vector<16xi32>
        %swap3A_802 = vector.shape_cast %add3A_796 : vector<16xi32> to vector<1x16xi32>
        tpu.vector_store %arg12[%swap3A_798, %swap3A_799], %swap3A_802 {strides = array<i32>} : memref<2x128xi32, #tpu.memory_space<vmem>>, vector<1x16xi32>,
        %get3A_803 = arith.constant 0 : i32
        %get3A_804 = arith.index_cast %get3A_803 : i32 to index
        %get3A_805 = arith.constant 96 : index
        %get3A_806 = tpu.vector_load %arg8[%get3A_804, %get3A_805] {strides = array<i32>} : memref<2x128xi32, #tpu.memory_space<vmem>>, vector<1x16xi32>,
        %get3A_807 = vector.shape_cast %get3A_806 : vector<1x16xi32> to vector<16xi32>
        %get3A_808 = arith.constant 0 : i32
        %get3A_809 = arith.index_cast %get3A_808 : i32 to index
        %get3A_810 = arith.constant 96 : index
        %get3A_811 = tpu.vector_load %arg9[%get3A_809, %get3A_810] {strides = array<i32>} : memref<2x128xi32, #tpu.memory_space<vmem>>, vector<1x16xi32>,
        %get3A_812 = vector.shape_cast %get3A_811 : vector<1x16xi32> to vector<16xi32>
        %add3A_813 = arith.addi %get3A_807, %broadcast_in_dim3A_4 : vector<16xi32>
        %swap3A_814 = arith.constant 0 : i32
        %swap3A_815 = arith.index_cast %swap3A_814 : i32 to index
        %swap3A_816 = arith.constant 96 : index
        %swap3A_817 = tpu.vector_load %arg10[%swap3A_815, %swap3A_816] {strides = array<i32>} : memref<2x128xi32, #tpu.memory_space<vmem>>, vector<1x16xi32>,
        %swap3A_818 = vector.shape_cast %swap3A_817 : vector<1x16xi32> to vector<16xi32>
        %swap3A_819 = vector.shape_cast %add3A_813 : vector<16xi32> to vector<1x16xi32>
        tpu.vector_store %arg10[%swap3A_815, %swap3A_816], %swap3A_819 {strides = array<i32>} : memref<2x128xi32, #tpu.memory_space<vmem>>, vector<1x16xi32>,
        %swap3A_820 = arith.constant 0 : i32
        %swap3A_821 = arith.index_cast %swap3A_820 : i32 to index
        %swap3A_822 = arith.constant 96 : index
        %swap3A_823 = tpu.vector_load %arg11[%swap3A_821, %swap3A_822] {strides = array<i32>} : memref<2x128xi32, #tpu.memory_space<vmem>>, vector<1x16xi32>,
        %swap3A_824 = vector.shape_cast %swap3A_823 : vector<1x16xi32> to vector<16xi32>
        %swap3A_825 = vector.shape_cast %get3A_812 : vector<16xi32> to vector<1x16xi32>
        tpu.vector_store %arg11[%swap3A_821, %swap3A_822], %swap3A_825 {strides = array<i32>} : memref<2x128xi32, #tpu.memory_space<vmem>>, vector<1x16xi32>,
        %add3A_826 = arith.addi %get3A_812, %broadcast_in_dim3A_4 : vector<16xi32>
        %swap3A_827 = arith.constant 0 : i32
        %swap3A_828 = arith.index_cast %swap3A_827 : i32 to index
        %swap3A_829 = arith.constant 96 : index
        %swap3A_830 = tpu.vector_load %arg12[%swap3A_828, %swap3A_829] {strides = array<i32>} : memref<2x128xi32, #tpu.memory_space<vmem>>, vector<1x16xi32>,
        %swap3A_831 = vector.shape_cast %swap3A_830 : vector<1x16xi32> to vector<16xi32>
        %swap3A_832 = vector.shape_cast %add3A_826 : vector<16xi32> to vector<1x16xi32>
        tpu.vector_store %arg12[%swap3A_828, %swap3A_829], %swap3A_832 {strides = array<i32>} : memref<2x128xi32, #tpu.memory_space<vmem>>, vector<1x16xi32>,
        %get3A_833 = arith.constant 0 : i32
        %get3A_834 = arith.index_cast %get3A_833 : i32 to index
        %get3A_835 = arith.constant 112 : index
        %get3A_836 = tpu.vector_load %arg8[%get3A_834, %get3A_835] {strides = array<i32>} : memref<2x128xi32, #tpu.memory_space<vmem>>, vector<1x16xi32>,
        %get3A_837 = vector.shape_cast %get3A_836 : vector<1x16xi32> to vector<16xi32>
        %get3A_838 = arith.constant 0 : i32
        %get3A_839 = arith.index_cast %get3A_838 : i32 to index
        %get3A_840 = arith.constant 112 : index
        %get3A_841 = tpu.vector_load %arg9[%get3A_839, %get3A_840] {strides = array<i32>} : memref<2x128xi32, #tpu.memory_space<vmem>>, vector<1x16xi32>,
        %get3A_842 = vector.shape_cast %get3A_841 : vector<1x16xi32> to vector<16xi32>
        %add3A_843 = arith.addi %get3A_837, %broadcast_in_dim3A_4 : vector<16xi32>
        %swap3A_844 = arith.constant 0 : i32
        %swap3A_845 = arith.index_cast %swap3A_844 : i32 to index
        %swap3A_846 = arith.constant 112 : index
        %swap3A_847 = tpu.vector_load %arg10[%swap3A_845, %swap3A_846] {strides = array<i32>} : memref<2x128xi32, #tpu.memory_space<vmem>>, vector<1x16xi32>,
        %swap3A_848 = vector.shape_cast %swap3A_847 : vector<1x16xi32> to vector<16xi32>
        %swap3A_849 = vector.shape_cast %add3A_843 : vector<16xi32> to vector<1x16xi32>
        tpu.vector_store %arg10[%swap3A_845, %swap3A_846], %swap3A_849 {strides = array<i32>} : memref<2x128xi32, #tpu.memory_space<vmem>>, vector<1x16xi32>,
        %swap3A_850 = arith.constant 0 : i32
        %swap3A_851 = arith.index_cast %swap3A_850 : i32 to index
        %swap3A_852 = arith.constant 112 : index
        %swap3A_853 = tpu.vector_load %arg11[%swap3A_851, %swap3A_852] {strides = array<i32>} : memref<2x128xi32, #tpu.memory_space<vmem>>, vector<1x16xi32>,
        %swap3A_854 = vector.shape_cast %swap3A_853 : vector<1x16xi32> to vector<16xi32>
        %swap3A_855 = vector.shape_cast %get3A_842 : vector<16xi32> to vector<1x16xi32>
        tpu.vector_store %arg11[%swap3A_851, %swap3A_852], %swap3A_855 {strides = array<i32>} : memref<2x128xi32, #tpu.memory_space<vmem>>, vector<1x16xi32>,
        %add3A_856 = arith.addi %get3A_842, %broadcast_in_dim3A_4 : vector<16xi32>
        %swap3A_857 = arith.constant 0 : i32
        %swap3A_858 = arith.index_cast %swap3A_857 : i32 to index
        %swap3A_859 = arith.constant 112 : index
        %swap3A_860 = tpu.vector_load %arg12[%swap3A_858, %swap3A_859] {strides = array<i32>} : memref<2x128xi32, #tpu.memory_space<vmem>>, vector<1x16xi32>,
        %swap3A_861 = vector.shape_cast %swap3A_860 : vector<1x16xi32> to vector<16xi32>
        %swap3A_862 = vector.shape_cast %add3A_856 : vector<16xi32> to vector<1x16xi32>
        tpu.vector_store %arg12[%swap3A_858, %swap3A_859], %swap3A_862 {strides = array<i32>} : memref<2x128xi32, #tpu.memory_space<vmem>>, vector<1x16xi32>,
        %dma_start3A_863 = arith.constant 0 : i32
        %dma_start3A_864 = arith.constant 0 : i32
        %dma_start3A_865 = arith.constant 0 : i32
        %dma_start3A_866 = arith.constant 0 : i32
        %dma_start3A_867 = tpu.memref_slice %arg13[%dma_start3A_864, %dma_start3A_865, %dma_start3A_866] : memref<2x128x64xf32, #tpu.memory_space<vmem>> -> memref<1x64x64xf32, #tpu.memory_space<vmem>>
        %dma_start3A_868 = tpu.memref_squeeze %dma_start3A_867 : memref<1x64x64xf32, #tpu.memory_space<vmem>> -> memref<64x64xf32, #tpu.memory_space<vmem>>
        %dma_start3A_869 = arith.constant 0 : i32
        %dma_start3A_870 = tpu.memref_slice %arg12[%dma_start3A_863, %dma_start3A_869] : memref<2x128xi32, #tpu.memory_space<vmem>> -> memref<1x64xi32, #tpu.memory_space<vmem>>
        %dma_start3A_871 = tpu.memref_squeeze %dma_start3A_870 : memref<1x64xi32, #tpu.memory_space<vmem>> -> memref<64xi32, #tpu.memory_space<vmem>>
        %dma_start3A_872 = arith.constant 0 : i32
        %dma_start3A_873 = arith.constant 0 : i32
        %dma_start3A_874 = tpu.memref_slice %arg2[%dma_start3A_872, %dma_start3A_873] : memref<20480x64xf32, #tpu.memory_space<hbm>> -> memref<20480x64xf32, #tpu.memory_space<hbm>>
        tpu.enqueue_indirect_dma source(%dma_start3A_874 : memref<20480x64xf32, #tpu.memory_space<hbm>>) target(%dma_start3A_868 : memref<64x64xf32, #tpu.memory_space<vmem>>) offsets(%dma_start3A_871 : memref<64xi32, #tpu.memory_space<vmem>>) semaphore(%arg23 : memref<!tpu.dma_semaphore, #tpu.memory_space<semaphore_mem>>)
        %dma_start3A_875 = arith.constant 0 : i32
        %dma_start3A_876 = arith.constant 0 : i32
        %dma_start3A_877 = arith.constant 0 : i32
        %dma_start3A_878 = arith.constant 0 : i32
        %dma_start3A_879 = tpu.memref_slice %arg14[%dma_start3A_876, %dma_start3A_877, %dma_start3A_878] : memref<2x128x64xf32, #tpu.memory_space<vmem>> -> memref<1x64x64xf32, #tpu.memory_space<vmem>>
        %dma_start3A_880 = tpu.memref_squeeze %dma_start3A_879 : memref<1x64x64xf32, #tpu.memory_space<vmem>> -> memref<64x64xf32, #tpu.memory_space<vmem>>
        %dma_start3A_881 = arith.constant 0 : i32
        %dma_start3A_882 = tpu.memref_slice %arg10[%dma_start3A_875, %dma_start3A_881] : memref<2x128xi32, #tpu.memory_space<vmem>> -> memref<1x64xi32, #tpu.memory_space<vmem>>
        %dma_start3A_883 = tpu.memref_squeeze %dma_start3A_882 : memref<1x64xi32, #tpu.memory_space<vmem>> -> memref<64xi32, #tpu.memory_space<vmem>>
        %dma_start3A_884 = arith.constant 0 : i32
        %dma_start3A_885 = arith.constant 0 : i32
        %dma_start3A_886 = tpu.memref_slice %arg3[%dma_start3A_884, %dma_start3A_885] : memref<20480x64xf32, #tpu.memory_space<hbm>> -> memref<20480x64xf32, #tpu.memory_space<hbm>>
        tpu.enqueue_indirect_dma source(%dma_start3A_886 : memref<20480x64xf32, #tpu.memory_space<hbm>>) target(%dma_start3A_880 : memref<64x64xf32, #tpu.memory_space<vmem>>) offsets(%dma_start3A_883 : memref<64xi32, #tpu.memory_space<vmem>>) semaphore(%arg25 : memref<!tpu.dma_semaphore, #tpu.memory_space<semaphore_mem>>)
        %dma_start3A_887 = arith.constant 0 : i32
        %dma_start3A_888 = arith.constant 0 : i32
        %dma_start3A_889 = arith.constant 64 : i32
        %dma_start3A_890 = arith.constant 0 : i32
        %dma_start3A_891 = tpu.memref_slice %arg13[%dma_start3A_888, %dma_start3A_889, %dma_start3A_890] : memref<2x128x64xf32, #tpu.memory_space<vmem>> -> memref<1x64x64xf32, #tpu.memory_space<vmem>>
        %dma_start3A_892 = tpu.memref_squeeze %dma_start3A_891 : memref<1x64x64xf32, #tpu.memory_space<vmem>> -> memref<64x64xf32, #tpu.memory_space<vmem>>
        %dma_start3A_893 = arith.constant 64 : i32
        %dma_start3A_894 = tpu.memref_slice %arg12[%dma_start3A_887, %dma_start3A_893] : memref<2x128xi32, #tpu.memory_space<vmem>> -> memref<1x64xi32, #tpu.memory_space<vmem>>
        %dma_start3A_895 = tpu.memref_squeeze %dma_start3A_894 : memref<1x64xi32, #tpu.memory_space<vmem>> -> memref<64xi32, #tpu.memory_space<vmem>>
        %dma_start3A_896 = arith.constant 0 : i32
        %dma_start3A_897 = arith.constant 0 : i32
        %dma_start3A_898 = tpu.memref_slice %arg2[%dma_start3A_896, %dma_start3A_897] : memref<20480x64xf32, #tpu.memory_space<hbm>> -> memref<20480x64xf32, #tpu.memory_space<hbm>>
        tpu.enqueue_indirect_dma source(%dma_start3A_898 : memref<20480x64xf32, #tpu.memory_space<hbm>>) target(%dma_start3A_892 : memref<64x64xf32, #tpu.memory_space<vmem>>) offsets(%dma_start3A_895 : memref<64xi32, #tpu.memory_space<vmem>>) semaphore(%arg23 : memref<!tpu.dma_semaphore, #tpu.memory_space<semaphore_mem>>)
        %dma_start3A_899 = arith.constant 0 : i32
        %dma_start3A_900 = arith.constant 0 : i32
        %dma_start3A_901 = arith.constant 64 : i32
        %dma_start3A_902 = arith.constant 0 : i32
        %dma_start3A_903 = tpu.memref_slice %arg14[%dma_start3A_900, %dma_start3A_901, %dma_start3A_902] : memref<2x128x64xf32, #tpu.memory_space<vmem>> -> memref<1x64x64xf32, #tpu.memory_space<vmem>>
        %dma_start3A_904 = tpu.memref_squeeze %dma_start3A_903 : memref<1x64x64xf32, #tpu.memory_space<vmem>> -> memref<64x64xf32, #tpu.memory_space<vmem>>
        %dma_start3A_905 = arith.constant 64 : i32
        %dma_start3A_906 = tpu.memref_slice %arg10[%dma_start3A_899, %dma_start3A_905] : memref<2x128xi32, #tpu.memory_space<vmem>> -> memref<1x64xi32, #tpu.memory_space<vmem>>
        %dma_start3A_907 = tpu.memref_squeeze %dma_start3A_906 : memref<1x64xi32, #tpu.memory_space<vmem>> -> memref<64xi32, #tpu.memory_space<vmem>>
        %dma_start3A_908 = arith.constant 0 : i32
        %dma_start3A_909 = arith.constant 0 : i32
        %dma_start3A_910 = tpu.memref_slice %arg3[%dma_start3A_908, %dma_start3A_909] : memref<20480x64xf32, #tpu.memory_space<hbm>> -> memref<20480x64xf32, #tpu.memory_space<hbm>>
        tpu.enqueue_indirect_dma source(%dma_start3A_910 : memref<20480x64xf32, #tpu.memory_space<hbm>>) target(%dma_start3A_904 : memref<64x64xf32, #tpu.memory_space<vmem>>) offsets(%dma_start3A_907 : memref<64xi32, #tpu.memory_space<vmem>>) semaphore(%arg25 : memref<!tpu.dma_semaphore, #tpu.memory_space<semaphore_mem>>)
      } else {
      }
      %dma_wait3A_527 = arith.constant 1 : i32
      %dma_wait3A_528 = arith.constant 1 : i32
      %dma_wait3A_529 = arith.constant 0 : i32
      %dma_wait3A_530 = arith.constant 0 : i32
      %dma_wait3A_531 = tpu.memref_slice %arg13[%dma_wait3A_528, %dma_wait3A_529, %dma_wait3A_530] : memref<2x128x64xf32, #tpu.memory_space<vmem>> -> memref<1x64x64xf32, #tpu.memory_space<vmem>>
      %dma_wait3A_532 = tpu.memref_squeeze %dma_wait3A_531 : memref<1x64x64xf32, #tpu.memory_space<vmem>> -> memref<64x64xf32, #tpu.memory_space<vmem>>
      %dma_wait3A_533 = arith.constant 0 : i32
      %dma_wait3A_534 = tpu.memref_slice %arg12[%dma_wait3A_527, %dma_wait3A_533] : memref<2x128xi32, #tpu.memory_space<vmem>> -> memref<1x64xi32, #tpu.memory_space<vmem>>
      %dma_wait3A_535 = tpu.memref_squeeze %dma_wait3A_534 : memref<1x64xi32, #tpu.memory_space<vmem>> -> memref<64xi32, #tpu.memory_space<vmem>>
      %dma_wait3A_536 = arith.constant 0 : i32
      %dma_wait3A_537 = arith.constant 0 : i32
      %dma_wait3A_538 = tpu.memref_slice %arg2[%dma_wait3A_536, %dma_wait3A_537] : memref<20480x64xf32, #tpu.memory_space<hbm>> -> memref<20480x64xf32, #tpu.memory_space<hbm>>
      tpu.wait_indirect_dma semaphore(%arg24 : memref<!tpu.dma_semaphore, #tpu.memory_space<semaphore_mem>>) src(%dma_wait3A_538 : memref<20480x64xf32, #tpu.memory_space<hbm>>) dst(%dma_wait3A_532 : memref<64x64xf32, #tpu.memory_space<vmem>>)
      %dma_wait3A_539 = arith.constant 1 : i32
      %dma_wait3A_540 = arith.constant 1 : i32
      %dma_wait3A_541 = arith.constant 64 : i32
      %dma_wait3A_542 = arith.constant 0 : i32
      %dma_wait3A_543 = tpu.memref_slice %arg13[%dma_wait3A_540, %dma_wait3A_541, %dma_wait3A_542] : memref<2x128x64xf32, #tpu.memory_space<vmem>> -> memref<1x64x64xf32, #tpu.memory_space<vmem>>
      %dma_wait3A_544 = tpu.memref_squeeze %dma_wait3A_543 : memref<1x64x64xf32, #tpu.memory_space<vmem>> -> memref<64x64xf32, #tpu.memory_space<vmem>>
      %dma_wait3A_545 = arith.constant 64 : i32
      %dma_wait3A_546 = tpu.memref_slice %arg12[%dma_wait3A_539, %dma_wait3A_545] : memref<2x128xi32, #tpu.memory_space<vmem>> -> memref<1x64xi32, #tpu.memory_space<vmem>>
      %dma_wait3A_547 = tpu.memref_squeeze %dma_wait3A_546 : memref<1x64xi32, #tpu.memory_space<vmem>> -> memref<64xi32, #tpu.memory_space<vmem>>
      %dma_wait3A_548 = arith.constant 0 : i32
      %dma_wait3A_549 = arith.constant 0 : i32
      %dma_wait3A_550 = tpu.memref_slice %arg2[%dma_wait3A_548, %dma_wait3A_549] : memref<20480x64xf32, #tpu.memory_space<hbm>> -> memref<20480x64xf32, #tpu.memory_space<hbm>>
      tpu.wait_indirect_dma semaphore(%arg24 : memref<!tpu.dma_semaphore, #tpu.memory_space<semaphore_mem>>) src(%dma_wait3A_550 : memref<20480x64xf32, #tpu.memory_space<hbm>>) dst(%dma_wait3A_544 : memref<64x64xf32, #tpu.memory_space<vmem>>)
      %dma_wait3A_551 = arith.constant 1 : i32
      %dma_wait3A_552 = arith.constant 1 : i32
      %dma_wait3A_553 = arith.constant 0 : i32
      %dma_wait3A_554 = arith.constant 0 : i32
      %dma_wait3A_555 = tpu.memref_slice %arg14[%dma_wait3A_552, %dma_wait3A_553, %dma_wait3A_554] : memref<2x128x64xf32, #tpu.memory_space<vmem>> -> memref<1x64x64xf32, #tpu.memory_space<vmem>>
      %dma_wait3A_556 = tpu.memref_squeeze %dma_wait3A_555 : memref<1x64x64xf32, #tpu.memory_space<vmem>> -> memref<64x64xf32, #tpu.memory_space<vmem>>
      %dma_wait3A_557 = arith.constant 0 : i32
      %dma_wait3A_558 = tpu.memref_slice %arg10[%dma_wait3A_551, %dma_wait3A_557] : memref<2x128xi32, #tpu.memory_space<vmem>> -> memref<1x64xi32, #tpu.memory_space<vmem>>
      %dma_wait3A_559 = tpu.memref_squeeze %dma_wait3A_558 : memref<1x64xi32, #tpu.memory_space<vmem>> -> memref<64xi32, #tpu.memory_space<vmem>>
      %dma_wait3A_560 = arith.constant 0 : i32
      %dma_wait3A_561 = arith.constant 0 : i32
      %dma_wait3A_562 = tpu.memref_slice %arg3[%dma_wait3A_560, %dma_wait3A_561] : memref<20480x64xf32, #tpu.memory_space<hbm>> -> memref<20480x64xf32, #tpu.memory_space<hbm>>
      tpu.wait_indirect_dma semaphore(%arg26 : memref<!tpu.dma_semaphore, #tpu.memory_space<semaphore_mem>>) src(%dma_wait3A_562 : memref<20480x64xf32, #tpu.memory_space<hbm>>) dst(%dma_wait3A_556 : memref<64x64xf32, #tpu.memory_space<vmem>>)
      %dma_wait3A_563 = arith.constant 1 : i32
      %dma_wait3A_564 = arith.constant 1 : i32
      %dma_wait3A_565 = arith.constant 64 : i32
      %dma_wait3A_566 = arith.constant 0 : i32
      %dma_wait3A_567 = tpu.memref_slice %arg14[%dma_wait3A_564, %dma_wait3A_565, %dma_wait3A_566] : memref<2x128x64xf32, #tpu.memory_space<vmem>> -> memref<1x64x64xf32, #tpu.memory_space<vmem>>
      %dma_wait3A_568 = tpu.memref_squeeze %dma_wait3A_567 : memref<1x64x64xf32, #tpu.memory_space<vmem>> -> memref<64x64xf32, #tpu.memory_space<vmem>>
      %dma_wait3A_569 = arith.constant 64 : i32
      %dma_wait3A_570 = tpu.memref_slice %arg10[%dma_wait3A_563, %dma_wait3A_569] : memref<2x128xi32, #tpu.memory_space<vmem>> -> memref<1x64xi32, #tpu.memory_space<vmem>>
      %dma_wait3A_571 = tpu.memref_squeeze %dma_wait3A_570 : memref<1x64xi32, #tpu.memory_space<vmem>> -> memref<64xi32, #tpu.memory_space<vmem>>
      %dma_wait3A_572 = arith.constant 0 : i32
      %dma_wait3A_573 = arith.constant 0 : i32
      %dma_wait3A_574 = tpu.memref_slice %arg3[%dma_wait3A_572, %dma_wait3A_573] : memref<20480x64xf32, #tpu.memory_space<hbm>> -> memref<20480x64xf32, #tpu.memory_space<hbm>>
      tpu.wait_indirect_dma semaphore(%arg26 : memref<!tpu.dma_semaphore, #tpu.memory_space<semaphore_mem>>) src(%dma_wait3A_574 : memref<20480x64xf32, #tpu.memory_space<hbm>>) dst(%dma_wait3A_568 : memref<64x64xf32, #tpu.memory_space<vmem>>)
      %scan3A_575 = arith.constant 0 : i32
      %scan3A_576 = arith.constant 0 : i32
      %scan3A_577 = arith.constant 128 : i32
      %scan3A_578 = arith.addi %scan3A_576, %scan3A_577 : i32
      %scan3A_579 = arith.constant 1 : i32
      scf.for %scan3A_598 = %scan3A_576 to %scan3A_578 step %scan3A_579  : i32 {
        %get3A_599 = arith.constant 1 : i32
        %get3A_600 = arith.index_cast %get3A_599 : i32 to index
        %get3A_601 = arith.index_cast %scan3A_598 : i32 to index
        %get3A_602 = arith.constant 0 : index
        %get3A_603 = tpu.vector_load %arg13[%get3A_600, %get3A_601, %get3A_602] {strides = array<i32>} : memref<2x128x64xf32, #tpu.memory_space<vmem>>, vector<1x1x16xf32>,
        %get3A_604 = vector.shape_cast %get3A_603 : vector<1x1x16xf32> to vector<16xf32>
        %get3A_605 = arith.constant 1 : i32
        %get3A_606 = arith.index_cast %get3A_605 : i32 to index
        %get3A_607 = arith.index_cast %scan3A_598 : i32 to index
        %get3A_608 = arith.constant 0 : index
        %get3A_609 = tpu.vector_load %arg14[%get3A_606, %get3A_607, %get3A_608] {strides = array<i32>} : memref<2x128x64xf32, #tpu.memory_space<vmem>>, vector<1x1x16xf32>,
        %get3A_610 = vector.shape_cast %get3A_609 : vector<1x1x16xf32> to vector<16xf32>
        %add3A_611 = arith.addf %get3A_604, %get3A_610 : vector<16xf32>
        %max3A = arith.constant 0.000000e+00 : f32
        %max3A_612 = vector.broadcast %max3A : f32 to vector<16xf32>
        %max3A_613 = arith.maximumf %add3A_611, %max3A_612 : vector<16xf32>
        %swap3A_614 = arith.constant 1 : i32
        %swap3A_615 = arith.index_cast %swap3A_614 : i32 to index
        %swap3A_616 = arith.index_cast %scan3A_598 : i32 to index
        %swap3A_617 = arith.constant 0 : index
        %swap3A_618 = tpu.vector_load %arg15[%swap3A_615, %swap3A_616, %swap3A_617] {strides = array<i32>} : memref<2x128x64xf32, #tpu.memory_space<vmem>>, vector<1x1x16xf32>,
        %swap3A_619 = vector.shape_cast %swap3A_618 : vector<1x1x16xf32> to vector<16xf32>
        %swap3A_620 = vector.shape_cast %max3A_613 : vector<16xf32> to vector<1x1x16xf32>
        tpu.vector_store %arg15[%swap3A_615, %swap3A_616, %swap3A_617], %swap3A_620 {strides = array<i32>} : memref<2x128x64xf32, #tpu.memory_space<vmem>>, vector<1x1x16xf32>,
        %get3A_621 = arith.constant 1 : i32
        %get3A_622 = arith.index_cast %get3A_621 : i32 to index
        %get3A_623 = arith.index_cast %scan3A_598 : i32 to index
        %get3A_624 = arith.constant 16 : index
        %get3A_625 = tpu.vector_load %arg13[%get3A_622, %get3A_623, %get3A_624] {strides = array<i32>} : memref<2x128x64xf32, #tpu.memory_space<vmem>>, vector<1x1x16xf32>,
        %get3A_626 = vector.shape_cast %get3A_625 : vector<1x1x16xf32> to vector<16xf32>
        %get3A_627 = arith.constant 1 : i32
        %get3A_628 = arith.index_cast %get3A_627 : i32 to index
        %get3A_629 = arith.index_cast %scan3A_598 : i32 to index
        %get3A_630 = arith.constant 16 : index
        %get3A_631 = tpu.vector_load %arg14[%get3A_628, %get3A_629, %get3A_630] {strides = array<i32>} : memref<2x128x64xf32, #tpu.memory_space<vmem>>, vector<1x1x16xf32>,
        %get3A_632 = vector.shape_cast %get3A_631 : vector<1x1x16xf32> to vector<16xf32>
        %add3A_633 = arith.addf %get3A_626, %get3A_632 : vector<16xf32>
        %max3A_634 = arith.constant 0.000000e+00 : f32
        %max3A_635 = vector.broadcast %max3A_634 : f32 to vector<16xf32>
        %max3A_636 = arith.maximumf %add3A_633, %max3A_635 : vector<16xf32>
        %swap3A_637 = arith.constant 1 : i32
        %swap3A_638 = arith.index_cast %swap3A_637 : i32 to index
        %swap3A_639 = arith.index_cast %scan3A_598 : i32 to index
        %swap3A_640 = arith.constant 16 : index
        %swap3A_641 = tpu.vector_load %arg15[%swap3A_638, %swap3A_639, %swap3A_640] {strides = array<i32>} : memref<2x128x64xf32, #tpu.memory_space<vmem>>, vector<1x1x16xf32>,
        %swap3A_642 = vector.shape_cast %swap3A_641 : vector<1x1x16xf32> to vector<16xf32>
        %swap3A_643 = vector.shape_cast %max3A_636 : vector<16xf32> to vector<1x1x16xf32>
        tpu.vector_store %arg15[%swap3A_638, %swap3A_639, %swap3A_640], %swap3A_643 {strides = array<i32>} : memref<2x128x64xf32, #tpu.memory_space<vmem>>, vector<1x1x16xf32>,
        %get3A_644 = arith.constant 1 : i32
        %get3A_645 = arith.index_cast %get3A_644 : i32 to index
        %get3A_646 = arith.index_cast %scan3A_598 : i32 to index
        %get3A_647 = arith.constant 32 : index
        %get3A_648 = tpu.vector_load %arg13[%get3A_645, %get3A_646, %get3A_647] {strides = array<i32>} : memref<2x128x64xf32, #tpu.memory_space<vmem>>, vector<1x1x16xf32>,
        %get3A_649 = vector.shape_cast %get3A_648 : vector<1x1x16xf32> to vector<16xf32>
        %get3A_650 = arith.constant 1 : i32
        %get3A_651 = arith.index_cast %get3A_650 : i32 to index
        %get3A_652 = arith.index_cast %scan3A_598 : i32 to index
        %get3A_653 = arith.constant 32 : index
        %get3A_654 = tpu.vector_load %arg14[%get3A_651, %get3A_652, %get3A_653] {strides = array<i32>} : memref<2x128x64xf32, #tpu.memory_space<vmem>>, vector<1x1x16xf32>,
        %get3A_655 = vector.shape_cast %get3A_654 : vector<1x1x16xf32> to vector<16xf32>
        %add3A_656 = arith.addf %get3A_649, %get3A_655 : vector<16xf32>
        %max3A_657 = arith.constant 0.000000e+00 : f32
        %max3A_658 = vector.broadcast %max3A_657 : f32 to vector<16xf32>
        %max3A_659 = arith.maximumf %add3A_656, %max3A_658 : vector<16xf32>
        %swap3A_660 = arith.constant 1 : i32
        %swap3A_661 = arith.index_cast %swap3A_660 : i32 to index
        %swap3A_662 = arith.index_cast %scan3A_598 : i32 to index
        %swap3A_663 = arith.constant 32 : index
        %swap3A_664 = tpu.vector_load %arg15[%swap3A_661, %swap3A_662, %swap3A_663] {strides = array<i32>} : memref<2x128x64xf32, #tpu.memory_space<vmem>>, vector<1x1x16xf32>,
        %swap3A_665 = vector.shape_cast %swap3A_664 : vector<1x1x16xf32> to vector<16xf32>
        %swap3A_666 = vector.shape_cast %max3A_659 : vector<16xf32> to vector<1x1x16xf32>
        tpu.vector_store %arg15[%swap3A_661, %swap3A_662, %swap3A_663], %swap3A_666 {strides = array<i32>} : memref<2x128x64xf32, #tpu.memory_space<vmem>>, vector<1x1x16xf32>,
        %get3A_667 = arith.constant 1 : i32
        %get3A_668 = arith.index_cast %get3A_667 : i32 to index
        %get3A_669 = arith.index_cast %scan3A_598 : i32 to index
        %get3A_670 = arith.constant 48 : index
        %get3A_671 = tpu.vector_load %arg13[%get3A_668, %get3A_669, %get3A_670] {strides = array<i32>} : memref<2x128x64xf32, #tpu.memory_space<vmem>>, vector<1x1x16xf32>,
        %get3A_672 = vector.shape_cast %get3A_671 : vector<1x1x16xf32> to vector<16xf32>
        %get3A_673 = arith.constant 1 : i32
        %get3A_674 = arith.index_cast %get3A_673 : i32 to index
        %get3A_675 = arith.index_cast %scan3A_598 : i32 to index
        %get3A_676 = arith.constant 48 : index
        %get3A_677 = tpu.vector_load %arg14[%get3A_674, %get3A_675, %get3A_676] {strides = array<i32>} : memref<2x128x64xf32, #tpu.memory_space<vmem>>, vector<1x1x16xf32>,
        %get3A_678 = vector.shape_cast %get3A_677 : vector<1x1x16xf32> to vector<16xf32>
        %add3A_679 = arith.addf %get3A_672, %get3A_678 : vector<16xf32>
        %max3A_680 = arith.constant 0.000000e+00 : f32
        %max3A_681 = vector.broadcast %max3A_680 : f32 to vector<16xf32>
        %max3A_682 = arith.maximumf %add3A_679, %max3A_681 : vector<16xf32>
        %swap3A_683 = arith.constant 1 : i32
        %swap3A_684 = arith.index_cast %swap3A_683 : i32 to index
        %swap3A_685 = arith.index_cast %scan3A_598 : i32 to index
        %swap3A_686 = arith.constant 48 : index
        %swap3A_687 = tpu.vector_load %arg15[%swap3A_684, %swap3A_685, %swap3A_686] {strides = array<i32>} : memref<2x128x64xf32, #tpu.memory_space<vmem>>, vector<1x1x16xf32>,
        %swap3A_688 = vector.shape_cast %swap3A_687 : vector<1x1x16xf32> to vector<16xf32>
        %swap3A_689 = vector.shape_cast %max3A_682 : vector<16xf32> to vector<1x1x16xf32>
        tpu.vector_store %arg15[%swap3A_684, %swap3A_685, %swap3A_686], %swap3A_689 {strides = array<i32>} : memref<2x128x64xf32, #tpu.memory_space<vmem>>, vector<1x1x16xf32>,
      }
      %scan3A_580 = arith.constant 128 : i32
      %dma_start3A_581 = arith.constant 1 : i32
      %dma_start3A_582 = arith.constant 1 : i32
      %dma_start3A_583 = arith.constant 0 : i32
      %dma_start3A_584 = arith.constant 0 : i32
      %dma_start3A_585 = tpu.memref_slice %arg15[%dma_start3A_581, %dma_start3A_583, %dma_start3A_584] : memref<2x128x64xf32, #tpu.memory_space<vmem>> -> memref<1x128x64xf32, #tpu.memory_space<vmem>>
      %dma_start3A_586 = tpu.memref_squeeze %dma_start3A_585 : memref<1x128x64xf32, #tpu.memory_space<vmem>> -> memref<128x64xf32, #tpu.memory_space<vmem>>
      %dma_start3A_587 = arith.constant 0 : i32
      %dma_start3A_588 = tpu.memref_slice %arg11[%dma_start3A_582, %dma_start3A_587] : memref<2x128xi32, #tpu.memory_space<vmem>> -> memref<1x128xi32, #tpu.memory_space<vmem>>
      %dma_start3A_589 = tpu.memref_squeeze %dma_start3A_588 : memref<1x128xi32, #tpu.memory_space<vmem>> -> memref<128xi32, #tpu.memory_space<vmem>>
      %dma_start3A_590 = arith.constant 0 : i32
      %dma_start3A_591 = arith.constant 0 : i32
      %dma_start3A_592 = tpu.memref_slice %arg19[%dma_start3A_590, %dma_start3A_591] : memref<10240x64xf32, #tpu.memory_space<vmem_shared>> -> memref<10240x64xf32, #tpu.memory_space<vmem_shared>>
      tpu.enqueue_indirect_dma source(%dma_start3A_586 : memref<128x64xf32, #tpu.memory_space<vmem>>) target(%dma_start3A_592 : memref<10240x64xf32, #tpu.memory_space<vmem_shared>>) offsets(%dma_start3A_589 : memref<128xi32, #tpu.memory_space<vmem>>) semaphore(%arg28 : memref<!tpu.dma_semaphore, #tpu.memory_space<semaphore_mem>>) {add = true}
      %eq3A_593 = arith.constant 0 : i32
      %eq3A_594 = arith.cmpi eq, %arg0, %eq3A_593 : i32
      %convert_element_type3A_595 = arith.extui %eq3A_594 : i1 to i32
      %cond3A_596 = arith.constant 0 : i32
      %cond3A_597 = arith.cmpi ne, %convert_element_type3A_595, %cond3A_596 : i32
      scf.if %cond3A_597 {
        %dma_start3A_598 = arith.constant 1 : i32
        %dma_start3A_599 = arith.constant 0 : i32
        %dma_start3A_600 = tpu.memref_slice %arg11[%dma_start3A_598, %dma_start3A_599] : memref<2x128xi32, #tpu.memory_space<vmem>> -> memref<1x128xi32, #tpu.memory_space<vmem>>
        %dma_start3A_601 = tpu.memref_squeeze %dma_start3A_600 : memref<1x128xi32, #tpu.memory_space<vmem>> -> memref<128xi32, #tpu.memory_space<vmem>>
        %dma_start3A_602 = arith.constant 0 : i32
        %dma_start3A_603 = arith.constant 0 : i32
        %dma_start3A_604 = tpu.memref_slice %arg20[%dma_start3A_602, %dma_start3A_603] : memref<10240x16xf32, #tpu.memory_space<vmem_shared>> -> memref<10240x16xf32, #tpu.memory_space<vmem_shared>>
        tpu.enqueue_indirect_dma source(%arg16 : memref<128x16xf32, #tpu.memory_space<vmem>>) target(%dma_start3A_604 : memref<10240x16xf32, #tpu.memory_space<vmem_shared>>) offsets(%dma_start3A_601 : memref<128xi32, #tpu.memory_space<vmem>>) semaphore(%arg30 : memref<!tpu.dma_semaphore, #tpu.memory_space<semaphore_mem>>) {add = true}
      } else {
      }
    }
    %scan3A_380 = arith.constant 79 : i32
    %dma_wait3A_381 = arith.constant 0 : i32
    %dma_wait3A_382 = arith.constant 0 : i32
    %dma_wait3A_383 = arith.constant 0 : i32
    %dma_wait3A_384 = arith.constant 0 : i32
    %dma_wait3A_385 = tpu.memref_slice %arg15[%dma_wait3A_381, %dma_wait3A_383, %dma_wait3A_384] : memref<2x128x64xf32, #tpu.memory_space<vmem>> -> memref<1x128x64xf32, #tpu.memory_space<vmem>>
    %dma_wait3A_386 = tpu.memref_squeeze %dma_wait3A_385 : memref<1x128x64xf32, #tpu.memory_space<vmem>> -> memref<128x64xf32, #tpu.memory_space<vmem>>
    %dma_wait3A_387 = arith.constant 0 : i32
    %dma_wait3A_388 = tpu.memref_slice %arg11[%dma_wait3A_382, %dma_wait3A_387] : memref<2x128xi32, #tpu.memory_space<vmem>> -> memref<1x128xi32, #tpu.memory_space<vmem>>
    %dma_wait3A_389 = tpu.memref_squeeze %dma_wait3A_388 : memref<1x128xi32, #tpu.memory_space<vmem>> -> memref<128xi32, #tpu.memory_space<vmem>>
    %dma_wait3A_390 = arith.constant 0 : i32
    %dma_wait3A_391 = arith.constant 0 : i32
    %dma_wait3A_392 = tpu.memref_slice %arg19[%dma_wait3A_390, %dma_wait3A_391] : memref<10240x64xf32, #tpu.memory_space<vmem_shared>> -> memref<10240x64xf32, #tpu.memory_space<vmem_shared>>
    tpu.wait_indirect_dma semaphore(%arg27 : memref<!tpu.dma_semaphore, #tpu.memory_space<semaphore_mem>>) src(%dma_wait3A_386 : memref<128x64xf32, #tpu.memory_space<vmem>>) dst(%dma_wait3A_392 : memref<10240x64xf32, #tpu.memory_space<vmem_shared>>)
    %eq3A = arith.constant 0 : i32
    %eq3A_393 = arith.cmpi eq, %arg0, %eq3A : i32
    %convert_element_type3A = arith.extui %eq3A_393 : i1 to i32
    %cond3A = arith.constant 0 : i32
    %cond3A_394 = arith.cmpi ne, %convert_element_type3A, %cond3A : i32
    scf.if %cond3A_394 {
      %dma_wait3A_420 = arith.constant 0 : i32
      %dma_wait3A_421 = arith.constant 0 : i32
      %dma_wait3A_422 = tpu.memref_slice %arg11[%dma_wait3A_420, %dma_wait3A_421] : memref<2x128xi32, #tpu.memory_space<vmem>> -> memref<1x128xi32, #tpu.memory_space<vmem>>
      %dma_wait3A_423 = tpu.memref_squeeze %dma_wait3A_422 : memref<1x128xi32, #tpu.memory_space<vmem>> -> memref<128xi32, #tpu.memory_space<vmem>>
      %dma_wait3A_424 = arith.constant 0 : i32
      %dma_wait3A_425 = arith.constant 0 : i32
      %dma_wait3A_426 = tpu.memref_slice %arg20[%dma_wait3A_424, %dma_wait3A_425] : memref<10240x16xf32, #tpu.memory_space<vmem_shared>> -> memref<10240x16xf32, #tpu.memory_space<vmem_shared>>
      tpu.wait_indirect_dma semaphore(%arg29 : memref<!tpu.dma_semaphore, #tpu.memory_space<semaphore_mem>>) src(%arg16 : memref<128x16xf32, #tpu.memory_space<vmem>>) dst(%dma_wait3A_426 : memref<10240x16xf32, #tpu.memory_space<vmem_shared>>)
    } else {
    }
    %dma_wait3A_395 = arith.constant 1 : i32
    %dma_wait3A_396 = arith.constant 1 : i32
    %dma_wait3A_397 = arith.constant 0 : i32
    %dma_wait3A_398 = arith.constant 0 : i32
    %dma_wait3A_399 = tpu.memref_slice %arg15[%dma_wait3A_395, %dma_wait3A_397, %dma_wait3A_398] : memref<2x128x64xf32, #tpu.memory_space<vmem>> -> memref<1x128x64xf32, #tpu.memory_space<vmem>>
    %dma_wait3A_400 = tpu.memref_squeeze %dma_wait3A_399 : memref<1x128x64xf32, #tpu.memory_space<vmem>> -> memref<128x64xf32, #tpu.memory_space<vmem>>
    %dma_wait3A_401 = arith.constant 0 : i32
    %dma_wait3A_402 = tpu.memref_slice %arg11[%dma_wait3A_396, %dma_wait3A_401] : memref<2x128xi32, #tpu.memory_space<vmem>> -> memref<1x128xi32, #tpu.memory_space<vmem>>
    %dma_wait3A_403 = tpu.memref_squeeze %dma_wait3A_402 : memref<1x128xi32, #tpu.memory_space<vmem>> -> memref<128xi32, #tpu.memory_space<vmem>>
    %dma_wait3A_404 = arith.constant 0 : i32
    %dma_wait3A_405 = arith.constant 0 : i32
    %dma_wait3A_406 = tpu.memref_slice %arg19[%dma_wait3A_404, %dma_wait3A_405] : memref<10240x64xf32, #tpu.memory_space<vmem_shared>> -> memref<10240x64xf32, #tpu.memory_space<vmem_shared>>
    tpu.wait_indirect_dma semaphore(%arg28 : memref<!tpu.dma_semaphore, #tpu.memory_space<semaphore_mem>>) src(%dma_wait3A_400 : memref<128x64xf32, #tpu.memory_space<vmem>>) dst(%dma_wait3A_406 : memref<10240x64xf32, #tpu.memory_space<vmem_shared>>)
    %eq3A_407 = arith.constant 0 : i32
    %eq3A_408 = arith.cmpi eq, %arg0, %eq3A_407 : i32
    %convert_element_type3A_409 = arith.extui %eq3A_408 : i1 to i32
    %cond3A_410 = arith.constant 0 : i32
    %cond3A_411 = arith.cmpi ne, %convert_element_type3A_409, %cond3A_410 : i32
    scf.if %cond3A_411 {
      %dma_wait3A_420 = arith.constant 1 : i32
      %dma_wait3A_421 = arith.constant 0 : i32
      %dma_wait3A_422 = tpu.memref_slice %arg11[%dma_wait3A_420, %dma_wait3A_421] : memref<2x128xi32, #tpu.memory_space<vmem>> -> memref<1x128xi32, #tpu.memory_space<vmem>>
      %dma_wait3A_423 = tpu.memref_squeeze %dma_wait3A_422 : memref<1x128xi32, #tpu.memory_space<vmem>> -> memref<128xi32, #tpu.memory_space<vmem>>
      %dma_wait3A_424 = arith.constant 0 : i32
      %dma_wait3A_425 = arith.constant 0 : i32
      %dma_wait3A_426 = tpu.memref_slice %arg20[%dma_wait3A_424, %dma_wait3A_425] : memref<10240x16xf32, #tpu.memory_space<vmem_shared>> -> memref<10240x16xf32, #tpu.memory_space<vmem_shared>>
      tpu.wait_indirect_dma semaphore(%arg30 : memref<!tpu.dma_semaphore, #tpu.memory_space<semaphore_mem>>) src(%arg16 : memref<128x16xf32, #tpu.memory_space<vmem>>) dst(%dma_wait3A_426 : memref<10240x16xf32, #tpu.memory_space<vmem_shared>>)
    } else {
    }
    %barrier3A_412 = arith.constant 0 : index
    tpu.barrier barrier_id(%barrier3A_412)
    %mul3A_413 = arith.constant 640 : i32
    %mul3A_414 = arith.muli %arg1, %mul3A_413 : i32
    "tpu.region"() ({
      %run_scoped3A = tpu.sem_alloc : memref<!tpu.dma_semaphore, #tpu.memory_space<semaphore_mem>>
      %dma_start3A_420 = arith.constant 0 : i32
      %dma_start3A_421 = tpu.memref_slice %arg6[%arg0, %mul3A_414, %dma_start3A_420] : memref<2x10240x64xf32, #tpu.memory_space<hbm>> -> memref<1x640x64xf32, #tpu.memory_space<hbm>>
      %dma_start3A_422 = tpu.memref_squeeze %dma_start3A_421 : memref<1x640x64xf32, #tpu.memory_space<hbm>> -> memref<640x64xf32, #tpu.memory_space<hbm>>
      %dma_start3A_423 = arith.constant 0 : i32
      %dma_start3A_424 = tpu.memref_slice %arg19[%mul3A_414, %dma_start3A_423] : memref<10240x64xf32, #tpu.memory_space<vmem_shared>> -> memref<640x64xf32, #tpu.memory_space<vmem_shared>>
      tpu.enqueue_dma source(%dma_start3A_424 : memref<640x64xf32, #tpu.memory_space<vmem_shared>>) target(%dma_start3A_422 : memref<640x64xf32, #tpu.memory_space<hbm>>) target_semaphore(%run_scoped3A : memref<!tpu.dma_semaphore, #tpu.memory_space<semaphore_mem>>)
      %dma_wait3A_425 = arith.constant 0 : i32
      %dma_wait3A_426 = tpu.memref_slice %arg6[%arg0, %mul3A_414, %dma_wait3A_425] : memref<2x10240x64xf32, #tpu.memory_space<hbm>> -> memref<1x640x64xf32, #tpu.memory_space<hbm>>
      %dma_wait3A_427 = tpu.memref_squeeze %dma_wait3A_426 : memref<1x640x64xf32, #tpu.memory_space<hbm>> -> memref<640x64xf32, #tpu.memory_space<hbm>>
      %dma_wait3A_428 = arith.constant 0 : i32
      %dma_wait3A_429 = tpu.memref_slice %arg19[%mul3A_414, %dma_wait3A_428] : memref<10240x64xf32, #tpu.memory_space<vmem_shared>> -> memref<640x64xf32, #tpu.memory_space<vmem_shared>>
      tpu.wait_dma2 semaphore(%run_scoped3A : memref<!tpu.dma_semaphore, #tpu.memory_space<semaphore_mem>>) src(%dma_wait3A_429 : memref<640x64xf32, #tpu.memory_space<vmem_shared>>) dst(%dma_wait3A_427 : memref<640x64xf32, #tpu.memory_space<hbm>>)
      tpu.yield
    }) : () -> ()
    %eq3A_415 = arith.constant 0 : i32
    %eq3A_416 = arith.cmpi eq, %arg0, %eq3A_415 : i32
    %convert_element_type3A_417 = arith.extui %eq3A_416 : i1 to i32
    %cond3A_418 = arith.constant 0 : i32
    %cond3A_419 = arith.cmpi ne, %convert_element_type3A_417, %cond3A_418 : i32
    scf.if %cond3A_419 {
      "tpu.region"() ({
        %run_scoped3A = tpu.sem_alloc : memref<!tpu.dma_semaphore, #tpu.memory_space<semaphore_mem>>
        %dma_start3A_420 = arith.constant 0 : i32
        %dma_start3A_421 = tpu.memref_slice %arg7[%mul3A_414, %dma_start3A_420] : memref<10240x16xf32, #tpu.memory_space<hbm>> -> memref<640x16xf32, #tpu.memory_space<hbm>>
        %dma_start3A_422 = arith.constant 0 : i32
        %dma_start3A_423 = tpu.memref_slice %arg20[%mul3A_414, %dma_start3A_422] : memref<10240x16xf32, #tpu.memory_space<vmem_shared>> -> memref<640x16xf32, #tpu.memory_space<vmem_shared>>
        tpu.enqueue_dma source(%dma_start3A_423 : memref<640x16xf32, #tpu.memory_space<vmem_shared>>) target(%dma_start3A_421 : memref<640x16xf32, #tpu.memory_space<hbm>>) target_semaphore(%run_scoped3A : memref<!tpu.dma_semaphore, #tpu.memory_space<semaphore_mem>>)
        %dma_wait3A_424 = arith.constant 0 : i32
        %dma_wait3A_425 = tpu.memref_slice %arg7[%mul3A_414, %dma_wait3A_424] : memref<10240x16xf32, #tpu.memory_space<hbm>> -> memref<640x16xf32, #tpu.memory_space<hbm>>
        %dma_wait3A_426 = arith.constant 0 : i32
        %dma_wait3A_427 = tpu.memref_slice %arg20[%mul3A_414, %dma_wait3A_426] : memref<10240x16xf32, #tpu.memory_space<vmem_shared>> -> memref<640x16xf32, #tpu.memory_space<vmem_shared>>
        tpu.wait_dma2 semaphore(%run_scoped3A : memref<!tpu.dma_semaphore, #tpu.memory_space<semaphore_mem>>) src(%dma_wait3A_427 : memref<640x16xf32, #tpu.memory_space<vmem_shared>>) dst(%dma_wait3A_425 : memref<640x16xf32, #tpu.memory_space<hbm>>)
        tpu.yield
      }) : () -> ()
    } else {
    }
    return
  }
}

</mosaic_0001>

<sc_bundles>
// kernel: _edge_accumulate.3.cloned.1.call-start
scs
__scs_entry_jumppad:
0x0: {  	(pc) =	sbr.rel $0x88, $3  }
0x1: {  	(tag) =	ssettag $0x0;
	lr =	simm.s32 $0x1  }
0x2: {  	[smem:$0x3F9D] =	sst lr;
	_ =	strace $0xD0000000  }
0x3: {  	_ = 	snop  }
0x4: {  	_ = 	snop  }
0x5: {  	_ = 	snop  }
0x6: {  	_ = 	snop  }
0x7: {  	_ = 	snop  }
__scs_overlays_trampoline_lowered:
0x8: {  	[smem:$0x3FAC] =	sst s0  }
0x9: {  	[smem:$0x3FAD] =	sst s1  }
0xa: {  	[smem:$0x3FAE] =	sst s2  }
0xb: {  	[smem:$0x3FAF] =	sst s3  }
0xc: {  	[smem:$0x3FB0] =	sst s4  }
0xd: {  	[smem:$0x3FB1] =	sst s5  }
0xe: {  	[smem:$0x3FB2] =	sst s6  }
0xf: {  	[smem:$0x3FB3] =	sst s7  }
0x10: {  	[smem:$0x3FB4] =	sst s8  }
0x11: {  	[smem:$0x3FB5] =	sst s9;
	s0 =	simm.s32 @!p0 $0x0  }
0x12: {  	s1 =	sld [smem:$0x3F9B];
	s0 =	simm.s32 @p0 $0x1  }
0x13: {  	[smem:$0x3FB6] =	sst s0;
	s0 =	simm.s32 @!p1 $0x0  }
0x14: {  	s2 =	sld [smem:$0x3F9A];
	s0 =	simm.s32 @p1 $0x1  }
0x15: {  	[smem:$0x3FB7] =	sst s0;
	s0 =	simm.s32 @!p2 $0x0  }
0x16: {  	s3 =	sld [smem:$0x3FDB];
	s0 =	simm.s32 @p2 $0x1  }
0x17: {  	s4 =	simm.s32 $0x1BF5;
	[smem:$0x3FB9] =	sst s0  }
0x18: {  	s0 =	sld [smem:$0x3F9C];
	_ =	swait.ge [sflag:s4], $0x0  }
0x19: {  	s7 =	sld [smem:$0x3F9D]  }
0x1a: {  	s8 =	sadd.s32 $0xFFFFE003, lr  }
0x1b: {  	s9 =	sadd.s32 $0xFFFFFEF7, lr;
	s5 =	simm.s32 $0xFFFFFFFF;
	p2 =	slt.u32 s8, $0xFFFFF086  }
0x1c: {  	p1 =	slt.u32 s9, $0xF7A;
	s5 =	simm.s32 @!p2 $0x0  }
0x1d: {  	s5 =	simm.s32 @p1 $0x1;
	p0 =	seq.s32 s7, s2  }
0x1e: {  	s7 =	smul.u32 @!p0 $0xF7A, s2;
	p2 =	seq.s32 @!p0 s5, $0x0  }
0x1f: {  	s9 =	smul.u32 $0xF7A, s1;
	s8 =	simm.s32 @!p0 $0x1BF5;
	p2 =	por !p2, p0  }
0x20: {  	[sflag:s8] =	ssyncset.s32 @!p0 $0xFFFFF086;
	s6 =	sadd.s32 @!p0 s3, s7;
	s7 =	simm.s32 @!p0 $0x108  }
0x21: {  	s3 =	sadd.s32 s3, s9;
	s6 =	sadd.s32 @!p0 $0x88, s6;
	s7 =	simm.s32 @p2 $0x1082  }
0x22: {  	[simem:s7], [sflag:s8] =	dma.local @!p0 [hbm:s6], $0xF7A  }
0x23: {  	s9 =	sor.u32 $0xD0000000, s2;
	s6 =	simm.s32 $0x108;
	_ =	swait.ge @!p0 [sflag:s8], $0x0  }
0x24: {  	s3 =	sadd.s32 $0x88, s3;
	s6 =	simm.s32 @!p1 $0x1082;
	[sflag:s4] =	ssyncset.s32 $0xFFFFF086  }
0x25: {  	[simem:s6], [sflag:s4] =	dma.local [hbm:s3], $0xF7A  }
0x26: {  	[smem:$0x3F9D] =	sst s1;
	(tag) =	ssettag s2;
	_ =	strace s9  }
0x27: {  	s1 =	sld [smem:$0x3FAD]  }
0x28: {  	s2 =	sld [smem:$0x3FAE]  }
0x29: {  	s4 =	sld [smem:$0x3FB0]  }
0x2a: {  	p0 =	seq.s32 s5, $0x0;
	s5 =	sld [smem:$0x3FB1]  }
0x2b: {  	s6 =	sld [smem:$0x3FB2]  }
0x2c: {  	s7 =	sld [smem:$0x3FB3]  }
0x2d: {  	s3 =	simm.s32 $0x108;
	s8 =	sld [smem:$0x3FB4]  }
0x2e: {  	s3 =	simm.s32 @!p0 $0x1082;
	s9 =	sld [smem:$0x3FB5]  }
0x2f: {  	lr =	sadd.s32 s0, s3;
	s0 =	sld [smem:$0x3FAC]  }
0x30: {  	s3 =	sld [smem:$0x3FAF]  }
0x31: {  	[smem:$0x3FB8] =	sst s10  }
0x32: {  	s10 =	sld [smem:$0x3FB6];
	_ =	sdelay $0x3  }
0x33: {  	p0 =	seq.s32 s10, $0x1;
	s10 =	sld [smem:$0x3FB8];
	_ =	sdelay $0x3  }
0x34: {  	[smem:$0x3FB8] =	sst s10  }
0x35: {  	s10 =	sld [smem:$0x3FB7];
	_ =	sdelay $0x3  }
0x36: {  	p1 =	seq.s32 s10, $0x1;
	s10 =	sld [smem:$0x3FB8];
	_ =	sdelay $0x3  }
0x37: {  	[smem:$0x3FB8] =	sst s10  }
0x38: {  	s10 =	sld [smem:$0x3FB9]  }
0x39: {  	_ = 	snop;
	(pc) =	sbr.ind lr, $3  }
0x3a: {  	_ = 	snop  }
0x3b: {  	_ = 	snop  }
0x3c: {  	p2 =	seq.s32 s10, $0x1;
	s10 =	sld [smem:$0x3FB8]  }
0x3d: {  	_ =	shalt  }
0x3e: {  	_ =	shalt  }
0x3f: {  	_ =	shalt  }
0x40: {  	_ =	shalt  }
0x41: {  	_ =	shalt  }
0x42: {  	_ =	shalt  }
0x43: {  	_ =	shalt  }
0x44: {  	_ =	shalt  }
0x45: {  	_ =	shalt  }
0x46: {  	_ =	shalt  }
0x47: {  	_ =	shalt  }
0x48: {  	_ =	shalt  }
0x49: {  	_ =	shalt  }
0x4a: {  	_ =	shalt  }
0x4b: {  	_ =	shalt  }
0x4c: {  	_ =	shalt  }
0x4d: {  	_ =	shalt  }
0x4e: {  	_ =	shalt  }
0x4f: {  	_ =	shalt  }
0x50: {  	_ =	shalt  }
0x51: {  	_ =	shalt  }
0x52: {  	_ =	shalt  }
0x53: {  	_ =	shalt  }
0x54: {  	_ =	shalt  }
0x55: {  	_ =	shalt  }
0x56: {  	_ =	shalt  }
0x57: {  	_ =	shalt  }
0x58: {  	_ =	shalt  }
0x59: {  	_ =	shalt  }
0x5a: {  	_ =	shalt  }
0x5b: {  	_ =	shalt  }
0x5c: {  	_ =	shalt  }
0x5d: {  	_ =	shalt  }
0x5e: {  	_ =	shalt  }
0x5f: {  	_ =	shalt  }
0x60: {  	_ =	shalt  }
0x61: {  	_ =	shalt  }
0x62: {  	_ =	shalt  }
0x63: {  	_ =	shalt  }
0x64: {  	_ =	shalt  }
0x65: {  	_ =	shalt  }
0x66: {  	_ =	shalt  }
0x67: {  	_ =	shalt  }
0x68: {  	_ =	shalt  }
0x69: {  	_ =	shalt  }
0x6a: {  	_ =	shalt  }
0x6b: {  	_ =	shalt  }
0x6c: {  	_ =	shalt  }
0x6d: {  	_ =	shalt  }
0x6e: {  	_ =	shalt  }
0x6f: {  	_ =	shalt  }
0x70: {  	_ =	shalt  }
0x71: {  	_ =	shalt  }
0x72: {  	_ =	shalt  }
0x73: {  	_ =	shalt  }
0x74: {  	_ =	shalt  }
0x75: {  	_ =	shalt  }
0x76: {  	_ =	shalt  }
0x77: {  	_ =	shalt  }
0x78: {  	_ =	shalt  }
0x79: {  	_ =	shalt  }
0x7a: {  	_ =	shalt  }
0x7b: {  	_ =	shalt  }
0x7c: {  	_ =	shalt  }
0x7d: {  	_ =	shalt  }
0x7e: {  	_ =	shalt  }
0x7f: {  	_ =	shalt  }
0x80: {  	_ =	shalt  }
0x81: {  	_ =	shalt  }
0x82: {  	_ =	shalt  }
0x83: {  	_ =	shalt  }
0x84: {  	_ =	shalt  }
0x85: {  	_ =	shalt  }
0x86: {  	_ =	shalt  }
0x87: {  	_ =	shalt  }
.Lfunc_end0:
.L_simem_size_0:
called_computation_lowered:
.L_overlay_start_0:
0x88: {  	s2 =	sld [smem:$0x3FD9]  }
0x89: {  	s3 =	sld [smem:$0x3FFE];
	_ =	sdelay $0x1  }
0x8a: {  	s1 =	srdreg.scid  }
0x8b: {  	s0 =	sand.u32 $0x1, s1  }
0x8c: {  	s14 =	sshll.u32 s0, $0xA;
	s2 =	sadd.s32 s3, s2  }
0x8d: {  	s2 =	sadd.s32 s2, s14  }
0x8e: {  	[smem:$0x3FC4] =	sst s2  }
0x8f: {  	_ = 	snop  }
0x90: {  	s2 =	sld [smem:$0x3FD0];
	_ =	sdelay $0x1  }
0x91: {  	s15 =	sld [smem:$0x3FC7]  }
0x92: {  	s5 =	simm.s32 $0xA;
	s6 =	simm.s32 $0x10;
	s4 =	sld [smem:$0x3FC6]  }
0x93: {  	[smem:s6], [sflag:s5] =	dma.local [hbm:s2], $0x1  }
0x94: {  	_ =	swait.eq [sflag:s5], $0x1  }
0x95: {  	[sflag:s5] =	ssyncset.done $0x0  }
0x96: {  	s16 =	sld [smem:$0x10];
	[sflag:s5] =	ssyncadd.s32 $0xFFFFFFFF  }
0x97: {  	s17 =	sld [smem:$0x11];
	(tm) =	ssettm $0x1  }
0x98: {  	s18 =	sld [smem:$0x3FFB];
	_ =	sdelay $0x3  }
0x99: {  	_ =	strace s18  }
0x9a: {  	s6 =	sld [smem:$0x3FFC];
	_ =	sdelay $0x3  }
0x9b: {  	_ =	strace s6  }
0x9c: {  	s6 =	sld [smem:$0x3FFD];
	_ =	sdelay $0x3  }
0x9d: {  	_ =	strace s6  }
0x9e: {  	_ =	strace $0x8FFFFFFF  }
0x9f: {  	s19 =	sld [smem:$0x3FDB];
	_ =	sdelay $0x1  }
0xa0: {  	s7 =	simm.s32 $_scs_section_size  }
0xa1: {  	s8 =	simm.s32 $_size__tile_overlayer_lowered;
	s9 =	simm.s32 $_tile_overlayer_lowered  }
0xa2: {  	s22 =	simm.s32 $0x1BFF;
	s21 =	sshll.u32 s9, $0x1;
	s6 =	sadd.s32 s7, s19  }
0xa3: {  	s10 =	simm.s32 $0x0;
	s20 =	sshll.u32 s8, $0x1;
	s8 =	sadd.s32 s21, s6  }
0xa4: {  	[timem:s10], [sflag:s22] =	dma.local [hbm:s8], s20  }
0xa5: {  	_ =	swait.ge [sflag:s22], s20  }
0xa6: {  	s7 =	ssub.s32 $0x0, s20;
	[sflag:s22] =	ssyncset.done $0x0  }
0xa7: {  	[sflag:s22] =	ssyncadd.s32 s7;
	_ =	sdelay $0x1  }
0xa8: {  	s23 =	simm.s32 $0x1B8B  }
0xa9: {  	_ =	swait.ge [sflag:s23], $0x1  }
0xaa: {  	[sflag:s23] =	ssyncset.done $0x0  }
0xab: {  	s25 =	simm.s32 $0x1B8E;
	s24 =	sld [smem:$0x3FFE];
	[sflag:s23] =	ssyncadd.s32 $0xFFFFFFFF  }
0xac: {  	s26 =	simm.s32 $execute0_lowered;
	[smem:$0x3FD2] =	sst s25  }
0xad: {  	s8 =	sshll.u32 s26, $0x1;
	_ =	strace $0x80000046;
	[dreg:$0x1] =	wrdreg $0xFFFFFFFF  }
0xae: {  	s28 =	simm.s32 $_size_execute0_lowered;
	s6 =	sadd.s32 s6, s8;
	[dreg:$0x0] =	wrdreg $0x0  }
0xaf: {  	s8 =	sshll.u32 s28, $0x1;
	[dreg:$0x2] =	wrdreg s6  }
0xb0: {  	[dreg:$0x3] =	wrdreg s8  }
0xb1: {  	[dreg:$0x4] =	wrdreg $0xC0  }
0xb2: {  	_ =	task [dreg:s10], $0x5FFFF  }
0xb3: {  	[dreg:$0x1] =	wrdreg $0xFFFFFFFF  }
0xb4: {  	[dreg:$0x0] =	wrdreg $0x60  }
0xb5: {  	[dreg:$0x2] =	wrdreg s16  }
0xb6: {  	[dreg:$0x3] =	wrdreg s24  }
0xb7: {  	[dreg:$0x4] =	wrdreg s15  }
0xb8: {  	[dreg:$0x5] =	wrdreg s4  }
0xb9: {  	[dreg:$0x6] =	wrdreg s17  }
0xba: {  	[dreg:$0x7] =	wrdreg $0xF5000  }
0xbb: {  	[dreg:$0x8] =	wrdreg $0x195000  }
0xbc: {  	[dreg:$0x9] =	wrdreg $0x9  }
0xbd: {  	_ =	task.clear_ibuf [dreg:s10], $0xAFFFF;
	_ =	strace $0x90000046  }
0xbe: {  	s29 =	simm.s32 $0x9;
	_ =	strace $0x80000048  }
0xbf: {  	_ =	swait.ge [sflag:s29], $0x1  }
0xc0: {  	[sflag:s29] =	ssyncadd.s32 $0xFFFFFFFF  }
0xc1: {  	_ =	strace $0x90000048  }
0xc2: {  	_ =	sfence  }
0xc3: {  	s30 =	sld [smem:$0x0];
	_ =	sdelay $0x2  }
0xc4: {  	s31 =	sshll.u32 s1, $0xD;
	s1 =	sshrl.u32 s1, $0x2  }
0xc5: {  	s3 =	sand.u32 $0x4000, s31;
	s1 =	sadd.s32 s1, s30  }
0xc6: {  	s0 =	sor.u32 s3, s0;
	s1 =	sshll.u32 s1, $0x11  }
0xc7: {  	s0 =	sor.u32 s1, s0  }
0xc8: {  	s0 =	sadd.s32 $0x8F2B, s0  }
0xc9: {  	[sflag:s0] =	ssyncadd.remote.s32 $0x1  }
0xca: {  	_ =	sfence.sel $0xFFFF  }
0xcb: {  	[dreg:$0x0] =	wrdreg $0xFFFFFFFF;
	(pc) =	sbr.abs _section_cstart, $3  }
0xcc: {  	[dreg:$0x1] =	wrdreg $0xFFFFFFFF  }
0xcd: {  	_ =	task.clear_ibuf [dreg:s10], $0x2FFFF;
	_ =	strace $0x9FFFFFFF  }
0xce: {  	(tm) =	ssettm $0x7FFFFFFF  }
0xcf: {  	_ =	shalt  }
tec
execute0_lowered:
.L_overlay_start_1:
0x0: {  	(tag) =	ssettag $0x1  }
0x1: {  	s0 =	rddreg [dreg:$0x0]  }
0x2: {  	s1 =	rddreg [dreg:$0x1]  }
0x3: {  	s2 =	rddreg [dreg:$0x2]  }
0x4: {  	s3 =	rddreg [dreg:$0x3]  }
0x5: {  	s4 =	rddreg [dreg:$0x4]  }
0x6: {  	s5 =	rddreg [dreg:$0x5]  }
0x7: {  	s6 =	rddreg [dreg:$0x6]  }
0x8: {  	s7 =	srdreg.scid;
	s16 =	stileid.u32;
	s8 =	simm.s32 $0x0  }
0x9: {  	s30 =	simm.s32 $0xB;
	s28 =	simm.s32 $0x6500;
	s10 =	smul.u32 $0xA000, s16  }
0xa: {  	s29 =	simm.s32 $0x2C0;
	s31 =	simm.s32 $0x7500;
	s12 =	smul.u32 $0x280, s16  }
0xb: {  	s9 =	sand.u32 $0x1, s7;
	[smem:$0x7FF] =	sst s8;
	s14 =	smul.u32 $0x2800, s16  }
0xc: {  	s8 =	sadd.s32 $0x1200, s1;
	s17 =	smul.u32 $0x4F00, s16;
	s16 =	simm.s32 $0x4  }
0xd: {  	s7 =	smul.u32 $0xA0000, s9;
	_ =	strace $0x80000047;
	s11 =	ssub.s32 $0x2, s9  }
0xe: {  	p0 =	sne.s32 s9, $0x0;
	s13 =	sshrl.u32 s11, $0x1;
	s26 =	sadd.s32 s10, s5  }
0xf: {  	s19 =	sadd.s32 s14, s6;
	s20 =	sadd.s32 $0x80, s12;
	s15 =	sadd.s32 $0x100, s12  }
0x10: {  	s24 =	sadd.s32 $0x180, s12;
	s18 =	sshrl.u32 s14, $0x3;
	s14 =	simm.s32 $0x300  }
0x11: {  	s7 =	sadd.s32 s10, s7;
	s11 =	ssub.s32 s11, s13;
	[dreg:$0x9] =	wrdreg s19  }
0x12: {  	s21 =	sshll.u32 s20, $0x6;
	s10 =	sshll.u32 s20, $0x4;
	s22 =	sshll.u32 s15, $0x6  }
0x13: {  	s23 =	sshll.u32 s15, $0x4;
	s25 =	sshll.u32 s24, $0x6;
	s15 =	sadd.s32 $0x200, s12  }
0x14: {  	s4 =	sadd.s32 s4, s18;
	s19 =	sshrl.u32 s17, $0x3;
	s18 =	simm.s32 $0x380  }
0x15: {  	[dreg:$0x8] =	wrdreg s26;
	s7 =	sshrl.u32 s7, $0x3;
	s13 =	sadd.s32 s21, s5  }
0x16: {  	s10 =	sadd.s32 s10, s6;
	s12 =	sshll.u32 s15, $0x6;
	[dreg:$0x12] =	wrdreg s4  }
0x17: {  	s20 =	sadd.s32 s2, s19;
	s21 =	sadd.s32 s3, s19;
	[dreg:$0xa] =	wrdreg s13  }
0x18: {  	s4 =	sor.u32 $0x10, s19;
	s19 =	simm.s32 $0xA500;
	[dreg:$0xb] =	wrdreg s10  }
0x19: {  	s1 =	sadd.s32 s7, s1;
	s7 =	smul.u32 $0x2800, s9;
	[dreg:$0x13] =	wrdreg s20  }
0x1a: {  	s10 =	sadd.s32 s22, s5;
	s13 =	sshll.u32 s24, $0x4;
	[dreg:$0x14] =	wrdreg s21  }
0x1b: {  	s12 =	sadd.s32 s12, s5;
	s22 =	sadd.s32 s2, s4;
	[dreg:$0xc] =	wrdreg s10  }
0x1c: {  	s4 =	sadd.s32 s3, s4;
	s24 =	sadd.s32 $0x100, s17;
	[dreg:$0x10] =	wrdreg s12  }
0x1d: {  	s21 =	simm.s32 $0x2;
	s9 =	simm.s32 $0x4C0;
	[dreg:$0x15] =	wrdreg s22  }
0x1e: {  	s20 =	simm.s32 $0x7;
	s10 =	sadd.s32 s23, s6;
	[dreg:$0x16] =	wrdreg s4  }
0x1f: {  	s13 =	sadd.s32 s13, s6;
	s23 =	sadd.s32 $0x180, s17;
	[dreg:$0xd] =	wrdreg s10  }
0x20: {  	s1 =	sadd.s32 $0x29200, s1;
	s12 =	simm.s32 $0x40;
	[dreg:$0xf] =	wrdreg s13  }
0x21: {  	s4 =	simm.s32 $0x3;
	s17 =	simm.s32 $0x6;
	[dreg:$0x17] =	wrdreg s23  }
0x22: {  	s10 =	sadd.s32 s25, s5;
	[dreg:$0x18] =	wrdreg s1;
	s25 =	smax.u32 s11, $0x1  }
0x23: {  	s1 =	simm.s32 $0x80;
	s11 =	simm.s32 $0x1;
	s13 =	simm.s32 $0x5  }
0x24: {  	v0 =	vmov s7;
	s7 =	simm.s32 $0x8;
	[dreg:$0xe] =	wrdreg s10;
	s10 =	sshll.u32 s15, $0x4  }
0x25: {  	[dreg:$0x19] =	wrdreg s25;
	s15 =	simm.s32 $0x8500;
	s10 =	sadd.s32 s10, s6  }
0x26: {  	v1 =	vimm.f32 $1.000000000e+00;
	v2 =	vimm.f32 $0.0e+00;
	s25 =	simm.s32 $0x0;
	[dreg:$0x11] =	wrdreg s10;
	s10 =	simm.s32 $0x3500  }
.LBB2_1:
0x27: {  	s23 =	simm.s32 $0x0  }
0x28: {  	[tilespmem:s23+$0xC500] =	vst v1  }
0x29: {  	s22 =	simm.s32 $0xD520;
	[tilespmem:s23+$0xCD00] =	vst v2  }
0x2a: {  	[tilespmem:s22+$0xFFFFFFF0] =	vst v2  }
0x2b: {  	[tilespmem:s22+$0xFFFFFFE0] =	vst v2  }
0x2c: {  	[dreg:$0x1a] =	wrdreg s25;
	s23 =	simm.s32 $0x40;
	[tilespmem:s22+$0x0] =	vst v2  }
.LBB2_2:
0x2d: {  	s25 =	sshra.s32 s23, $0x2;
	[tilespmem:s22+$0x10] =	vst v2;
	p1 =	sne.s32 s23, $0x1FC0  }
.Ltmp0:
0x2e: {  	[tilespmem:s25+$0xC500] =	vst v1;
	(pc) =	sbr.rel @p1 .LBB2_2-.Ltmp0, $4  }
0x2f: {  	s23 =	sadd.s32 $0x40, s23;
	s22 =	sadd.s32 $0x40, s22;
	[tilespmem:s25+$0xCD00] =	vst v2  }
0x30: {  	[tilespmem:s22+$0xFFFFFFF0] =	vst v2  }
0x31: {  	[tilespmem:s22+$0xFFFFFFE0] =	vst v2  }
0x32: {  	[tilespmem:s22+$0x0] =	vst v2  }
0x33: {  	[tilespmem:s22+$0x10] =	vst v2;
	s23 =	simm.s32 $0xD500  }
0x34: {  	[spmem:s26] =	stream.linear.scatter [tilespmem:s23], [sflag:$0xB], $0x2000, $0x38;
	[tilespmem:$0x1BD00] =	vst v63  }
0x35: {  	_ =	swait.ge [sflag:s30], $0x2000  }
0x36: {  	[sflag:s30] =	ssyncset.done $0x0  }
0x37: {  	s25 =	simm.s32 $0xCD00;
	s26 =	rddreg [dreg:$0x9];
	[sflag:s30] =	ssyncadd.s32 $0xFFFFE000  }
0x38: {  	[spmem:s26] =	stream.linear.scatter [tilespmem:s25], [sflag:$0xB], $0x800, $0x38;
	[tilespmem:$0x1BD00] =	vst v63  }
0x39: {  	_ =	swait.ge [sflag:s30], $0x800  }
0x3a: {  	[sflag:s30] =	ssyncset.done $0x0  }
0x3b: {  	s26 =	rddreg [dreg:$0xa];
	[sflag:s30] =	ssyncadd.s32 $0xFFFFF800  }
0x3c: {  	[spmem:s26] =	stream.linear.scatter [tilespmem:s23], [sflag:$0xB], $0x2000, $0x38;
	[tilespmem:$0x1BD00] =	vst v63  }
0x3d: {  	_ =	swait.ge [sflag:s30], $0x2000  }
0x3e: {  	[sflag:s30] =	ssyncset.done $0x0  }
0x3f: {  	s26 =	rddreg [dreg:$0xb];
	[sflag:s30] =	ssyncadd.s32 $0xFFFFE000  }
0x40: {  	[spmem:s26] =	stream.linear.scatter [tilespmem:s25], [sflag:$0xB], $0x800, $0x38;
	[tilespmem:$0x1BD00] =	vst v63  }
0x41: {  	_ =	swait.ge [sflag:s30], $0x800  }
0x42: {  	[sflag:s30] =	ssyncset.done $0x0  }
0x43: {  	s26 =	rddreg [dreg:$0xc];
	[sflag:s30] =	ssyncadd.s32 $0xFFFFF800  }
0x44: {  	[spmem:s26] =	stream.linear.scatter [tilespmem:s23], [sflag:$0xB], $0x2000, $0x38;
	[tilespmem:$0x1BD00] =	vst v63  }
0x45: {  	_ =	swait.ge [sflag:s30], $0x2000  }
0x46: {  	[sflag:s30] =	ssyncset.done $0x0  }
0x47: {  	s26 =	rddreg [dreg:$0xd];
	[sflag:s30] =	ssyncadd.s32 $0xFFFFE000  }
0x48: {  	[spmem:s26] =	stream.linear.scatter [tilespmem:s25], [sflag:$0xB], $0x800, $0x38;
	[tilespmem:$0x1BD00] =	vst v63  }
0x49: {  	_ =	swait.ge [sflag:s30], $0x800  }
0x4a: {  	[sflag:s30] =	ssyncset.done $0x0  }
0x4b: {  	s26 =	rddreg [dreg:$0xe];
	[sflag:s30] =	ssyncadd.s32 $0xFFFFF800  }
0x4c: {  	[spmem:s26] =	stream.linear.scatter [tilespmem:s23], [sflag:$0xB], $0x2000, $0x38;
	[tilespmem:$0x1BD00] =	vst v63  }
0x4d: {  	_ =	swait.ge [sflag:s30], $0x2000  }
0x4e: {  	[sflag:s30] =	ssyncset.done $0x0  }
0x4f: {  	s26 =	rddreg [dreg:$0xf];
	[sflag:s30] =	ssyncadd.s32 $0xFFFFE000  }
0x50: {  	[spmem:s26] =	stream.linear.scatter [tilespmem:s25], [sflag:$0xB], $0x800, $0x38;
	[tilespmem:$0x1BD00] =	vst v63  }
0x51: {  	_ =	swait.ge [sflag:s30], $0x800  }
0x52: {  	[sflag:s30] =	ssyncset.done $0x0  }
0x53: {  	s26 =	rddreg [dreg:$0x10];
	[sflag:s30] =	ssyncadd.s32 $0xFFFFF800  }
0x54: {  	[spmem:s26] =	stream.linear.scatter [tilespmem:s23], [sflag:$0xB], $0x2000, $0x38;
	[tilespmem:$0x1BD00] =	vst v63  }
0x55: {  	_ =	swait.ge [sflag:s30], $0x2000  }
0x56: {  	[sflag:s30] =	ssyncset.done $0x0  }
0x57: {  	s23 =	rddreg [dreg:$0x11];
	[sflag:s30] =	ssyncadd.s32 $0xFFFFE000  }
0x58: {  	[spmem:s23] =	stream.linear.scatter [tilespmem:s25], [sflag:$0xB], $0x800, $0x38;
	[tilespmem:$0x1BD00] =	vst v63  }
0x59: {  	_ =	swait.ge [sflag:s30], $0x800  }
0x5a: {  	[sflag:s30] =	ssyncset.done $0x0  }
0x5b: {  	[sflag:s30] =	ssyncadd.s32 $0xFFFFF800  }
0x5c: {  	[bflag:$0x0] =	sbarrier.arrive $0xFFFF  }
0x5d: {  	s25 =	simm.s32 $0x0;
	s26 =	rddreg [dreg:$0x13]  }
0x5e: {  	[tilespmem:s25], [sflag:$0x1] =	stream.linear.gather [hbm4b:s26+s25], $0x80, $0x38;
	[tilespmem:$0x1BD00] =	vst v63  }
0x5f: {  	s23 =	rddreg [dreg:$0x14];
	s26 =	simm.s32 $0x100  }
0x60: {  	[tilespmem:s26], [sflag:$0x1] =	stream.linear.gather [hbm4b:s23+s25], $0x80, $0x38;
	[tilespmem:$0x1BD00] =	vst v63  }
0x61: {  	s26 =	rddreg [dreg:$0x15]  }
0x62: {  	[tilespmem:s1], [sflag:$0x2] =	stream.linear.gather [hbm4b:s26+s25], $0x80, $0x38;
	[tilespmem:$0x1BD00] =	vst v63  }
0x63: {  	s23 =	rddreg [dreg:$0x16];
	s26 =	simm.s32 $0x180  }
0x64: {  	[tilespmem:s26], [sflag:$0x2] =	stream.linear.gather [hbm4b:s23+s25], $0x80, $0x38;
	[tilespmem:$0x1BD00] =	vst v63  }
0x65: {  	_ =	swait.ge [sflag:s11], $0x80  }
0x66: {  	[sflag:s11] =	ssyncset.done $0x0  }
0x67: {  	[sflag:s11] =	ssyncadd.s32 $0xFFFFFF80  }
0x68: {  	_ =	swait.ge [sflag:s11], $0x80  }
0x69: {  	[sflag:s11] =	ssyncset.done $0x0  }
0x6a: {  	[sflag:s11] =	ssyncadd.s32 $0xFFFFFF80  }
0x6b: {  	v3 =	vld [tilespmem:$0x0]  }
0x6c: {  	v4 =	vld [tilespmem:$0x100]  }
0x6d: {  	v6 =	vld [tilespmem:$0x110]  }
0x6e: {  	v55 =	vld [tilespmem:$0x120]  }
0x6f: {  	v57 =	vld [tilespmem:$0x130]  }
0x70: {  	v58 =	vld [tilespmem:$0x140]  }
0x71: {  	v60 =	vld [tilespmem:$0x150];
	[tilespmem:$0x300] =	vst v4  }
0x72: {  	v61 =	vld [tilespmem:$0x160];
	v3 =	vadd.s32 v0, v3;
	[tilespmem:$0x310] =	vst v6  }
0x73: {  	[tilespmem:$0x200] =	vst v3;
	v3 =	vld [tilespmem:$0x20]  }
0x74: {  	[tilespmem:$0x320] =	vst v55  }
0x75: {  	v63 =	vld [tilespmem:$0x170];
	[tilespmem:$0x330] =	vst v57  }
0x76: {  	v5 =	vld [tilespmem:$0x10];
	[tilespmem:$0x340] =	vst v58  }
0x77: {  	[tilespmem:$0x350] =	vst v60  }
0x78: {  	[tilespmem:$0x360] =	vst v61;
	v3 =	vadd.s32 v0, v3  }
0x79: {  	[tilespmem:$0x220] =	vst v3;
	v3 =	vld [tilespmem:$0x40]  }
0x7a: {  	v56 =	vld [tilespmem:$0x30];
	v4 =	vadd.s32 v0, v4;
	[tilespmem:$0x370] =	vst v63  }
0x7b: {  	v54 =	vadd.s32 v0, v5;
	[tilespmem:$0x400] =	vst v4  }
0x7c: {  	v6 =	vadd.s32 v0, v6;
	[tilespmem:$0x210] =	vst v54  }
0x7d: {  	v59 =	vld [tilespmem:$0x50];
	v5 =	vadd.s32 v0, v55;
	[tilespmem:$0x410] =	vst v6  }
0x7e: {  	[tilespmem:$0x420] =	vst v5;
	v3 =	vadd.s32 v0, v3  }
0x7f: {  	v4 =	vadd.s32 v0, v56;
	[tilespmem:$0x240] =	vst v3;
	v3 =	vld [tilespmem:$0x60]  }
0x80: {  	v6 =	vadd.s32 v0, v57;
	[tilespmem:$0x230] =	vst v4  }
0x81: {  	v62 =	vld [tilespmem:$0x70];
	v5 =	vadd.s32 v0, v58;
	[tilespmem:$0x430] =	vst v6  }
0x82: {  	[tilespmem:$0x440] =	vst v5;
	v4 =	vadd.s32 v0, v59  }
0x83: {  	v6 =	vadd.s32 v0, v60;
	[tilespmem:$0x250] =	vst v4  }
0x84: {  	[tilespmem:$0x450] =	vst v6;
	v3 =	vadd.s32 v0, v3  }
0x85: {  	[tilespmem:$0x260] =	vst v3;
	v3 =	vadd.s32 v0, v61  }
0x86: {  	[tilespmem:$0x460] =	vst v3;
	v3 =	vadd.s32 v0, v62  }
0x87: {  	[tilespmem:$0x270] =	vst v3;
	v3 =	vadd.s32 v0, v63  }
0x88: {  	s23 =	simm.s32 $0x400;
	s26 =	simm.s32 $0x500;
	[tilespmem:$0x470] =	vst v3  }
0x89: {  	[tilespmem:s26], [sflag:$0x3] =	stream.indirect.gather [hbm4b:s0+s12], $0x40, s23, s12, $0xb8;
	[tilespmem:$0x1BD00] =	vst v63  }
0x8a: {  	s23 =	simm.s32 $0x200;
	s26 =	simm.s32 $0x4500  }
0x8b: {  	[tilespmem:s26], [sflag:$0x5] =	stream.indirect.gather [hbm4b:s8+s12], $0x40, s23, s12, $0xb8;
	[tilespmem:$0x1BD00] =	vst v63  }
0x8c: {  	s23 =	simm.s32 $0x440;
	s26 =	simm.s32 $0x1500  }
0x8d: {  	[tilespmem:s26], [sflag:$0x3] =	stream.indirect.gather [hbm4b:s0+s12], $0x40, s23, s12, $0xb8;
	[tilespmem:$0x1BD00] =	vst v63  }
0x8e: {  	s23 =	simm.s32 $0x240;
	s26 =	simm.s32 $0x5500  }
0x8f: {  	[tilespmem:s26], [sflag:$0x5] =	stream.indirect.gather [hbm4b:s8+s12], $0x40, s23, s12, $0xb8;
	[tilespmem:$0x1BD00] =	vst v63  }
.LBB2_4:
0x90: {  	p1 =	seq.s32 s25, $0x4E  }
0x91: {  	s22 =	sshll.u32 @!p1 s25, $0x8;
	p2 =	seq.s32 @!p1 s25, $0x0  }
0x92: {  	s22 =	sadd.s32 @!p1 s22, s24;
	p2 =	por p1, !p2  }
.Ltmp1:
0x93: {  	s22 =	sshrl.u32 @!p1 s22, $0x3;
	(pc) =	sbr.rel @!p2 .LBB2_6-.Ltmp1, $4  }
0x94: {  	s26 =	simm.s32 @!p1 $0x0;
	s23 =	sadd.s32 @!p1 s2, s22  }
0x95: {  	[tilespmem:s26], [sflag:$0x1] =	stream.linear.gather @!p1 [hbm4b:s23+s26], $0x80, $0x38;
	[tilespmem:$0x1BD00] =	vst v63  }
0x96: {  	s22 =	sadd.s32 @!p1 s3, s22;
	s23 =	simm.s32 @!p1 $0x100  }
0x97: {  	[tilespmem:s23], [sflag:$0x1] =	stream.linear.gather @!p1 [hbm4b:s22+s26], $0x80, $0x38;
	[tilespmem:$0x1BD00] =	vst v63  }
0x98: {  	_ =	swait.ge [sflag:s7], $0x2000  }
0x99: {  	[sflag:s7] =	ssyncset.done $0x0  }
0x9a: {  	s22 =	simm.s32 @!p0 $0xA;
	[sflag:s7] =	ssyncadd.s32 $0xFFFFE000  }
0x9b: {  	_ =	swait.ge @!p0 [sflag:s22], $0x800  }
0x9c: {  	[sflag:s22] =	ssyncset.done @!p0 $0x0  }
0x9d: {  	[sflag:s22] =	ssyncadd.s32 @!p0 $0xFFFFF800  }
.LBB2_6:
0x9e: {  	_ =	swait.ge [sflag:s21], $0x80  }
0x9f: {  	[sflag:s21] =	ssyncset.done $0x0  }
0xa0: {  	[sflag:s21] =	ssyncadd.s32 $0xFFFFFF80  }
0xa1: {  	_ =	swait.ge [sflag:s21], $0x80  }
0xa2: {  	[sflag:s21] =	ssyncset.done $0x0  }
0xa3: {  	[sflag:s21] =	ssyncadd.s32 $0xFFFFFF80  }
0xa4: {  	v3 =	vld [tilespmem:$0x80]  }
0xa5: {  	v4 =	vld [tilespmem:$0x180]  }
0xa6: {  	v6 =	vld [tilespmem:$0x190];
	_ =	sdelay $0x1  }
0xa7: {  	v5 =	vld [tilespmem:$0x90];
	_ =	sdelay $0x1  }
0xa8: {  	[tilespmem:$0x380] =	vst v4  }
0xa9: {  	v3 =	vadd.s32 v0, v3;
	[tilespmem:$0x390] =	vst v6  }
0xaa: {  	v4 =	vadd.s32 v0, v4;
	[tilespmem:$0x280] =	vst v3;
	v3 =	vld [tilespmem:$0xA0]  }
0xab: {  	v6 =	vadd.s32 v0, v6;
	[tilespmem:$0x480] =	vst v4;
	v4 =	vadd.s32 v0, v5;
	v5 =	vld [tilespmem:$0x1A0]  }
0xac: {  	[tilespmem:$0x490] =	vst v6;
	v6 =	vld [tilespmem:$0x1B0];
	_ =	sdelay $0x2  }
0xad: {  	[tilespmem:$0x290] =	vst v4  }
0xae: {  	[tilespmem:$0x3A0] =	vst v5  }
0xaf: {  	v4 =	vld [tilespmem:$0xB0];
	v3 =	vadd.s32 v0, v3;
	[tilespmem:$0x3B0] =	vst v6  }
0xb0: {  	v5 =	vadd.s32 v0, v5;
	[tilespmem:$0x2A0] =	vst v3;
	v3 =	vld [tilespmem:$0xC0]  }
0xb1: {  	v6 =	vadd.s32 v0, v6;
	[tilespmem:$0x4A0] =	vst v5;
	v5 =	vld [tilespmem:$0x1C0]  }
0xb2: {  	[tilespmem:$0x4B0] =	vst v6;
	v6 =	vld [tilespmem:$0x1D0];
	_ =	sdelay $0x1  }
0xb3: {  	v4 =	vadd.s32 v0, v4  }
0xb4: {  	[tilespmem:$0x2B0] =	vst v4  }
0xb5: {  	v4 =	vld [tilespmem:$0xD0];
	[tilespmem:$0x3C0] =	vst v5  }
0xb6: {  	v3 =	vadd.s32 v0, v3;
	[tilespmem:$0x3D0] =	vst v6  }
0xb7: {  	v5 =	vadd.s32 v0, v5;
	[tilespmem:$0x2C0] =	vst v3;
	v3 =	vld [tilespmem:$0xE0]  }
0xb8: {  	v6 =	vadd.s32 v0, v6;
	[tilespmem:$0x4C0] =	vst v5;
	v5 =	vld [tilespmem:$0x1E0]  }
0xb9: {  	[tilespmem:$0x4D0] =	vst v6;
	v6 =	vld [tilespmem:$0x1F0]  }
0xba: {  	v4 =	vadd.s32 v0, v4  }
0xbb: {  	[tilespmem:$0x2D0] =	vst v4;
	v4 =	vld [tilespmem:$0xF0];
	_ =	sdelay $0x1  }
0xbc: {  	[tilespmem:$0x3E0] =	vst v5  }
0xbd: {  	v3 =	vadd.s32 v0, v3;
	[tilespmem:$0x3F0] =	vst v6  }
0xbe: {  	[tilespmem:$0x2E0] =	vst v3;
	v3 =	vadd.s32 v0, v5  }
0xbf: {  	[tilespmem:$0x4E0] =	vst v3;
	v3 =	vadd.s32 v0, v4  }
0xc0: {  	[tilespmem:$0x2F0] =	vst v3;
	v3 =	vadd.s32 v0, v6  }
0xc1: {  	s22 =	simm.s32 $0x480;
	s23 =	simm.s32 $0x2500;
	[tilespmem:$0x4F0] =	vst v3  }
0xc2: {  	[tilespmem:s23], [sflag:$0x4] =	stream.indirect.gather [hbm4b:s0+s12], $0x40, s22, s12, $0xb8;
	[tilespmem:$0x1BD00] =	vst v63  }
0xc3: {  	s26 =	simm.s32 $0x280  }
0xc4: {  	[tilespmem:s28], [sflag:$0x6] =	stream.indirect.gather [hbm4b:s8+s12], $0x40, s26, s12, $0xb8;
	[tilespmem:$0x1BD00] =	vst v63  }
0xc5: {  	_ = 	snop  }
0xc6: {  	[tilespmem:s10], [sflag:$0x4] =	stream.indirect.gather [hbm4b:s0+s12], $0x40, s9, s12, $0xb8;
	[tilespmem:$0x1BD00] =	vst v63  }
0xc7: {  	_ = 	snop  }
0xc8: {  	[tilespmem:s31], [sflag:$0x6] =	stream.indirect.gather [hbm4b:s8+s12], $0x40, s29, s12, $0xb8;
	[tilespmem:$0x1BD00] =	vst v63  }
0xc9: {  	_ =	swait.ge [sflag:s4], $0x1000  }
0xca: {  	[sflag:s4] =	ssyncset.done $0x0  }
0xcb: {  	[sflag:s4] =	ssyncadd.s32 $0xFFFFF000  }
0xcc: {  	_ =	swait.ge [sflag:s4], $0x1000  }
0xcd: {  	[sflag:s4] =	ssyncset.done $0x0  }
0xce: {  	[sflag:s4] =	ssyncadd.s32 $0xFFFFF000  }
0xcf: {  	_ =	swait.ge [sflag:s13], $0x1000  }
0xd0: {  	[sflag:s13] =	ssyncset.done $0x0  }
0xd1: {  	[sflag:s13] =	ssyncadd.s32 $0xFFFFF000  }
0xd2: {  	_ =	swait.ge [sflag:s13], $0x1000  }
0xd3: {  	[sflag:s13] =	ssyncset.done $0x0  }
0xd4: {  	s23 =	simm.s32 $0x0;
	[sflag:s13] =	ssyncadd.s32 $0xFFFFF000  }
0xd5: {  	v5 =	vld [tilespmem:s23+$0x530]  }
0xd6: {  	v6 =	vld [tilespmem:s23+$0x4530]  }
0xd7: {  	v8 =	vld [tilespmem:s23+$0x500]  }
0xd8: {  	v9 =	vld [tilespmem:s23+$0x4500]  }
0xd9: {  	v4 =	vld [tilespmem:s23+$0x510]  }
0xda: {  	v7 =	vld [tilespmem:s23+$0x4510]  }
0xdb: {  	v3 =	vld [tilespmem:s23+$0x520];
	v10 =	vadd.f32 v6, v5  }
0xdc: {  	s22 =	simm.s32 $0x40;
	v6 =	vld [tilespmem:s23+$0x4520]  }
0xdd: {  	s26 =	simm.s32 $0x200;
	v5 =	vld [tilespmem:s22+$0x530];
	v8 =	vadd.f32 v9, v8;
	v9 =	vmax.f32 v10, $0.0e+00  }
.LBB2_7:
0xde: {  	p2 =	sne.s32 s26, $0x7F00;
	v10 =	vld [tilespmem:s22+$0x4530];
	[tilespmem:s23+$0x8530] =	vst v9  }
0xdf: {  	v9 =	vld [tilespmem:s22+$0x500];
	v8 =	vmax.f32 v8, $0.0e+00;
	v7 =	vadd.f32 v7, v4  }
0xe0: {  	v11 =	vld [tilespmem:s22+$0x4500];
	[tilespmem:s23+$0x8500] =	vst v8  }
.Ltmp2:
0xe1: {  	v4 =	vld [tilespmem:s22+$0x510];
	v8 =	vmax.f32 v7, $0.0e+00;
	v6 =	vadd.f32 v6, v3;
	(pc) =	sbr.rel @p2 .LBB2_7-.Ltmp2, $4  }
0xe2: {  	v7 =	vld [tilespmem:s22+$0x4510];
	[tilespmem:s23+$0x8510] =	vst v8  }
0xe3: {  	v3 =	vld [tilespmem:s22+$0x520];
	v10 =	vadd.f32 v10, v5;
	v5 =	vmax.f32 v6, $0.0e+00  }
0xe4: {  	v6 =	vld [tilespmem:s22+$0x4520];
	[tilespmem:s23+$0x8520] =	vst v5;
	s23 =	smov.u32 s22;
	s22 =	sshra.s32 s26, $0x2  }
0xe5: {  	s26 =	sadd.s32 $0x100, s26;
	v5 =	vld [tilespmem:s22+$0x530];
	v8 =	vadd.f32 v11, v9;
	v9 =	vmax.f32 v10, $0.0e+00  }
0xe6: {  	v10 =	vld [tilespmem:s22+$0x4530];
	[tilespmem:s23+$0x8530] =	vst v9  }
0xe7: {  	v9 =	vld [tilespmem:s22+$0x500];
	v8 =	vmax.f32 v8, $0.0e+00;
	v4 =	vadd.f32 v7, v4  }
0xe8: {  	v11 =	vld [tilespmem:s22+$0x4500];
	[tilespmem:s23+$0x8500] =	vst v8  }
0xe9: {  	v61 =	vld [tilespmem:s22+$0x510];
	v4 =	vmax.f32 v4, $0.0e+00  }
0xea: {  	v8 =	vld [tilespmem:s22+$0x4510];
	[tilespmem:s23+$0x8510] =	vst v4  }
0xeb: {  	v4 =	vld [tilespmem:s22+$0x520]  }
0xec: {  	v12 =	vld [tilespmem:s22+$0x4520]  }
0xed: {  	v3 =	vadd.f32 v6, v3  }
0xee: {  	v5 =	vadd.f32 v10, v5  }
0xef: {  	v3 =	vmax.f32 v3, $0.0e+00;
	v62 =	vadd.f32 v11, v9  }
0xf0: {  	[tilespmem:s23+$0x8520] =	vst v3;
	v3 =	vmax.f32 v5, $0.0e+00;
	v63 =	vadd.f32 v8, v61  }
0xf1: {  	[tilespmem:s22+$0x8530] =	vst v3;
	v3 =	vmax.f32 v62, $0.0e+00;
	v4 =	vadd.f32 v12, v4  }
0xf2: {  	[tilespmem:s22+$0x8500] =	vst v3;
	v3 =	vmax.f32 v63, $0.0e+00  }
.Ltmp3:
0xf3: {  	[tilespmem:s22+$0x8510] =	vst v3;
	v3 =	vmax.f32 v4, $0.0e+00;
	(pc) =	sbr.rel @p1 .LBB2_10-.Ltmp3, $4  }
0xf4: {  	[tilespmem:s22+$0x8520] =	vst v3  }
0xf5: {  	[spmem:s5] =	stream.indirect.scatter.add.f32 [tilespmem:s15], [sflag:$0x7], $0x40, s14, s1, $0xb8;
	[tilespmem:$0x1BD00] =	vst v63  }
0xf6: {  	s26 =	simm.s32 @!p0 $0xC500;
	s23 =	simm.s32 @!p0 $0x300;
	s22 =	simm.s32 @!p0 $0x80  }
0xf7: {  	[spmem:s6] =	stream.indirect.scatter.add.f32 @!p0 [tilespmem:s26], [sflag:$0x9], $0x10, s23, s22, $0xb8;
	[tilespmem:$0x1BD00] =	vst v63  }
0xf8: {  	s22 =	sshll.u32 s25, $0x8;
	s23 =	rddreg [dreg:$0x17]  }
0xf9: {  	s22 =	sadd.s32 s22, s23  }
0xfa: {  	s22 =	sshrl.u32 s22, $0x3  }
0xfb: {  	s26 =	simm.s32 $0x0;
	s23 =	sadd.s32 s2, s22  }
0xfc: {  	[tilespmem:s1], [sflag:$0x2] =	stream.linear.gather [hbm4b:s23+s26], $0x80, $0x38;
	[tilespmem:$0x1BD00] =	vst v63  }
0xfd: {  	s22 =	sadd.s32 s3, s22;
	s23 =	simm.s32 $0x180  }
0xfe: {  	[tilespmem:s23], [sflag:$0x2] =	stream.linear.gather [hbm4b:s22+s26], $0x80, $0x38;
	[tilespmem:$0x1BD00] =	vst v63  }
0xff: {  	_ =	swait.ge [sflag:s20], $0x2000  }
0x100: {  	[sflag:s20] =	ssyncset.done $0x0  }
0x101: {  	s22 =	simm.s32 @!p0 $0x9;
	[sflag:s20] =	ssyncadd.s32 $0xFFFFE000  }
0x102: {  	_ =	swait.ge @!p0 [sflag:s22], $0x800  }
0x103: {  	[sflag:s22] =	ssyncset.done @!p0 $0x0  }
0x104: {  	[sflag:s22] =	ssyncadd.s32 @!p0 $0xFFFFF800  }
0x105: {  	_ =	swait.ge [sflag:s11], $0x80  }
0x106: {  	[sflag:s11] =	ssyncset.done $0x0  }
0x107: {  	[sflag:s11] =	ssyncadd.s32 $0xFFFFFF80  }
0x108: {  	_ =	swait.ge [sflag:s11], $0x80  }
0x109: {  	[sflag:s11] =	ssyncset.done $0x0  }
0x10a: {  	[sflag:s11] =	ssyncadd.s32 $0xFFFFFF80  }
0x10b: {  	v3 =	vld [tilespmem:$0x0]  }
0x10c: {  	v4 =	vld [tilespmem:$0x100]  }
0x10d: {  	v6 =	vld [tilespmem:$0x110]  }
0x10e: {  	v55 =	vld [tilespmem:$0x120]  }
0x10f: {  	v57 =	vld [tilespmem:$0x130]  }
0x110: {  	v58 =	vld [tilespmem:$0x140]  }
0x111: {  	v60 =	vld [tilespmem:$0x150];
	[tilespmem:$0x300] =	vst v4  }
0x112: {  	v61 =	vld [tilespmem:$0x160];
	v3 =	vadd.s32 v0, v3;
	[tilespmem:$0x310] =	vst v6  }
0x113: {  	[tilespmem:$0x200] =	vst v3;
	v3 =	vld [tilespmem:$0x20]  }
0x114: {  	[tilespmem:$0x320] =	vst v55  }
0x115: {  	v63 =	vld [tilespmem:$0x170];
	[tilespmem:$0x330] =	vst v57  }
0x116: {  	v5 =	vld [tilespmem:$0x10];
	[tilespmem:$0x340] =	vst v58  }
0x117: {  	[tilespmem:$0x350] =	vst v60  }
0x118: {  	[tilespmem:$0x360] =	vst v61;
	v3 =	vadd.s32 v0, v3  }
0x119: {  	[tilespmem:$0x220] =	vst v3;
	v3 =	vld [tilespmem:$0x40]  }
0x11a: {  	v56 =	vld [tilespmem:$0x30];
	v4 =	vadd.s32 v0, v4;
	[tilespmem:$0x370] =	vst v63  }
0x11b: {  	v54 =	vadd.s32 v0, v5;
	[tilespmem:$0x400] =	vst v4  }
0x11c: {  	v6 =	vadd.s32 v0, v6;
	[tilespmem:$0x210] =	vst v54  }
0x11d: {  	v59 =	vld [tilespmem:$0x50];
	v5 =	vadd.s32 v0, v55;
	[tilespmem:$0x410] =	vst v6  }
0x11e: {  	[tilespmem:$0x420] =	vst v5;
	v3 =	vadd.s32 v0, v3  }
0x11f: {  	v4 =	vadd.s32 v0, v56;
	[tilespmem:$0x240] =	vst v3;
	v3 =	vld [tilespmem:$0x60]  }
0x120: {  	v6 =	vadd.s32 v0, v57;
	[tilespmem:$0x230] =	vst v4  }
0x121: {  	v62 =	vld [tilespmem:$0x70];
	v5 =	vadd.s32 v0, v58;
	[tilespmem:$0x430] =	vst v6  }
0x122: {  	[tilespmem:$0x440] =	vst v5;
	v4 =	vadd.s32 v0, v59  }
0x123: {  	v6 =	vadd.s32 v0, v60;
	[tilespmem:$0x250] =	vst v4  }
0x124: {  	[tilespmem:$0x450] =	vst v6;
	v3 =	vadd.s32 v0, v3  }
0x125: {  	[tilespmem:$0x260] =	vst v3;
	v3 =	vadd.s32 v0, v61  }
0x126: {  	[tilespmem:$0x460] =	vst v3;
	v3 =	vadd.s32 v0, v62  }
0x127: {  	[tilespmem:$0x270] =	vst v3;
	v3 =	vadd.s32 v0, v63  }
0x128: {  	s23 =	simm.s32 $0x400;
	s26 =	simm.s32 $0x500;
	[tilespmem:$0x470] =	vst v3  }
0x129: {  	[tilespmem:s26], [sflag:$0x3] =	stream.indirect.gather [hbm4b:s0+s12], $0x40, s23, s12, $0xb8;
	[tilespmem:$0x1BD00] =	vst v63  }
0x12a: {  	s23 =	simm.s32 $0x200;
	s26 =	simm.s32 $0x4500  }
0x12b: {  	[tilespmem:s26], [sflag:$0x5] =	stream.indirect.gather [hbm4b:s8+s12], $0x40, s23, s12, $0xb8;
	[tilespmem:$0x1BD00] =	vst v63  }
0x12c: {  	s23 =	simm.s32 $0x440;
	s26 =	simm.s32 $0x1500  }
0x12d: {  	[tilespmem:s26], [sflag:$0x3] =	stream.indirect.gather [hbm4b:s0+s12], $0x40, s23, s12, $0xb8;
	[tilespmem:$0x1BD00] =	vst v63  }
0x12e: {  	s23 =	simm.s32 $0x240;
	s26 =	simm.s32 $0x5500  }
0x12f: {  	[tilespmem:s26], [sflag:$0x5] =	stream.indirect.gather [hbm4b:s8+s12], $0x40, s23, s12, $0xb8;
	[tilespmem:$0x1BD00] =	vst v63  }
.LBB2_10:
0x130: {  	_ =	swait.ge [sflag:s16], $0x1000  }
0x131: {  	[sflag:s16] =	ssyncset.done $0x0  }
0x132: {  	[sflag:s16] =	ssyncadd.s32 $0xFFFFF000  }
0x133: {  	_ =	swait.ge [sflag:s16], $0x1000  }
0x134: {  	[sflag:s16] =	ssyncset.done $0x0  }
0x135: {  	[sflag:s16] =	ssyncadd.s32 $0xFFFFF000  }
0x136: {  	_ =	swait.ge [sflag:s17], $0x1000  }
0x137: {  	[sflag:s17] =	ssyncset.done $0x0  }
0x138: {  	[sflag:s17] =	ssyncadd.s32 $0xFFFFF000  }
0x139: {  	_ =	swait.ge [sflag:s17], $0x1000  }
0x13a: {  	[sflag:s17] =	ssyncset.done $0x0  }
0x13b: {  	s23 =	simm.s32 $0x0;
	[sflag:s17] =	ssyncadd.s32 $0xFFFFF000  }
0x13c: {  	v5 =	vld [tilespmem:s23+$0x2530]  }
0x13d: {  	v6 =	vld [tilespmem:s23+$0x6530]  }
0x13e: {  	v8 =	vld [tilespmem:s23+$0x2500]  }
0x13f: {  	v9 =	vld [tilespmem:s23+$0x6500]  }
0x140: {  	v4 =	vld [tilespmem:s23+$0x2510]  }
0x141: {  	v7 =	vld [tilespmem:s23+$0x6510]  }
0x142: {  	v3 =	vld [tilespmem:s23+$0x2520];
	v10 =	vadd.f32 v6, v5  }
0x143: {  	s22 =	simm.s32 $0x40;
	v6 =	vld [tilespmem:s23+$0x6520]  }
0x144: {  	s26 =	simm.s32 $0x200;
	v5 =	vld [tilespmem:s22+$0x2530];
	v8 =	vadd.f32 v9, v8;
	v9 =	vmax.f32 v10, $0.0e+00  }
.LBB2_11:
0x145: {  	p1 =	sne.s32 s26, $0x7F00;
	v10 =	vld [tilespmem:s22+$0x6530];
	[tilespmem:s23+$0xA530] =	vst v9  }
0x146: {  	v9 =	vld [tilespmem:s22+$0x2500];
	v8 =	vmax.f32 v8, $0.0e+00;
	v7 =	vadd.f32 v7, v4  }
0x147: {  	v11 =	vld [tilespmem:s22+$0x6500];
	[tilespmem:s23+$0xA500] =	vst v8  }
.Ltmp4:
0x148: {  	v4 =	vld [tilespmem:s22+$0x2510];
	v8 =	vmax.f32 v7, $0.0e+00;
	v6 =	vadd.f32 v6, v3;
	(pc) =	sbr.rel @p1 .LBB2_11-.Ltmp4, $4  }
0x149: {  	v7 =	vld [tilespmem:s22+$0x6510];
	[tilespmem:s23+$0xA510] =	vst v8  }
0x14a: {  	v3 =	vld [tilespmem:s22+$0x2520];
	v10 =	vadd.f32 v10, v5;
	v5 =	vmax.f32 v6, $0.0e+00  }
0x14b: {  	v6 =	vld [tilespmem:s22+$0x6520];
	[tilespmem:s23+$0xA520] =	vst v5;
	s23 =	smov.u32 s22;
	s22 =	sshra.s32 s26, $0x2  }
0x14c: {  	s26 =	sadd.s32 $0x100, s26;
	v5 =	vld [tilespmem:s22+$0x2530];
	v8 =	vadd.f32 v11, v9;
	v9 =	vmax.f32 v10, $0.0e+00  }
0x14d: {  	v10 =	vld [tilespmem:s22+$0x6530];
	[tilespmem:s23+$0xA530] =	vst v9  }
0x14e: {  	v9 =	vld [tilespmem:s22+$0x2500];
	v8 =	vmax.f32 v8, $0.0e+00;
	v4 =	vadd.f32 v7, v4  }
0x14f: {  	v11 =	vld [tilespmem:s22+$0x6500];
	[tilespmem:s23+$0xA500] =	vst v8  }
0x150: {  	v61 =	vld [tilespmem:s22+$0x2510];
	v4 =	vmax.f32 v4, $0.0e+00  }
0x151: {  	v8 =	vld [tilespmem:s22+$0x6510];
	[tilespmem:s23+$0xA510] =	vst v4  }
0x152: {  	v4 =	vld [tilespmem:s22+$0x2520]  }
0x153: {  	v12 =	vld [tilespmem:s22+$0x6520]  }
0x154: {  	v3 =	vadd.f32 v6, v3  }
0x155: {  	v5 =	vadd.f32 v10, v5  }
0x156: {  	v3 =	vmax.f32 v3, $0.0e+00;
	v62 =	vadd.f32 v11, v9  }
0x157: {  	[tilespmem:s23+$0xA520] =	vst v3;
	v3 =	vmax.f32 v5, $0.0e+00;
	v63 =	vadd.f32 v8, v61  }
0x158: {  	s25 =	sadd.s32 $0x1, s25;
	[tilespmem:s22+$0xA530] =	vst v3;
	v3 =	vmax.f32 v62, $0.0e+00;
	v4 =	vadd.f32 v12, v4  }
0x159: {  	p1 =	sne.s32 s25, $0x4F;
	[tilespmem:s22+$0xA500] =	vst v3;
	v3 =	vmax.f32 v63, $0.0e+00  }
.Ltmp5:
0x15a: {  	[tilespmem:s22+$0xA510] =	vst v3;
	v3 =	vmax.f32 v4, $0.0e+00;
	(pc) =	sbr.rel @p1 .LBB2_4-.Ltmp5, $4  }
0x15b: {  	[tilespmem:s22+$0xA520] =	vst v3  }
0x15c: {  	[spmem:s5] =	stream.indirect.scatter.add.f32 [tilespmem:s19], [sflag:$0x8], $0x40, s18, s1, $0xb8;
	[tilespmem:$0x1BD00] =	vst v63  }
0x15d: {  	s26 =	simm.s32 @!p0 $0xC500;
	s23 =	simm.s32 @!p0 $0x380;
	s22 =	simm.s32 @!p0 $0x80  }
0x15e: {  	[spmem:s6] =	stream.indirect.scatter.add.f32 @!p0 [tilespmem:s26], [sflag:$0xA], $0x10, s23, s22, $0xb8;
	[tilespmem:$0x1BD00] =	vst v63  }
0x15f: {  	_ =	swait.ge [sflag:s20], $0x2000  }
0x160: {  	[sflag:s20] =	ssyncset.done $0x0  }
0x161: {  	s22 =	simm.s32 @p0 $0x8;
	[sflag:s20] =	ssyncadd.s32 $0xFFFFE000  }
0x162: {  	_ =	swait.ge @p0 [sflag:s22], $0x2000  }
0x163: {  	[sflag:s22] =	ssyncset.done @p0 $0x0  }
0x164: {  	[sflag:s22] =	ssyncadd.s32 @p0 $0xFFFFE000;
	s22 =	simm.s32 @!p0 $0x9  }
0x165: {  	_ =	swait.ge @!p0 [sflag:s22], $0x800  }
0x166: {  	[sflag:s22] =	ssyncset.done @!p0 $0x0  }
0x167: {  	[sflag:s22] =	ssyncadd.s32 @!p0 $0xFFFFF800;
	s22 =	simm.s32 @!p0 $0x8  }
0x168: {  	_ =	swait.ge @!p0 [sflag:s22], $0x2000  }
0x169: {  	[sflag:s22] =	ssyncset.done @!p0 $0x0  }
0x16a: {  	[sflag:s22] =	ssyncadd.s32 @!p0 $0xFFFFE000;
	s22 =	simm.s32 @!p0 $0xA  }
0x16b: {  	_ =	swait.ge @!p0 [sflag:s22], $0x800  }
0x16c: {  	[sflag:s22] =	ssyncset.done @!p0 $0x0  }
0x16d: {  	[sflag:s22] =	ssyncadd.s32 @!p0 $0xFFFFF800  }
0x16e: {  	s26 =	stileid.u32;
	[bflag:$0x0] =	sbarrier.arrive $0xFFFF  }
0x16f: {  	s22 =	sshll.u32 s26, $0x6;
	s26 =	rddreg [dreg:$0x8]  }
0x170: {  	s22 =	sor.u32 $0x1C0B, s22;
	s25 =	rddreg [dreg:$0x18];
	s23 =	sshrl.u32 s26, $0x3  }
0x171: {  	[hbm:s25], [sflag:s22] =	dma.local [spmem:s23], $0x1400  }
0x172: {  	_ =	swait.ge [sflag:s30], $0x1400  }
0x173: {  	[sflag:s30] =	ssyncset.done $0x0;
	s23 =	rddreg [dreg:$0x9]  }
0x174: {  	s25 =	rddreg [dreg:$0x12];
	[sflag:s30] =	ssyncadd.s32 $0xFFFFEC00;
	s23 =	sshrl.u32 @!p0 s23, $0x3  }
0x175: {  	[hbm:s25], [sflag:s22] =	dma.local @!p0 [spmem:s23], $0x500  }
0x176: {  	s22 =	simm.s32 @!p0 $0xB  }
0x177: {  	_ =	swait.ge @!p0 [sflag:s22], $0x500  }
0x178: {  	s23 =	rddreg [dreg:$0x1a]  }
0x179: {  	s25 =	sadd.s32 $0x1, s23;
	s23 =	rddreg [dreg:$0x19]  }
0x17a: {  	p1 =	sne.s32 s25, s23  }
.Ltmp6:
0x17b: {  	_ = 	snop;
	(pc) =	sbr.rel @p1 .LBB2_1-.Ltmp6, $3  }
0x17c: {  	_ =	sdelay $0x1  }
0x17d: {  	[sflag:s22] =	ssyncset.done @!p0 $0x0  }
0x17e: {  	[sflag:s22] =	ssyncadd.s32 @!p0 $0xFFFFFB00  }
0x17f: {  	_ =	sfence.sel $0x180000  }
0x180: {  	[bflag:$0x0] =	sbarrier.arrive $0xFFFF  }
0x181: {  	_ =	strace $0x90000047  }
0x182: {  	s0 =	stileid.u32;
	[bflag:$0x2] =	sbarrier.arrive $0xFFFF  }
0x183: {  	p0 =	sne.s32 s0, $0x0;
	s0 =	rddreg [dreg:$0x7]  }
0x184: {  	s0 =	sadd.s32 @!p0 $0x100000, s0  }
0x185: {  	[sflag:s0] =	ssyncadd.tile.s32 @!p0 $0x1;
	_ =	shalt  }
.Lfunc_end2:
_tile_overlayer_lowered:
.L_overlay_start_2:
0x186: {  	(tag) =	ssettag $0x2  }
0x187: {  	s0 =	rddreg [dreg:$0x0];
	s2 =	stileid.u32  }
0x188: {  	s1 =	rddreg [dreg:$0x1];
	p0 =	sne.s32 s2, $0x0  }
0x189: {  	s3 =	rddreg [dreg:$0x2];
	[bflag:$0x3] =	sbarrier.arrive $0xFFFF;
	s2 =	simm.s32 @!p0 $0x1C0B  }
0x18a: {  	[timem:s3], [sflag:s2] =	dma.local @!p0 [hbm:s0], s1  }
0x18b: {  	s0 =	simm.s32 @!p0 $0xB  }
0x18c: {  	_ =	swait.ge @!p0 [sflag:s0], s1  }
0x18d: {  	s1 =	ssub.s32 @!p0 $0x0, s1;
	[sflag:s0] =	ssyncset.done @!p0 $0x0  }
0x18e: {  	[sflag:s0] =	ssyncadd.s32 @!p0 s1  }
0x18f: {  	[bflag:$0x3] =	sbarrier.arrive $0xFFFF  }
0x190: {  	_ =	shalt  }

</sc_bundles>
